<compile_context>
chip_gen: v7x
topology: tpu7x:2x2x1
jax: 0.10.2.dev20260603
libtpu: 0.0.44.dev20260713+nightly
codegen_flags: <defaults>
</compile_context>

<pallas_src>
import jax
import jax.numpy as jnp
from jax.experimental import pallas as pl

B = 4
N = 207
EMB = 100
K = 10
P = 168
L = 12
D_TSF = 96
NN = N * N
KK = K * N
RB = 8
NPAD = 208


def _bn_ncl(x, g, b, eps=1e-5):
    m = x.mean(axis=(0, 2), keepdims=True)
    v = x.var(axis=(0, 2), keepdims=True)
    return (x - m) / jnp.sqrt(v + eps) * g[None, :, None] + b[None, :, None]


def _bn_nd(x, g, b, eps=1e-5):
    m = x.mean(axis=0)
    v = x.var(axis=0)
    return (x - m) / jnp.sqrt(v + eps) * g + b


def _conv1d(x, w):
    return jax.lax.conv_general_dilated(x, w, (1,), 'VALID',
                                        dimension_numbers=('NCH', 'OIH', 'NCH'))



def _edge_kernel(s_ref, r_ref, bo_ref, wc_ref, bc_ref, u_ref, log_ref, samp_ref):
    pid = pl.program_id(0)
    s = s_ref[...]
    cols = jax.lax.broadcasted_iota(jnp.int32, (1, N), 1)
    for i in range(RB):
        h = jax.nn.relu(s + r_ref[i:i + 1, :] + bo_ref[...])
        logits = jnp.dot(h, wc_ref[...]) + bc_ref[...]
        log_ref[i:i + 1, :, :] = logits.reshape(1, N, 2)
        l0 = logits[:, 0].reshape(1, N)
        l1 = logits[:, 1].reshape(1, N)
        offdiag = (cols != pid * RB + i).astype(jnp.float32)
        for b in range(B):
            u0 = u_ref[b, i:i + 1, :, 0]
            u1 = u_ref[b, i:i + 1, :, 1]
            g0 = -jnp.log(-jnp.log(u0 + 1e-20) + 1e-20)
            g1 = -jnp.log(-jnp.log(u1 + 1e-20) + 1e-20)
            z0 = (l0 + g0) * 2.0
            z1 = (l1 + g1) * 2.0
            m = jnp.maximum(z0, z1)
            e0 = jnp.exp(z0 - m)
            e1 = jnp.exp(z1 - m)
            y0 = e0 / (e0 + e1)
            hard = (z0 >= z1).astype(jnp.float32)
            samp_ref[b, i:i + 1, :] = ((hard - y0) + y0) * offdiag


def _sr_kernel(gf_ref, ws_ref, wr_ref, s_ref, r_ref):
    gf = gf_ref[...]
    s_ref[...] = jnp.dot(gf, ws_ref[...])
    r_ref[...] = jnp.dot(gf, wr_ref[...])


def _edge_and_sample(gf, fc_out_w, fc_out_b, fc_cat_w, fc_cat_b, u):
    s, r = pl.pallas_call(
        _sr_kernel,
        out_shape=(jax.ShapeDtypeStruct((N, EMB), jnp.float32),
                   jax.ShapeDtypeStruct((N, EMB), jnp.float32)),
    )(gf, fc_out_w[:EMB], fc_out_w[EMB:])
    r_pad = jnp.pad(r, ((0, NPAD - N), (0, 0)))
    u_pad = jnp.pad(u.reshape(B, N, N, 2), ((0, 0), (0, NPAD - N), (0, 0), (0, 0)))
    grid = NPAD // RB
    logits, samp = pl.pallas_call(
        _edge_kernel,
        grid=(grid,),
        in_specs=[pl.BlockSpec((N, EMB), lambda i: (0, 0)),
                  pl.BlockSpec((RB, EMB), lambda i: (i, 0)),
                  pl.BlockSpec((1, EMB), lambda i: (0, 0)),
                  pl.BlockSpec((EMB, 2), lambda i: (0, 0)),
                  pl.BlockSpec((1, 2), lambda i: (0, 0)),
                  pl.BlockSpec((B, RB, N, 2), lambda i: (0, i, 0, 0))],
        out_specs=(pl.BlockSpec((RB, N, 2), lambda i: (i, 0, 0)),
                   pl.BlockSpec((B, RB, N), lambda i: (0, i, 0))),
        out_shape=(jax.ShapeDtypeStruct((NPAD, N, 2), jnp.float32),
                   jax.ShapeDtypeStruct((B, NPAD, N), jnp.float32)),
    )(s, r_pad, fc_out_b.reshape(1, EMB), fc_cat_w, fc_cat_b.reshape(1, 2), u_pad)
    bern = jnp.broadcast_to(logits[:N].reshape(1, NN, 2), (B, NN, 2))
    sampled = samp[:, :N, :]
    return bern, sampled



def _knn_kernel(sim_ref, od_ref, adj_ref):
    flat = sim_ref[...]
    bits = jax.lax.bitcast_convert_type(flat, jnp.uint32)
    neg = (bits >> 31) != 0
    kv = jnp.where(neg, ~bits, bits | jnp.uint32(0x80000000))
    prefix = jnp.zeros((B, 1), jnp.uint32)
    for bit in range(31, -1, -1):
        cand = prefix | jnp.uint32(1 << bit)
        himask = jnp.uint32((0xFFFFFFFF >> bit) << bit)
        cnt = jnp.sum(((kv & himask) >= cand).astype(jnp.int32), axis=1, keepdims=True)
        prefix = jnp.where(cnt >= KK, cand, prefix)
    kstar = prefix
    n_greater = jnp.sum((kv > kstar).astype(jnp.int32), axis=1, keepdims=True)
    t = KK - n_greater
    tie = kv == kstar
    idx = jax.lax.broadcasted_iota(jnp.int32, (B, NN), 1)
    p2 = jnp.zeros((B, 1), jnp.int32)
    for bit in range(16, -1, -1):
        cand = p2 + jnp.int32(1 << bit)
        cnt = jnp.sum((tie & (idx < cand)).astype(jnp.int32), axis=1, keepdims=True)
        p2 = jnp.where(cnt < t, cand, p2)
    sel = (kv > kstar) | (tie & (idx <= p2) & (t > 0))
    keep = sel & (flat != 0.0) & (od_ref[...] != 0)
    adj_ref[...] = keep.astype(jnp.float32)


def _adj_knn(sim):
    flat = sim.reshape(B, NN)
    offdiag = (1.0 - jnp.eye(N, dtype=jnp.float32)).reshape(1, NN)
    adj = pl.pallas_call(
        _knn_kernel,
        in_specs=[pl.BlockSpec((B, NN), lambda: (0, 0)),
                  pl.BlockSpec((1, NN), lambda: (0, 0))],
        out_specs=pl.BlockSpec((B, NN), lambda: (0, 0)),
        out_shape=jax.ShapeDtypeStruct((B, NN), jnp.float32),
    )(flat, offdiag)
    return adj.reshape(B, N, N)



def kernel(long_term_history, node_feats, conv1_w, conv1_b, conv2_w, conv2_b,
           bn1_g, bn1_b, bn2_g, bn2_b, bn3_g, bn3_b, fc_w, fc_b,
           fc_mean_w, fc_mean_b, fc_out_w, fc_out_b, fc_cat_w, fc_cat_b,
           tsf_w, tsf_b):
    gf = node_feats.T.reshape(N, 1, -1)
    gf = _conv1d(gf, conv1_w) + conv1_b[None, :, None]
    gf = jax.nn.relu(gf)
    gf = _bn_ncl(gf, bn1_g, bn1_b)
    gf = _conv1d(gf, conv2_w) + conv2_b[None, :, None]
    gf = jax.nn.relu(gf)
    gf = _bn_ncl(gf, bn2_g, bn2_b)
    gf = gf.reshape(N, -1)
    gf = jax.nn.relu(gf @ fc_w + fc_b)
    gf = _bn_nd(gf, bn3_g, bn3_b)

    xx = long_term_history[..., 0].reshape(B, P, L, N)
    xx = jnp.transpose(xx, (0, 3, 1, 2))
    hidden_states = xx @ tsf_w + tsf_b

    u = jax.random.uniform(jax.random.key(42), (B, NN, 2), minval=0.0, maxval=1.0)
    bern, sampled_adj = _edge_and_sample(gf, fc_out_w, fc_out_b,
                                         fc_cat_w, fc_cat_b, u)

    d = hidden_states.reshape(B, N, -1)
    dn = d / (jnp.linalg.norm(d, axis=-1, keepdims=True) + 1e-10)
    sim = dn @ jnp.swapaxes(dn, -1, -2)

    adj_knn = _adj_knn(sim)

    return (bern, hidden_states, adj_knn, sampled_adj)

# --- scband reference (transcript-rebuilt; emitter-appended) ---
"""Pipeline reference for scband-discrete-graph-learning-71914932404433 (READ-ONLY COPY).

The authoritative reference and input builder live on the scoring server;
editing this copy changes nothing except your own understanding.
"""

import jax, jax.numpy as jnp
import numpy as np

B = 4
NUM_NODES = 207
TRAIN_LEN = 23990
DIM_FC = 383552
EMB = 100
DIM_FC_MEAN = 16128
K = 10
P = 168
L = 12
D_TSF = 96

def _conv1d(x, w):
    return jax.lax.conv_general_dilated(x, w, (1,), 'VALID', dimension_numbers=('NCH', 'OIH', 'NCH'))

def _bn_ncl(x, g, b, eps=1e-5):
    m = x.mean(axis=(0, 2), keepdims=True)
    v = x.var(axis=(0, 2), keepdims=True)
    return (x - m) / jnp.sqrt(v + eps) * g[None, :, None] + b[None, :, None]

def _bn_nd(x, g, b, eps=1e-5):
    m = x.mean(axis=0)
    v = x.var(axis=0)
    return (x - m) / jnp.sqrt(v + eps) * g + b

def _gumbel_softmax_hard(logits, temperature, key):
    u = jax.random.uniform(key, logits.shape, minval=0.0, maxval=1.0)
    g = -jnp.log(-jnp.log(u + 1e-20) + 1e-20)
    y_soft = jax.nn.softmax((logits + g) / temperature, axis=-1)
    idx = jnp.argmax(y_soft, axis=-1)
    y_hard = jax.nn.one_hot(idx, logits.shape[-1], dtype=y_soft.dtype)
    return jax.lax.stop_gradient(y_hard - y_soft) + y_soft

def _forward(long_term_history, node_feats, conv1_w, conv1_b, conv2_w, conv2_b, bn1_g, bn1_b, bn2_g, bn2_b, bn3_g, bn3_b, fc_w, fc_b, fc_mean_w, fc_mean_b, fc_out_w, fc_out_b, fc_cat_w, fc_cat_b, tsf_w, tsf_b):
    batch_size = long_term_history.shape[0]
    N = NUM_NODES
    gf = node_feats.T.reshape(N, 1, -1)
    gf = _conv1d(gf, conv1_w) + conv1_b[None, :, None]
    gf = jax.nn.relu(gf)
    gf = _bn_ncl(gf, bn1_g, bn1_b)
    gf = _conv1d(gf, conv2_w) + conv2_b[None, :, None]
    gf = jax.nn.relu(gf)
    gf = _bn_ncl(gf, bn2_g, bn2_b)
    gf = gf.reshape(N, -1)
    gf = jax.nn.relu(gf @ fc_w + fc_b)
    gf = _bn_nd(gf, bn3_g, bn3_b)
    global_feat = jnp.broadcast_to(gf[None], (batch_size, N, EMB))
    # surrogate TSFormer: patchify time axis into P patches of length L, linear-project to d
    x = long_term_history[..., 0]
    x = x.reshape(batch_size, P, L, N)
    x = jnp.transpose(x, (0, 3, 1, 2))
    hidden_states = x @ tsf_w + tsf_b
    dynamic_feat = jax.nn.relu(hidden_states.reshape(batch_size, N, -1) @ fc_mean_w + fc_mean_b)
    node_feat = global_feat
    idx_rec = jnp.repeat(jnp.arange(N), N)
    idx_send = jnp.tile(jnp.arange(N), N)
    receivers = node_feat[:, idx_rec, :]
    senders = node_feat[:, idx_send, :]
    edge_feat = jnp.concatenate([senders, receivers], axis=-1)
    edge_feat = jax.nn.relu(edge_feat @ fc_out_w + fc_out_b)
    bernoulli_unnorm = edge_feat @ fc_cat_w + fc_cat_b
    y = _gumbel_softmax_hard(bernoulli_unnorm, 0.5, jax.random.key(42))
    sampled_adj = y[..., 0].reshape(batch_size, N, N)
    eye = jnp.eye(N)[None]
    sampled_adj = sampled_adj * (1.0 - eye)
    d = hidden_states.reshape(batch_size, N, -1)
    dn = d / (jnp.linalg.norm(d, axis=-1, keepdims=True) + 1e-10)
    sim = dn @ jnp.swapaxes(dn, -1, -2)
    adj = sim.reshape(batch_size, N * N)
    vals, idx = jax.lax.top_k(adj, K * N)
    res = jnp.zeros_like(adj).at[jnp.arange(batch_size)[:, None], idx].set(vals)
    adj_knn = jnp.where(res != 0, 1.0, 0.0)
    adj_knn = jax.lax.stop_gradient(adj_knn).reshape(batch_size, N, N)
    adj_knn = adj_knn * (1.0 - eye)
    return (bernoulli_unnorm, hidden_states, adj_knn, sampled_adj)

def setup_inputs(seed: int = 0):
    key = jax.random.key(seed)
    ks = jax.random.split(key, 24)
    inp = {}
    inp['long_term_history'] = jax.random.normal(ks[0], (B, P * L, NUM_NODES, 3), dtype=jnp.float32)
    inp['node_feats'] = jax.random.normal(ks[1], (TRAIN_LEN, NUM_NODES), dtype=jnp.float32)
    inp['conv1_w'] = jax.random.normal(ks[2], (8, 1, 10), dtype=jnp.float32) * 0.3
    inp['conv1_b'] = jnp.zeros((8,), dtype=jnp.float32)
    inp['conv2_w'] = jax.random.normal(ks[3], (16, 8, 10), dtype=jnp.float32) * 0.1
    inp['conv2_b'] = jnp.zeros((16,), dtype=jnp.float32)
    inp['bn1_g'] = jnp.ones((8,), dtype=jnp.float32)
    inp['bn1_b'] = jnp.zeros((8,), dtype=jnp.float32)
    inp['bn2_g'] = jnp.ones((16,), dtype=jnp.float32)
    inp['bn2_b'] = jnp.zeros((16,), dtype=jnp.float32)
    inp['bn3_g'] = jnp.ones((EMB,), dtype=jnp.float32)
    inp['bn3_b'] = jnp.zeros((EMB,), dtype=jnp.float32)
    inp['fc_w'] = jax.random.normal(ks[4], (DIM_FC, EMB), dtype=jnp.float32) * 0.002
    inp['fc_b'] = jnp.zeros((EMB,), dtype=jnp.float32)
    inp['fc_mean_w'] = jax.random.normal(ks[5], (DIM_FC_MEAN, 100), dtype=jnp.float32) * 0.01
    inp['fc_mean_b'] = jnp.zeros((100,), dtype=jnp.float32)
    inp['fc_out_w'] = jax.random.normal(ks[6], (2 * EMB, EMB), dtype=jnp.float32) * 0.07
    inp['fc_out_b'] = jnp.zeros((EMB,), dtype=jnp.float32)
    inp['fc_cat_w'] = jax.random.normal(ks[7], (EMB, 2), dtype=jnp.float32) * 0.1
    inp['fc_cat_b'] = jnp.zeros((2,), dtype=jnp.float32)
    inp['tsf_w'] = jax.random.normal(ks[8], (L, D_TSF), dtype=jnp.float32) * 0.2
    inp['tsf_b'] = jnp.zeros((D_TSF,), dtype=jnp.float32)
    return inp

def reference(long_term_history, node_feats, conv1_w, conv1_b, conv2_w, conv2_b, bn1_g, bn1_b, bn2_g, bn2_b, bn3_g, bn3_b, fc_w, fc_b, fc_mean_w, fc_mean_b, fc_out_w, fc_out_b, fc_cat_w, fc_cat_b, tsf_w, tsf_b):
    return _forward(long_term_history, node_feats, conv1_w, conv1_b, conv2_w, conv2_b, bn1_g, bn1_b, bn2_g, bn2_b, bn3_g, bn3_b, fc_w, fc_b, fc_mean_w, fc_mean_b, fc_out_w, fc_out_b, fc_cat_w, fc_cat_b, tsf_w, tsf_b)

if __name__ == "__main__":
    import jax
    _d = setup_inputs()
    print(jax.jit(kernel)(*tuple(_d.values())))

</pallas_src>

<mosaic_0001>
module attributes {stable_mosaic.version = 14 : i64} {
  func.func @_knn_kernel(%arg0: memref<4x42849xf32, #tpu.memory_space<vmem>>, %arg1: memref<1x42849xf32, #tpu.memory_space<vmem>>, %arg2: memref<4x42849xf32, #tpu.memory_space<vmem>>) attributes {dimension_semantics = [], scalar_prefetch = 0 : i64, scratch_operands = 0 : i64, tpu.core_type = #tpu.core_type<tc>} {
    %get3A = arith.constant 0 : index
    %get3A_0 = arith.constant 0 : index
    %get3A_1 = vector.load %arg0[%get3A, %get3A_0] : memref<4x42849xf32, #tpu.memory_space<vmem>>, vector<4x42849xf32>
    %bitcast_convert_type3A = tpu.bitcast %get3A_1 : vector<4x42849xf32> -> vector<4x42849xi32>
    %shift_right_logical3A = arith.constant 31 : i32
    %shift_right_logical3A_2 = vector.broadcast %shift_right_logical3A : i32 to vector<4x42849xi32>
    %shift_right_logical3A_3 = arith.shrui %bitcast_convert_type3A, %shift_right_logical3A_2 : vector<4x42849xi32>
    %ne3A = arith.constant 0 : i32
    %ne3A_4 = vector.broadcast %ne3A : i32 to vector<4x42849xi32>
    %ne3A_5 = arith.cmpi ne, %shift_right_logical3A_3, %ne3A_4 : vector<4x42849xi32>
    %not3A = arith.constant dense<-1> : vector<4x42849xi32>
    %not3A_6 = arith.xori %bitcast_convert_type3A, %not3A : vector<4x42849xi32>
    %or3A = arith.constant -2147483648 : i32
    %or3A_7 = vector.broadcast %or3A : i32 to vector<4x42849xi32>
    %or3A_8 = arith.ori %bitcast_convert_type3A, %or3A_7 : vector<4x42849xi32>
    %select_n3A = arith.select %ne3A_5, %not3A_6, %or3A_8 : vector<4x42849xi1>, vector<4x42849xi32>
    %broadcast_in_dim3A = arith.constant 0 : i32
    %broadcast_in_dim3A_9 = vector.broadcast %broadcast_in_dim3A : i32 to vector<4x1xi32>
    %or3A_10 = arith.constant -2147483648 : i32
    %or3A_11 = vector.broadcast %or3A_10 : i32 to vector<4x1xi32>
    %or3A_12 = arith.ori %broadcast_in_dim3A_9, %or3A_11 : vector<4x1xi32>
    %and3A = arith.constant -2147483648 : i32
    %and3A_13 = vector.broadcast %and3A : i32 to vector<4x42849xi32>
    %and3A_14 = arith.andi %select_n3A, %and3A_13 : vector<4x42849xi32>
    %ge3A = vector.broadcast %or3A_12 : vector<4x1xi32> to vector<4x42849xi32>
    %ge3A_15 = arith.cmpi uge, %and3A_14, %ge3A : vector<4x42849xi32>
    %convert_element_type3A = arith.extui %ge3A_15 : vector<4x42849xi1> to vector<4x42849xi32>
    %reduce_sum3A = arith.constant dense<0> : vector<4xi32>
    %reduce_sum3A_16 = vector.multi_reduction <add>, %convert_element_type3A, %reduce_sum3A [1] : vector<4x42849xi32> to vector<4xi32>
    %broadcast_in_dim3A_17 = vector.shape_cast %reduce_sum3A_16 : vector<4xi32> to vector<4x1xi32>
    %ge3A_18 = arith.constant 2070 : i32
    %ge3A_19 = vector.broadcast %ge3A_18 : i32 to vector<4x1xi32>
    %ge3A_20 = arith.cmpi sge, %broadcast_in_dim3A_17, %ge3A_19 : vector<4x1xi32>
    %select_n3A_21 = arith.select %ge3A_20, %or3A_12, %broadcast_in_dim3A_9 : vector<4x1xi1>, vector<4x1xi32>
    %or3A_22 = arith.constant 1073741824 : i32
    %or3A_23 = vector.broadcast %or3A_22 : i32 to vector<4x1xi32>
    %or3A_24 = arith.ori %select_n3A_21, %or3A_23 : vector<4x1xi32>
    %and3A_25 = arith.constant -1073741824 : i32
    %and3A_26 = vector.broadcast %and3A_25 : i32 to vector<4x42849xi32>
    %and3A_27 = arith.andi %select_n3A, %and3A_26 : vector<4x42849xi32>
    %ge3A_28 = vector.broadcast %or3A_24 : vector<4x1xi32> to vector<4x42849xi32>
    %ge3A_29 = arith.cmpi uge, %and3A_27, %ge3A_28 : vector<4x42849xi32>
    %convert_element_type3A_30 = arith.extui %ge3A_29 : vector<4x42849xi1> to vector<4x42849xi32>
    %reduce_sum3A_31 = arith.constant dense<0> : vector<4xi32>
    %reduce_sum3A_32 = vector.multi_reduction <add>, %convert_element_type3A_30, %reduce_sum3A_31 [1] : vector<4x42849xi32> to vector<4xi32>
    %broadcast_in_dim3A_33 = vector.shape_cast %reduce_sum3A_32 : vector<4xi32> to vector<4x1xi32>
    %ge3A_34 = arith.constant 2070 : i32
    %ge3A_35 = vector.broadcast %ge3A_34 : i32 to vector<4x1xi32>
    %ge3A_36 = arith.cmpi sge, %broadcast_in_dim3A_33, %ge3A_35 : vector<4x1xi32>
    %select_n3A_37 = arith.select %ge3A_36, %or3A_24, %select_n3A_21 : vector<4x1xi1>, vector<4x1xi32>
    %or3A_38 = arith.constant 536870912 : i32
    %or3A_39 = vector.broadcast %or3A_38 : i32 to vector<4x1xi32>
    %or3A_40 = arith.ori %select_n3A_37, %or3A_39 : vector<4x1xi32>
    %and3A_41 = arith.constant -536870912 : i32
    %and3A_42 = vector.broadcast %and3A_41 : i32 to vector<4x42849xi32>
    %and3A_43 = arith.andi %select_n3A, %and3A_42 : vector<4x42849xi32>
    %ge3A_44 = vector.broadcast %or3A_40 : vector<4x1xi32> to vector<4x42849xi32>
    %ge3A_45 = arith.cmpi uge, %and3A_43, %ge3A_44 : vector<4x42849xi32>
    %convert_element_type3A_46 = arith.extui %ge3A_45 : vector<4x42849xi1> to vector<4x42849xi32>
    %reduce_sum3A_47 = arith.constant dense<0> : vector<4xi32>
    %reduce_sum3A_48 = vector.multi_reduction <add>, %convert_element_type3A_46, %reduce_sum3A_47 [1] : vector<4x42849xi32> to vector<4xi32>
    %broadcast_in_dim3A_49 = vector.shape_cast %reduce_sum3A_48 : vector<4xi32> to vector<4x1xi32>
    %ge3A_50 = arith.constant 2070 : i32
    %ge3A_51 = vector.broadcast %ge3A_50 : i32 to vector<4x1xi32>
    %ge3A_52 = arith.cmpi sge, %broadcast_in_dim3A_49, %ge3A_51 : vector<4x1xi32>
    %select_n3A_53 = arith.select %ge3A_52, %or3A_40, %select_n3A_37 : vector<4x1xi1>, vector<4x1xi32>
    %or3A_54 = arith.constant 268435456 : i32
    %or3A_55 = vector.broadcast %or3A_54 : i32 to vector<4x1xi32>
    %or3A_56 = arith.ori %select_n3A_53, %or3A_55 : vector<4x1xi32>
    %and3A_57 = arith.constant -268435456 : i32
    %and3A_58 = vector.broadcast %and3A_57 : i32 to vector<4x42849xi32>
    %and3A_59 = arith.andi %select_n3A, %and3A_58 : vector<4x42849xi32>
    %ge3A_60 = vector.broadcast %or3A_56 : vector<4x1xi32> to vector<4x42849xi32>
    %ge3A_61 = arith.cmpi uge, %and3A_59, %ge3A_60 : vector<4x42849xi32>
    %convert_element_type3A_62 = arith.extui %ge3A_61 : vector<4x42849xi1> to vector<4x42849xi32>
    %reduce_sum3A_63 = arith.constant dense<0> : vector<4xi32>
    %reduce_sum3A_64 = vector.multi_reduction <add>, %convert_element_type3A_62, %reduce_sum3A_63 [1] : vector<4x42849xi32> to vector<4xi32>
    %broadcast_in_dim3A_65 = vector.shape_cast %reduce_sum3A_64 : vector<4xi32> to vector<4x1xi32>
    %ge3A_66 = arith.constant 2070 : i32
    %ge3A_67 = vector.broadcast %ge3A_66 : i32 to vector<4x1xi32>
    %ge3A_68 = arith.cmpi sge, %broadcast_in_dim3A_65, %ge3A_67 : vector<4x1xi32>
    %select_n3A_69 = arith.select %ge3A_68, %or3A_56, %select_n3A_53 : vector<4x1xi1>, vector<4x1xi32>
    %or3A_70 = arith.constant 134217728 : i32
    %or3A_71 = vector.broadcast %or3A_70 : i32 to vector<4x1xi32>
    %or3A_72 = arith.ori %select_n3A_69, %or3A_71 : vector<4x1xi32>
    %and3A_73 = arith.constant -134217728 : i32
    %and3A_74 = vector.broadcast %and3A_73 : i32 to vector<4x42849xi32>
    %and3A_75 = arith.andi %select_n3A, %and3A_74 : vector<4x42849xi32>
    %ge3A_76 = vector.broadcast %or3A_72 : vector<4x1xi32> to vector<4x42849xi32>
    %ge3A_77 = arith.cmpi uge, %and3A_75, %ge3A_76 : vector<4x42849xi32>
    %convert_element_type3A_78 = arith.extui %ge3A_77 : vector<4x42849xi1> to vector<4x42849xi32>
    %reduce_sum3A_79 = arith.constant dense<0> : vector<4xi32>
    %reduce_sum3A_80 = vector.multi_reduction <add>, %convert_element_type3A_78, %reduce_sum3A_79 [1] : vector<4x42849xi32> to vector<4xi32>
    %broadcast_in_dim3A_81 = vector.shape_cast %reduce_sum3A_80 : vector<4xi32> to vector<4x1xi32>
    %ge3A_82 = arith.constant 2070 : i32
    %ge3A_83 = vector.broadcast %ge3A_82 : i32 to vector<4x1xi32>
    %ge3A_84 = arith.cmpi sge, %broadcast_in_dim3A_81, %ge3A_83 : vector<4x1xi32>
    %select_n3A_85 = arith.select %ge3A_84, %or3A_72, %select_n3A_69 : vector<4x1xi1>, vector<4x1xi32>
    %or3A_86 = arith.constant 67108864 : i32
    %or3A_87 = vector.broadcast %or3A_86 : i32 to vector<4x1xi32>
    %or3A_88 = arith.ori %select_n3A_85, %or3A_87 : vector<4x1xi32>
    %and3A_89 = arith.constant -67108864 : i32
    %and3A_90 = vector.broadcast %and3A_89 : i32 to vector<4x42849xi32>
    %and3A_91 = arith.andi %select_n3A, %and3A_90 : vector<4x42849xi32>
    %ge3A_92 = vector.broadcast %or3A_88 : vector<4x1xi32> to vector<4x42849xi32>
    %ge3A_93 = arith.cmpi uge, %and3A_91, %ge3A_92 : vector<4x42849xi32>
    %convert_element_type3A_94 = arith.extui %ge3A_93 : vector<4x42849xi1> to vector<4x42849xi32>
    %reduce_sum3A_95 = arith.constant dense<0> : vector<4xi32>
    %reduce_sum3A_96 = vector.multi_reduction <add>, %convert_element_type3A_94, %reduce_sum3A_95 [1] : vector<4x42849xi32> to vector<4xi32>
    %broadcast_in_dim3A_97 = vector.shape_cast %reduce_sum3A_96 : vector<4xi32> to vector<4x1xi32>
    %ge3A_98 = arith.constant 2070 : i32
    %ge3A_99 = vector.broadcast %ge3A_98 : i32 to vector<4x1xi32>
    %ge3A_100 = arith.cmpi sge, %broadcast_in_dim3A_97, %ge3A_99 : vector<4x1xi32>
    %select_n3A_101 = arith.select %ge3A_100, %or3A_88, %select_n3A_85 : vector<4x1xi1>, vector<4x1xi32>
    %or3A_102 = arith.constant 33554432 : i32
    %or3A_103 = vector.broadcast %or3A_102 : i32 to vector<4x1xi32>
    %or3A_104 = arith.ori %select_n3A_101, %or3A_103 : vector<4x1xi32>
    %and3A_105 = arith.constant -33554432 : i32
    %and3A_106 = vector.broadcast %and3A_105 : i32 to vector<4x42849xi32>
    %and3A_107 = arith.andi %select_n3A, %and3A_106 : vector<4x42849xi32>
    %ge3A_108 = vector.broadcast %or3A_104 : vector<4x1xi32> to vector<4x42849xi32>
    %ge3A_109 = arith.cmpi uge, %and3A_107, %ge3A_108 : vector<4x42849xi32>
    %convert_element_type3A_110 = arith.extui %ge3A_109 : vector<4x42849xi1> to vector<4x42849xi32>
    %reduce_sum3A_111 = arith.constant dense<0> : vector<4xi32>
    %reduce_sum3A_112 = vector.multi_reduction <add>, %convert_element_type3A_110, %reduce_sum3A_111 [1] : vector<4x42849xi32> to vector<4xi32>
    %broadcast_in_dim3A_113 = vector.shape_cast %reduce_sum3A_112 : vector<4xi32> to vector<4x1xi32>
    %ge3A_114 = arith.constant 2070 : i32
    %ge3A_115 = vector.broadcast %ge3A_114 : i32 to vector<4x1xi32>
    %ge3A_116 = arith.cmpi sge, %broadcast_in_dim3A_113, %ge3A_115 : vector<4x1xi32>
    %select_n3A_117 = arith.select %ge3A_116, %or3A_104, %select_n3A_101 : vector<4x1xi1>, vector<4x1xi32>
    %or3A_118 = arith.constant 16777216 : i32
    %or3A_119 = vector.broadcast %or3A_118 : i32 to vector<4x1xi32>
    %or3A_120 = arith.ori %select_n3A_117, %or3A_119 : vector<4x1xi32>
    %and3A_121 = arith.constant -16777216 : i32
    %and3A_122 = vector.broadcast %and3A_121 : i32 to vector<4x42849xi32>
    %and3A_123 = arith.andi %select_n3A, %and3A_122 : vector<4x42849xi32>
    %ge3A_124 = vector.broadcast %or3A_120 : vector<4x1xi32> to vector<4x42849xi32>
    %ge3A_125 = arith.cmpi uge, %and3A_123, %ge3A_124 : vector<4x42849xi32>
    %convert_element_type3A_126 = arith.extui %ge3A_125 : vector<4x42849xi1> to vector<4x42849xi32>
    %reduce_sum3A_127 = arith.constant dense<0> : vector<4xi32>
    %reduce_sum3A_128 = vector.multi_reduction <add>, %convert_element_type3A_126, %reduce_sum3A_127 [1] : vector<4x42849xi32> to vector<4xi32>
    %broadcast_in_dim3A_129 = vector.shape_cast %reduce_sum3A_128 : vector<4xi32> to vector<4x1xi32>
    %ge3A_130 = arith.constant 2070 : i32
    %ge3A_131 = vector.broadcast %ge3A_130 : i32 to vector<4x1xi32>
    %ge3A_132 = arith.cmpi sge, %broadcast_in_dim3A_129, %ge3A_131 : vector<4x1xi32>
    %select_n3A_133 = arith.select %ge3A_132, %or3A_120, %select_n3A_117 : vector<4x1xi1>, vector<4x1xi32>
    %or3A_134 = arith.constant 8388608 : i32
    %or3A_135 = vector.broadcast %or3A_134 : i32 to vector<4x1xi32>
    %or3A_136 = arith.ori %select_n3A_133, %or3A_135 : vector<4x1xi32>
    %and3A_137 = arith.constant -8388608 : i32
    %and3A_138 = vector.broadcast %and3A_137 : i32 to vector<4x42849xi32>
    %and3A_139 = arith.andi %select_n3A, %and3A_138 : vector<4x42849xi32>
    %ge3A_140 = vector.broadcast %or3A_136 : vector<4x1xi32> to vector<4x42849xi32>
    %ge3A_141 = arith.cmpi uge, %and3A_139, %ge3A_140 : vector<4x42849xi32>
    %convert_element_type3A_142 = arith.extui %ge3A_141 : vector<4x42849xi1> to vector<4x42849xi32>
    %reduce_sum3A_143 = arith.constant dense<0> : vector<4xi32>
    %reduce_sum3A_144 = vector.multi_reduction <add>, %convert_element_type3A_142, %reduce_sum3A_143 [1] : vector<4x42849xi32> to vector<4xi32>
    %broadcast_in_dim3A_145 = vector.shape_cast %reduce_sum3A_144 : vector<4xi32> to vector<4x1xi32>
    %ge3A_146 = arith.constant 2070 : i32
    %ge3A_147 = vector.broadcast %ge3A_146 : i32 to vector<4x1xi32>
    %ge3A_148 = arith.cmpi sge, %broadcast_in_dim3A_145, %ge3A_147 : vector<4x1xi32>
    %select_n3A_149 = arith.select %ge3A_148, %or3A_136, %select_n3A_133 : vector<4x1xi1>, vector<4x1xi32>
    %or3A_150 = arith.constant 4194304 : i32
    %or3A_151 = vector.broadcast %or3A_150 : i32 to vector<4x1xi32>
    %or3A_152 = arith.ori %select_n3A_149, %or3A_151 : vector<4x1xi32>
    %and3A_153 = arith.constant -4194304 : i32
    %and3A_154 = vector.broadcast %and3A_153 : i32 to vector<4x42849xi32>
    %and3A_155 = arith.andi %select_n3A, %and3A_154 : vector<4x42849xi32>
    %ge3A_156 = vector.broadcast %or3A_152 : vector<4x1xi32> to vector<4x42849xi32>
    %ge3A_157 = arith.cmpi uge, %and3A_155, %ge3A_156 : vector<4x42849xi32>
    %convert_element_type3A_158 = arith.extui %ge3A_157 : vector<4x42849xi1> to vector<4x42849xi32>
    %reduce_sum3A_159 = arith.constant dense<0> : vector<4xi32>
    %reduce_sum3A_160 = vector.multi_reduction <add>, %convert_element_type3A_158, %reduce_sum3A_159 [1] : vector<4x42849xi32> to vector<4xi32>
    %broadcast_in_dim3A_161 = vector.shape_cast %reduce_sum3A_160 : vector<4xi32> to vector<4x1xi32>
    %ge3A_162 = arith.constant 2070 : i32
    %ge3A_163 = vector.broadcast %ge3A_162 : i32 to vector<4x1xi32>
    %ge3A_164 = arith.cmpi sge, %broadcast_in_dim3A_161, %ge3A_163 : vector<4x1xi32>
    %select_n3A_165 = arith.select %ge3A_164, %or3A_152, %select_n3A_149 : vector<4x1xi1>, vector<4x1xi32>
    %or3A_166 = arith.constant 2097152 : i32
    %or3A_167 = vector.broadcast %or3A_166 : i32 to vector<4x1xi32>
    %or3A_168 = arith.ori %select_n3A_165, %or3A_167 : vector<4x1xi32>
    %and3A_169 = arith.constant -2097152 : i32
    %and3A_170 = vector.broadcast %and3A_169 : i32 to vector<4x42849xi32>
    %and3A_171 = arith.andi %select_n3A, %and3A_170 : vector<4x42849xi32>
    %ge3A_172 = vector.broadcast %or3A_168 : vector<4x1xi32> to vector<4x42849xi32>
    %ge3A_173 = arith.cmpi uge, %and3A_171, %ge3A_172 : vector<4x42849xi32>
    %convert_element_type3A_174 = arith.extui %ge3A_173 : vector<4x42849xi1> to vector<4x42849xi32>
    %reduce_sum3A_175 = arith.constant dense<0> : vector<4xi32>
    %reduce_sum3A_176 = vector.multi_reduction <add>, %convert_element_type3A_174, %reduce_sum3A_175 [1] : vector<4x42849xi32> to vector<4xi32>
    %broadcast_in_dim3A_177 = vector.shape_cast %reduce_sum3A_176 : vector<4xi32> to vector<4x1xi32>
    %ge3A_178 = arith.constant 2070 : i32
    %ge3A_179 = vector.broadcast %ge3A_178 : i32 to vector<4x1xi32>
    %ge3A_180 = arith.cmpi sge, %broadcast_in_dim3A_177, %ge3A_179 : vector<4x1xi32>
    %select_n3A_181 = arith.select %ge3A_180, %or3A_168, %select_n3A_165 : vector<4x1xi1>, vector<4x1xi32>
    %or3A_182 = arith.constant 1048576 : i32
    %or3A_183 = vector.broadcast %or3A_182 : i32 to vector<4x1xi32>
    %or3A_184 = arith.ori %select_n3A_181, %or3A_183 : vector<4x1xi32>
    %and3A_185 = arith.constant -1048576 : i32
    %and3A_186 = vector.broadcast %and3A_185 : i32 to vector<4x42849xi32>
    %and3A_187 = arith.andi %select_n3A, %and3A_186 : vector<4x42849xi32>
    %ge3A_188 = vector.broadcast %or3A_184 : vector<4x1xi32> to vector<4x42849xi32>
    %ge3A_189 = arith.cmpi uge, %and3A_187, %ge3A_188 : vector<4x42849xi32>
    %convert_element_type3A_190 = arith.extui %ge3A_189 : vector<4x42849xi1> to vector<4x42849xi32>
    %reduce_sum3A_191 = arith.constant dense<0> : vector<4xi32>
    %reduce_sum3A_192 = vector.multi_reduction <add>, %convert_element_type3A_190, %reduce_sum3A_191 [1] : vector<4x42849xi32> to vector<4xi32>
    %broadcast_in_dim3A_193 = vector.shape_cast %reduce_sum3A_192 : vector<4xi32> to vector<4x1xi32>
    %ge3A_194 = arith.constant 2070 : i32
    %ge3A_195 = vector.broadcast %ge3A_194 : i32 to vector<4x1xi32>
    %ge3A_196 = arith.cmpi sge, %broadcast_in_dim3A_193, %ge3A_195 : vector<4x1xi32>
    %select_n3A_197 = arith.select %ge3A_196, %or3A_184, %select_n3A_181 : vector<4x1xi1>, vector<4x1xi32>
    %or3A_198 = arith.constant 524288 : i32
    %or3A_199 = vector.broadcast %or3A_198 : i32 to vector<4x1xi32>
    %or3A_200 = arith.ori %select_n3A_197, %or3A_199 : vector<4x1xi32>
    %and3A_201 = arith.constant -524288 : i32
    %and3A_202 = vector.broadcast %and3A_201 : i32 to vector<4x42849xi32>
    %and3A_203 = arith.andi %select_n3A, %and3A_202 : vector<4x42849xi32>
    %ge3A_204 = vector.broadcast %or3A_200 : vector<4x1xi32> to vector<4x42849xi32>
    %ge3A_205 = arith.cmpi uge, %and3A_203, %ge3A_204 : vector<4x42849xi32>
    %convert_element_type3A_206 = arith.extui %ge3A_205 : vector<4x42849xi1> to vector<4x42849xi32>
    %reduce_sum3A_207 = arith.constant dense<0> : vector<4xi32>
    %reduce_sum3A_208 = vector.multi_reduction <add>, %convert_element_type3A_206, %reduce_sum3A_207 [1] : vector<4x42849xi32> to vector<4xi32>
    %broadcast_in_dim3A_209 = vector.shape_cast %reduce_sum3A_208 : vector<4xi32> to vector<4x1xi32>
    %ge3A_210 = arith.constant 2070 : i32
    %ge3A_211 = vector.broadcast %ge3A_210 : i32 to vector<4x1xi32>
    %ge3A_212 = arith.cmpi sge, %broadcast_in_dim3A_209, %ge3A_211 : vector<4x1xi32>
    %select_n3A_213 = arith.select %ge3A_212, %or3A_200, %select_n3A_197 : vector<4x1xi1>, vector<4x1xi32>
    %or3A_214 = arith.constant 262144 : i32
    %or3A_215 = vector.broadcast %or3A_214 : i32 to vector<4x1xi32>
    %or3A_216 = arith.ori %select_n3A_213, %or3A_215 : vector<4x1xi32>
    %and3A_217 = arith.constant -262144 : i32
    %and3A_218 = vector.broadcast %and3A_217 : i32 to vector<4x42849xi32>
    %and3A_219 = arith.andi %select_n3A, %and3A_218 : vector<4x42849xi32>
    %ge3A_220 = vector.broadcast %or3A_216 : vector<4x1xi32> to vector<4x42849xi32>
    %ge3A_221 = arith.cmpi uge, %and3A_219, %ge3A_220 : vector<4x42849xi32>
    %convert_element_type3A_222 = arith.extui %ge3A_221 : vector<4x42849xi1> to vector<4x42849xi32>
    %reduce_sum3A_223 = arith.constant dense<0> : vector<4xi32>
    %reduce_sum3A_224 = vector.multi_reduction <add>, %convert_element_type3A_222, %reduce_sum3A_223 [1] : vector<4x42849xi32> to vector<4xi32>
    %broadcast_in_dim3A_225 = vector.shape_cast %reduce_sum3A_224 : vector<4xi32> to vector<4x1xi32>
    %ge3A_226 = arith.constant 2070 : i32
    %ge3A_227 = vector.broadcast %ge3A_226 : i32 to vector<4x1xi32>
    %ge3A_228 = arith.cmpi sge, %broadcast_in_dim3A_225, %ge3A_227 : vector<4x1xi32>
    %select_n3A_229 = arith.select %ge3A_228, %or3A_216, %select_n3A_213 : vector<4x1xi1>, vector<4x1xi32>
    %or3A_230 = arith.constant 131072 : i32
    %or3A_231 = vector.broadcast %or3A_230 : i32 to vector<4x1xi32>
    %or3A_232 = arith.ori %select_n3A_229, %or3A_231 : vector<4x1xi32>
    %and3A_233 = arith.constant -131072 : i32
    %and3A_234 = vector.broadcast %and3A_233 : i32 to vector<4x42849xi32>
    %and3A_235 = arith.andi %select_n3A, %and3A_234 : vector<4x42849xi32>
    %ge3A_236 = vector.broadcast %or3A_232 : vector<4x1xi32> to vector<4x42849xi32>
    %ge3A_237 = arith.cmpi uge, %and3A_235, %ge3A_236 : vector<4x42849xi32>
    %convert_element_type3A_238 = arith.extui %ge3A_237 : vector<4x42849xi1> to vector<4x42849xi32>
    %reduce_sum3A_239 = arith.constant dense<0> : vector<4xi32>
    %reduce_sum3A_240 = vector.multi_reduction <add>, %convert_element_type3A_238, %reduce_sum3A_239 [1] : vector<4x42849xi32> to vector<4xi32>
    %broadcast_in_dim3A_241 = vector.shape_cast %reduce_sum3A_240 : vector<4xi32> to vector<4x1xi32>
    %ge3A_242 = arith.constant 2070 : i32
    %ge3A_243 = vector.broadcast %ge3A_242 : i32 to vector<4x1xi32>
    %ge3A_244 = arith.cmpi sge, %broadcast_in_dim3A_241, %ge3A_243 : vector<4x1xi32>
    %select_n3A_245 = arith.select %ge3A_244, %or3A_232, %select_n3A_229 : vector<4x1xi1>, vector<4x1xi32>
    %or3A_246 = arith.constant 65536 : i32
    %or3A_247 = vector.broadcast %or3A_246 : i32 to vector<4x1xi32>
    %or3A_248 = arith.ori %select_n3A_245, %or3A_247 : vector<4x1xi32>
    %and3A_249 = arith.constant -65536 : i32
    %and3A_250 = vector.broadcast %and3A_249 : i32 to vector<4x42849xi32>
    %and3A_251 = arith.andi %select_n3A, %and3A_250 : vector<4x42849xi32>
    %ge3A_252 = vector.broadcast %or3A_248 : vector<4x1xi32> to vector<4x42849xi32>
    %ge3A_253 = arith.cmpi uge, %and3A_251, %ge3A_252 : vector<4x42849xi32>
    %convert_element_type3A_254 = arith.extui %ge3A_253 : vector<4x42849xi1> to vector<4x42849xi32>
    %reduce_sum3A_255 = arith.constant dense<0> : vector<4xi32>
    %reduce_sum3A_256 = vector.multi_reduction <add>, %convert_element_type3A_254, %reduce_sum3A_255 [1] : vector<4x42849xi32> to vector<4xi32>
    %broadcast_in_dim3A_257 = vector.shape_cast %reduce_sum3A_256 : vector<4xi32> to vector<4x1xi32>
    %ge3A_258 = arith.constant 2070 : i32
    %ge3A_259 = vector.broadcast %ge3A_258 : i32 to vector<4x1xi32>
    %ge3A_260 = arith.cmpi sge, %broadcast_in_dim3A_257, %ge3A_259 : vector<4x1xi32>
    %select_n3A_261 = arith.select %ge3A_260, %or3A_248, %select_n3A_245 : vector<4x1xi1>, vector<4x1xi32>
    %or3A_262 = arith.constant 32768 : i32
    %or3A_263 = vector.broadcast %or3A_262 : i32 to vector<4x1xi32>
    %or3A_264 = arith.ori %select_n3A_261, %or3A_263 : vector<4x1xi32>
    %and3A_265 = arith.constant -32768 : i32
    %and3A_266 = vector.broadcast %and3A_265 : i32 to vector<4x42849xi32>
    %and3A_267 = arith.andi %select_n3A, %and3A_266 : vector<4x42849xi32>
    %ge3A_268 = vector.broadcast %or3A_264 : vector<4x1xi32> to vector<4x42849xi32>
    %ge3A_269 = arith.cmpi uge, %and3A_267, %ge3A_268 : vector<4x42849xi32>
    %convert_element_type3A_270 = arith.extui %ge3A_269 : vector<4x42849xi1> to vector<4x42849xi32>
    %reduce_sum3A_271 = arith.constant dense<0> : vector<4xi32>
    %reduce_sum3A_272 = vector.multi_reduction <add>, %convert_element_type3A_270, %reduce_sum3A_271 [1] : vector<4x42849xi32> to vector<4xi32>
    %broadcast_in_dim3A_273 = vector.shape_cast %reduce_sum3A_272 : vector<4xi32> to vector<4x1xi32>
    %ge3A_274 = arith.constant 2070 : i32
    %ge3A_275 = vector.broadcast %ge3A_274 : i32 to vector<4x1xi32>
    %ge3A_276 = arith.cmpi sge, %broadcast_in_dim3A_273, %ge3A_275 : vector<4x1xi32>
    %select_n3A_277 = arith.select %ge3A_276, %or3A_264, %select_n3A_261 : vector<4x1xi1>, vector<4x1xi32>
    %or3A_278 = arith.constant 16384 : i32
    %or3A_279 = vector.broadcast %or3A_278 : i32 to vector<4x1xi32>
    %or3A_280 = arith.ori %select_n3A_277, %or3A_279 : vector<4x1xi32>
    %and3A_281 = arith.constant -16384 : i32
    %and3A_282 = vector.broadcast %and3A_281 : i32 to vector<4x42849xi32>
    %and3A_283 = arith.andi %select_n3A, %and3A_282 : vector<4x42849xi32>
    %ge3A_284 = vector.broadcast %or3A_280 : vector<4x1xi32> to vector<4x42849xi32>
    %ge3A_285 = arith.cmpi uge, %and3A_283, %ge3A_284 : vector<4x42849xi32>
    %convert_element_type3A_286 = arith.extui %ge3A_285 : vector<4x42849xi1> to vector<4x42849xi32>
    %reduce_sum3A_287 = arith.constant dense<0> : vector<4xi32>
    %reduce_sum3A_288 = vector.multi_reduction <add>, %convert_element_type3A_286, %reduce_sum3A_287 [1] : vector<4x42849xi32> to vector<4xi32>
    %broadcast_in_dim3A_289 = vector.shape_cast %reduce_sum3A_288 : vector<4xi32> to vector<4x1xi32>
    %ge3A_290 = arith.constant 2070 : i32
    %ge3A_291 = vector.broadcast %ge3A_290 : i32 to vector<4x1xi32>
    %ge3A_292 = arith.cmpi sge, %broadcast_in_dim3A_289, %ge3A_291 : vector<4x1xi32>
    %select_n3A_293 = arith.select %ge3A_292, %or3A_280, %select_n3A_277 : vector<4x1xi1>, vector<4x1xi32>
    %or3A_294 = arith.constant 8192 : i32
    %or3A_295 = vector.broadcast %or3A_294 : i32 to vector<4x1xi32>
    %or3A_296 = arith.ori %select_n3A_293, %or3A_295 : vector<4x1xi32>
    %and3A_297 = arith.constant -8192 : i32
    %and3A_298 = vector.broadcast %and3A_297 : i32 to vector<4x42849xi32>
    %and3A_299 = arith.andi %select_n3A, %and3A_298 : vector<4x42849xi32>
    %ge3A_300 = vector.broadcast %or3A_296 : vector<4x1xi32> to vector<4x42849xi32>
    %ge3A_301 = arith.cmpi uge, %and3A_299, %ge3A_300 : vector<4x42849xi32>
    %convert_element_type3A_302 = arith.extui %ge3A_301 : vector<4x42849xi1> to vector<4x42849xi32>
    %reduce_sum3A_303 = arith.constant dense<0> : vector<4xi32>
    %reduce_sum3A_304 = vector.multi_reduction <add>, %convert_element_type3A_302, %reduce_sum3A_303 [1] : vector<4x42849xi32> to vector<4xi32>
    %broadcast_in_dim3A_305 = vector.shape_cast %reduce_sum3A_304 : vector<4xi32> to vector<4x1xi32>
    %ge3A_306 = arith.constant 2070 : i32
    %ge3A_307 = vector.broadcast %ge3A_306 : i32 to vector<4x1xi32>
    %ge3A_308 = arith.cmpi sge, %broadcast_in_dim3A_305, %ge3A_307 : vector<4x1xi32>
    %select_n3A_309 = arith.select %ge3A_308, %or3A_296, %select_n3A_293 : vector<4x1xi1>, vector<4x1xi32>
    %or3A_310 = arith.constant 4096 : i32
    %or3A_311 = vector.broadcast %or3A_310 : i32 to vector<4x1xi32>
    %or3A_312 = arith.ori %select_n3A_309, %or3A_311 : vector<4x1xi32>
    %and3A_313 = arith.constant -4096 : i32
    %and3A_314 = vector.broadcast %and3A_313 : i32 to vector<4x42849xi32>
    %and3A_315 = arith.andi %select_n3A, %and3A_314 : vector<4x42849xi32>
    %ge3A_316 = vector.broadcast %or3A_312 : vector<4x1xi32> to vector<4x42849xi32>
    %ge3A_317 = arith.cmpi uge, %and3A_315, %ge3A_316 : vector<4x42849xi32>
    %convert_element_type3A_318 = arith.extui %ge3A_317 : vector<4x42849xi1> to vector<4x42849xi32>
    %reduce_sum3A_319 = arith.constant dense<0> : vector<4xi32>
    %reduce_sum3A_320 = vector.multi_reduction <add>, %convert_element_type3A_318, %reduce_sum3A_319 [1] : vector<4x42849xi32> to vector<4xi32>
    %broadcast_in_dim3A_321 = vector.shape_cast %reduce_sum3A_320 : vector<4xi32> to vector<4x1xi32>
    %ge3A_322 = arith.constant 2070 : i32
    %ge3A_323 = vector.broadcast %ge3A_322 : i32 to vector<4x1xi32>
    %ge3A_324 = arith.cmpi sge, %broadcast_in_dim3A_321, %ge3A_323 : vector<4x1xi32>
    %select_n3A_325 = arith.select %ge3A_324, %or3A_312, %select_n3A_309 : vector<4x1xi1>, vector<4x1xi32>
    %or3A_326 = arith.constant 2048 : i32
    %or3A_327 = vector.broadcast %or3A_326 : i32 to vector<4x1xi32>
    %or3A_328 = arith.ori %select_n3A_325, %or3A_327 : vector<4x1xi32>
    %and3A_329 = arith.constant -2048 : i32
    %and3A_330 = vector.broadcast %and3A_329 : i32 to vector<4x42849xi32>
    %and3A_331 = arith.andi %select_n3A, %and3A_330 : vector<4x42849xi32>
    %ge3A_332 = vector.broadcast %or3A_328 : vector<4x1xi32> to vector<4x42849xi32>
    %ge3A_333 = arith.cmpi uge, %and3A_331, %ge3A_332 : vector<4x42849xi32>
    %convert_element_type3A_334 = arith.extui %ge3A_333 : vector<4x42849xi1> to vector<4x42849xi32>
    %reduce_sum3A_335 = arith.constant dense<0> : vector<4xi32>
    %reduce_sum3A_336 = vector.multi_reduction <add>, %convert_element_type3A_334, %reduce_sum3A_335 [1] : vector<4x42849xi32> to vector<4xi32>
    %broadcast_in_dim3A_337 = vector.shape_cast %reduce_sum3A_336 : vector<4xi32> to vector<4x1xi32>
    %ge3A_338 = arith.constant 2070 : i32
    %ge3A_339 = vector.broadcast %ge3A_338 : i32 to vector<4x1xi32>
    %ge3A_340 = arith.cmpi sge, %broadcast_in_dim3A_337, %ge3A_339 : vector<4x1xi32>
    %select_n3A_341 = arith.select %ge3A_340, %or3A_328, %select_n3A_325 : vector<4x1xi1>, vector<4x1xi32>
    %or3A_342 = arith.constant 1024 : i32
    %or3A_343 = vector.broadcast %or3A_342 : i32 to vector<4x1xi32>
    %or3A_344 = arith.ori %select_n3A_341, %or3A_343 : vector<4x1xi32>
    %and3A_345 = arith.constant -1024 : i32
    %and3A_346 = vector.broadcast %and3A_345 : i32 to vector<4x42849xi32>
    %and3A_347 = arith.andi %select_n3A, %and3A_346 : vector<4x42849xi32>
    %ge3A_348 = vector.broadcast %or3A_344 : vector<4x1xi32> to vector<4x42849xi32>
    %ge3A_349 = arith.cmpi uge, %and3A_347, %ge3A_348 : vector<4x42849xi32>
    %convert_element_type3A_350 = arith.extui %ge3A_349 : vector<4x42849xi1> to vector<4x42849xi32>
    %reduce_sum3A_351 = arith.constant dense<0> : vector<4xi32>
    %reduce_sum3A_352 = vector.multi_reduction <add>, %convert_element_type3A_350, %reduce_sum3A_351 [1] : vector<4x42849xi32> to vector<4xi32>
    %broadcast_in_dim3A_353 = vector.shape_cast %reduce_sum3A_352 : vector<4xi32> to vector<4x1xi32>
    %ge3A_354 = arith.constant 2070 : i32
    %ge3A_355 = vector.broadcast %ge3A_354 : i32 to vector<4x1xi32>
    %ge3A_356 = arith.cmpi sge, %broadcast_in_dim3A_353, %ge3A_355 : vector<4x1xi32>
    %select_n3A_357 = arith.select %ge3A_356, %or3A_344, %select_n3A_341 : vector<4x1xi1>, vector<4x1xi32>
    %or3A_358 = arith.constant 512 : i32
    %or3A_359 = vector.broadcast %or3A_358 : i32 to vector<4x1xi32>
    %or3A_360 = arith.ori %select_n3A_357, %or3A_359 : vector<4x1xi32>
    %and3A_361 = arith.constant -512 : i32
    %and3A_362 = vector.broadcast %and3A_361 : i32 to vector<4x42849xi32>
    %and3A_363 = arith.andi %select_n3A, %and3A_362 : vector<4x42849xi32>
    %ge3A_364 = vector.broadcast %or3A_360 : vector<4x1xi32> to vector<4x42849xi32>
    %ge3A_365 = arith.cmpi uge, %and3A_363, %ge3A_364 : vector<4x42849xi32>
    %convert_element_type3A_366 = arith.extui %ge3A_365 : vector<4x42849xi1> to vector<4x42849xi32>
    %reduce_sum3A_367 = arith.constant dense<0> : vector<4xi32>
    %reduce_sum3A_368 = vector.multi_reduction <add>, %convert_element_type3A_366, %reduce_sum3A_367 [1] : vector<4x42849xi32> to vector<4xi32>
    %broadcast_in_dim3A_369 = vector.shape_cast %reduce_sum3A_368 : vector<4xi32> to vector<4x1xi32>
    %ge3A_370 = arith.constant 2070 : i32
    %ge3A_371 = vector.broadcast %ge3A_370 : i32 to vector<4x1xi32>
    %ge3A_372 = arith.cmpi sge, %broadcast_in_dim3A_369, %ge3A_371 : vector<4x1xi32>
    %select_n3A_373 = arith.select %ge3A_372, %or3A_360, %select_n3A_357 : vector<4x1xi1>, vector<4x1xi32>
    %or3A_374 = arith.constant 256 : i32
    %or3A_375 = vector.broadcast %or3A_374 : i32 to vector<4x1xi32>
    %or3A_376 = arith.ori %select_n3A_373, %or3A_375 : vector<4x1xi32>
    %and3A_377 = arith.constant -256 : i32
    %and3A_378 = vector.broadcast %and3A_377 : i32 to vector<4x42849xi32>
    %and3A_379 = arith.andi %select_n3A, %and3A_378 : vector<4x42849xi32>
    %ge3A_380 = vector.broadcast %or3A_376 : vector<4x1xi32> to vector<4x42849xi32>
    %ge3A_381 = arith.cmpi uge, %and3A_379, %ge3A_380 : vector<4x42849xi32>
    %convert_element_type3A_382 = arith.extui %ge3A_381 : vector<4x42849xi1> to vector<4x42849xi32>
    %reduce_sum3A_383 = arith.constant dense<0> : vector<4xi32>
    %reduce_sum3A_384 = vector.multi_reduction <add>, %convert_element_type3A_382, %reduce_sum3A_383 [1] : vector<4x42849xi32> to vector<4xi32>
    %broadcast_in_dim3A_385 = vector.shape_cast %reduce_sum3A_384 : vector<4xi32> to vector<4x1xi32>
    %ge3A_386 = arith.constant 2070 : i32
    %ge3A_387 = vector.broadcast %ge3A_386 : i32 to vector<4x1xi32>
    %ge3A_388 = arith.cmpi sge, %broadcast_in_dim3A_385, %ge3A_387 : vector<4x1xi32>
    %select_n3A_389 = arith.select %ge3A_388, %or3A_376, %select_n3A_373 : vector<4x1xi1>, vector<4x1xi32>
    %or3A_390 = arith.constant 128 : i32
    %or3A_391 = vector.broadcast %or3A_390 : i32 to vector<4x1xi32>
    %or3A_392 = arith.ori %select_n3A_389, %or3A_391 : vector<4x1xi32>
    %and3A_393 = arith.constant -128 : i32
    %and3A_394 = vector.broadcast %and3A_393 : i32 to vector<4x42849xi32>
    %and3A_395 = arith.andi %select_n3A, %and3A_394 : vector<4x42849xi32>
    %ge3A_396 = vector.broadcast %or3A_392 : vector<4x1xi32> to vector<4x42849xi32>
    %ge3A_397 = arith.cmpi uge, %and3A_395, %ge3A_396 : vector<4x42849xi32>
    %convert_element_type3A_398 = arith.extui %ge3A_397 : vector<4x42849xi1> to vector<4x42849xi32>
    %reduce_sum3A_399 = arith.constant dense<0> : vector<4xi32>
    %reduce_sum3A_400 = vector.multi_reduction <add>, %convert_element_type3A_398, %reduce_sum3A_399 [1] : vector<4x42849xi32> to vector<4xi32>
    %broadcast_in_dim3A_401 = vector.shape_cast %reduce_sum3A_400 : vector<4xi32> to vector<4x1xi32>
    %ge3A_402 = arith.constant 2070 : i32
    %ge3A_403 = vector.broadcast %ge3A_402 : i32 to vector<4x1xi32>
    %ge3A_404 = arith.cmpi sge, %broadcast_in_dim3A_401, %ge3A_403 : vector<4x1xi32>
    %select_n3A_405 = arith.select %ge3A_404, %or3A_392, %select_n3A_389 : vector<4x1xi1>, vector<4x1xi32>
    %or3A_406 = arith.constant 64 : i32
    %or3A_407 = vector.broadcast %or3A_406 : i32 to vector<4x1xi32>
    %or3A_408 = arith.ori %select_n3A_405, %or3A_407 : vector<4x1xi32>
    %and3A_409 = arith.constant -64 : i32
    %and3A_410 = vector.broadcast %and3A_409 : i32 to vector<4x42849xi32>
    %and3A_411 = arith.andi %select_n3A, %and3A_410 : vector<4x42849xi32>
    %ge3A_412 = vector.broadcast %or3A_408 : vector<4x1xi32> to vector<4x42849xi32>
    %ge3A_413 = arith.cmpi uge, %and3A_411, %ge3A_412 : vector<4x42849xi32>
    %convert_element_type3A_414 = arith.extui %ge3A_413 : vector<4x42849xi1> to vector<4x42849xi32>
    %reduce_sum3A_415 = arith.constant dense<0> : vector<4xi32>
    %reduce_sum3A_416 = vector.multi_reduction <add>, %convert_element_type3A_414, %reduce_sum3A_415 [1] : vector<4x42849xi32> to vector<4xi32>
    %broadcast_in_dim3A_417 = vector.shape_cast %reduce_sum3A_416 : vector<4xi32> to vector<4x1xi32>
    %ge3A_418 = arith.constant 2070 : i32
    %ge3A_419 = vector.broadcast %ge3A_418 : i32 to vector<4x1xi32>
    %ge3A_420 = arith.cmpi sge, %broadcast_in_dim3A_417, %ge3A_419 : vector<4x1xi32>
    %select_n3A_421 = arith.select %ge3A_420, %or3A_408, %select_n3A_405 : vector<4x1xi1>, vector<4x1xi32>
    %or3A_422 = arith.constant 32 : i32
    %or3A_423 = vector.broadcast %or3A_422 : i32 to vector<4x1xi32>
    %or3A_424 = arith.ori %select_n3A_421, %or3A_423 : vector<4x1xi32>
    %and3A_425 = arith.constant -32 : i32
    %and3A_426 = vector.broadcast %and3A_425 : i32 to vector<4x42849xi32>
    %and3A_427 = arith.andi %select_n3A, %and3A_426 : vector<4x42849xi32>
    %ge3A_428 = vector.broadcast %or3A_424 : vector<4x1xi32> to vector<4x42849xi32>
    %ge3A_429 = arith.cmpi uge, %and3A_427, %ge3A_428 : vector<4x42849xi32>
    %convert_element_type3A_430 = arith.extui %ge3A_429 : vector<4x42849xi1> to vector<4x42849xi32>
    %reduce_sum3A_431 = arith.constant dense<0> : vector<4xi32>
    %reduce_sum3A_432 = vector.multi_reduction <add>, %convert_element_type3A_430, %reduce_sum3A_431 [1] : vector<4x42849xi32> to vector<4xi32>
    %broadcast_in_dim3A_433 = vector.shape_cast %reduce_sum3A_432 : vector<4xi32> to vector<4x1xi32>
    %ge3A_434 = arith.constant 2070 : i32
    %ge3A_435 = vector.broadcast %ge3A_434 : i32 to vector<4x1xi32>
    %ge3A_436 = arith.cmpi sge, %broadcast_in_dim3A_433, %ge3A_435 : vector<4x1xi32>
    %select_n3A_437 = arith.select %ge3A_436, %or3A_424, %select_n3A_421 : vector<4x1xi1>, vector<4x1xi32>
    %or3A_438 = arith.constant 16 : i32
    %or3A_439 = vector.broadcast %or3A_438 : i32 to vector<4x1xi32>
    %or3A_440 = arith.ori %select_n3A_437, %or3A_439 : vector<4x1xi32>
    %and3A_441 = arith.constant -16 : i32
    %and3A_442 = vector.broadcast %and3A_441 : i32 to vector<4x42849xi32>
    %and3A_443 = arith.andi %select_n3A, %and3A_442 : vector<4x42849xi32>
    %ge3A_444 = vector.broadcast %or3A_440 : vector<4x1xi32> to vector<4x42849xi32>
    %ge3A_445 = arith.cmpi uge, %and3A_443, %ge3A_444 : vector<4x42849xi32>
    %convert_element_type3A_446 = arith.extui %ge3A_445 : vector<4x42849xi1> to vector<4x42849xi32>
    %reduce_sum3A_447 = arith.constant dense<0> : vector<4xi32>
    %reduce_sum3A_448 = vector.multi_reduction <add>, %convert_element_type3A_446, %reduce_sum3A_447 [1] : vector<4x42849xi32> to vector<4xi32>
    %broadcast_in_dim3A_449 = vector.shape_cast %reduce_sum3A_448 : vector<4xi32> to vector<4x1xi32>
    %ge3A_450 = arith.constant 2070 : i32
    %ge3A_451 = vector.broadcast %ge3A_450 : i32 to vector<4x1xi32>
    %ge3A_452 = arith.cmpi sge, %broadcast_in_dim3A_449, %ge3A_451 : vector<4x1xi32>
    %select_n3A_453 = arith.select %ge3A_452, %or3A_440, %select_n3A_437 : vector<4x1xi1>, vector<4x1xi32>
    %or3A_454 = arith.constant 8 : i32
    %or3A_455 = vector.broadcast %or3A_454 : i32 to vector<4x1xi32>
    %or3A_456 = arith.ori %select_n3A_453, %or3A_455 : vector<4x1xi32>
    %and3A_457 = arith.constant -8 : i32
    %and3A_458 = vector.broadcast %and3A_457 : i32 to vector<4x42849xi32>
    %and3A_459 = arith.andi %select_n3A, %and3A_458 : vector<4x42849xi32>
    %ge3A_460 = vector.broadcast %or3A_456 : vector<4x1xi32> to vector<4x42849xi32>
    %ge3A_461 = arith.cmpi uge, %and3A_459, %ge3A_460 : vector<4x42849xi32>
    %convert_element_type3A_462 = arith.extui %ge3A_461 : vector<4x42849xi1> to vector<4x42849xi32>
    %reduce_sum3A_463 = arith.constant dense<0> : vector<4xi32>
    %reduce_sum3A_464 = vector.multi_reduction <add>, %convert_element_type3A_462, %reduce_sum3A_463 [1] : vector<4x42849xi32> to vector<4xi32>
    %broadcast_in_dim3A_465 = vector.shape_cast %reduce_sum3A_464 : vector<4xi32> to vector<4x1xi32>
    %ge3A_466 = arith.constant 2070 : i32
    %ge3A_467 = vector.broadcast %ge3A_466 : i32 to vector<4x1xi32>
    %ge3A_468 = arith.cmpi sge, %broadcast_in_dim3A_465, %ge3A_467 : vector<4x1xi32>
    %select_n3A_469 = arith.select %ge3A_468, %or3A_456, %select_n3A_453 : vector<4x1xi1>, vector<4x1xi32>
    %or3A_470 = arith.constant 4 : i32
    %or3A_471 = vector.broadcast %or3A_470 : i32 to vector<4x1xi32>
    %or3A_472 = arith.ori %select_n3A_469, %or3A_471 : vector<4x1xi32>
    %and3A_473 = arith.constant -4 : i32
    %and3A_474 = vector.broadcast %and3A_473 : i32 to vector<4x42849xi32>
    %and3A_475 = arith.andi %select_n3A, %and3A_474 : vector<4x42849xi32>
    %ge3A_476 = vector.broadcast %or3A_472 : vector<4x1xi32> to vector<4x42849xi32>
    %ge3A_477 = arith.cmpi uge, %and3A_475, %ge3A_476 : vector<4x42849xi32>
    %convert_element_type3A_478 = arith.extui %ge3A_477 : vector<4x42849xi1> to vector<4x42849xi32>
    %reduce_sum3A_479 = arith.constant dense<0> : vector<4xi32>
    %reduce_sum3A_480 = vector.multi_reduction <add>, %convert_element_type3A_478, %reduce_sum3A_479 [1] : vector<4x42849xi32> to vector<4xi32>
    %broadcast_in_dim3A_481 = vector.shape_cast %reduce_sum3A_480 : vector<4xi32> to vector<4x1xi32>
    %ge3A_482 = arith.constant 2070 : i32
    %ge3A_483 = vector.broadcast %ge3A_482 : i32 to vector<4x1xi32>
    %ge3A_484 = arith.cmpi sge, %broadcast_in_dim3A_481, %ge3A_483 : vector<4x1xi32>
    %select_n3A_485 = arith.select %ge3A_484, %or3A_472, %select_n3A_469 : vector<4x1xi1>, vector<4x1xi32>
    %or3A_486 = arith.constant 2 : i32
    %or3A_487 = vector.broadcast %or3A_486 : i32 to vector<4x1xi32>
    %or3A_488 = arith.ori %select_n3A_485, %or3A_487 : vector<4x1xi32>
    %and3A_489 = arith.constant -2 : i32
    %and3A_490 = vector.broadcast %and3A_489 : i32 to vector<4x42849xi32>
    %and3A_491 = arith.andi %select_n3A, %and3A_490 : vector<4x42849xi32>
    %ge3A_492 = vector.broadcast %or3A_488 : vector<4x1xi32> to vector<4x42849xi32>
    %ge3A_493 = arith.cmpi uge, %and3A_491, %ge3A_492 : vector<4x42849xi32>
    %convert_element_type3A_494 = arith.extui %ge3A_493 : vector<4x42849xi1> to vector<4x42849xi32>
    %reduce_sum3A_495 = arith.constant dense<0> : vector<4xi32>
    %reduce_sum3A_496 = vector.multi_reduction <add>, %convert_element_type3A_494, %reduce_sum3A_495 [1] : vector<4x42849xi32> to vector<4xi32>
    %broadcast_in_dim3A_497 = vector.shape_cast %reduce_sum3A_496 : vector<4xi32> to vector<4x1xi32>
    %ge3A_498 = arith.constant 2070 : i32
    %ge3A_499 = vector.broadcast %ge3A_498 : i32 to vector<4x1xi32>
    %ge3A_500 = arith.cmpi sge, %broadcast_in_dim3A_497, %ge3A_499 : vector<4x1xi32>
    %select_n3A_501 = arith.select %ge3A_500, %or3A_488, %select_n3A_485 : vector<4x1xi1>, vector<4x1xi32>
    %or3A_502 = arith.constant 1 : i32
    %or3A_503 = vector.broadcast %or3A_502 : i32 to vector<4x1xi32>
    %or3A_504 = arith.ori %select_n3A_501, %or3A_503 : vector<4x1xi32>
    %and3A_505 = arith.constant -1 : i32
    %and3A_506 = vector.broadcast %and3A_505 : i32 to vector<4x42849xi32>
    %and3A_507 = arith.andi %select_n3A, %and3A_506 : vector<4x42849xi32>
    %ge3A_508 = vector.broadcast %or3A_504 : vector<4x1xi32> to vector<4x42849xi32>
    %ge3A_509 = arith.cmpi uge, %and3A_507, %ge3A_508 : vector<4x42849xi32>
    %convert_element_type3A_510 = arith.extui %ge3A_509 : vector<4x42849xi1> to vector<4x42849xi32>
    %reduce_sum3A_511 = arith.constant dense<0> : vector<4xi32>
    %reduce_sum3A_512 = vector.multi_reduction <add>, %convert_element_type3A_510, %reduce_sum3A_511 [1] : vector<4x42849xi32> to vector<4xi32>
    %broadcast_in_dim3A_513 = vector.shape_cast %reduce_sum3A_512 : vector<4xi32> to vector<4x1xi32>
    %ge3A_514 = arith.constant 2070 : i32
    %ge3A_515 = vector.broadcast %ge3A_514 : i32 to vector<4x1xi32>
    %ge3A_516 = arith.cmpi sge, %broadcast_in_dim3A_513, %ge3A_515 : vector<4x1xi32>
    %select_n3A_517 = arith.select %ge3A_516, %or3A_504, %select_n3A_501 : vector<4x1xi1>, vector<4x1xi32>
    %gt3A = vector.broadcast %select_n3A_517 : vector<4x1xi32> to vector<4x42849xi32>
    %gt3A_518 = arith.cmpi ugt, %select_n3A, %gt3A : vector<4x42849xi32>
    %convert_element_type3A_519 = arith.extui %gt3A_518 : vector<4x42849xi1> to vector<4x42849xi32>
    %reduce_sum3A_520 = arith.constant dense<0> : vector<4xi32>
    %reduce_sum3A_521 = vector.multi_reduction <add>, %convert_element_type3A_519, %reduce_sum3A_520 [1] : vector<4x42849xi32> to vector<4xi32>
    %broadcast_in_dim3A_522 = vector.shape_cast %reduce_sum3A_521 : vector<4xi32> to vector<4x1xi32>
    %sub3A = arith.constant 2070 : i32
    %sub3A_523 = vector.broadcast %sub3A : i32 to vector<4x1xi32>
    %sub3A_524 = arith.subi %sub3A_523, %broadcast_in_dim3A_522 : vector<4x1xi32>
    %eq3A = vector.broadcast %select_n3A_517 : vector<4x1xi32> to vector<4x42849xi32>
    %eq3A_525 = arith.cmpi eq, %select_n3A, %eq3A : vector<4x42849xi32>
    %iota3A = tpu.iota {dimensions = array<i32: 1>} : vector<4x42849xi32>
    %broadcast_in_dim3A_526 = arith.constant 0 : i32
    %broadcast_in_dim3A_527 = vector.broadcast %broadcast_in_dim3A_526 : i32 to vector<4x1xi32>
    %add3A = arith.constant 65536 : i32
    %add3A_528 = vector.broadcast %add3A : i32 to vector<4x1xi32>
    %add3A_529 = arith.addi %broadcast_in_dim3A_527, %add3A_528 : vector<4x1xi32>
    %lt3A = vector.broadcast %add3A_529 : vector<4x1xi32> to vector<4x42849xi32>
    %lt3A_530 = arith.cmpi slt, %iota3A, %lt3A : vector<4x42849xi32>
    %and3A_531 = arith.andi %eq3A_525, %lt3A_530 : vector<4x42849xi1>
    %convert_element_type3A_532 = arith.extui %and3A_531 : vector<4x42849xi1> to vector<4x42849xi32>
    %reduce_sum3A_533 = arith.constant dense<0> : vector<4xi32>
    %reduce_sum3A_534 = vector.multi_reduction <add>, %convert_element_type3A_532, %reduce_sum3A_533 [1] : vector<4x42849xi32> to vector<4xi32>
    %broadcast_in_dim3A_535 = vector.shape_cast %reduce_sum3A_534 : vector<4xi32> to vector<4x1xi32>
    %lt3A_536 = arith.cmpi slt, %broadcast_in_dim3A_535, %sub3A_524 : vector<4x1xi32>
    %select_n3A_537 = arith.select %lt3A_536, %add3A_529, %broadcast_in_dim3A_527 : vector<4x1xi1>, vector<4x1xi32>
    %add3A_538 = arith.constant 32768 : i32
    %add3A_539 = vector.broadcast %add3A_538 : i32 to vector<4x1xi32>
    %add3A_540 = arith.addi %select_n3A_537, %add3A_539 : vector<4x1xi32>
    %lt3A_541 = vector.broadcast %add3A_540 : vector<4x1xi32> to vector<4x42849xi32>
    %lt3A_542 = arith.cmpi slt, %iota3A, %lt3A_541 : vector<4x42849xi32>
    %and3A_543 = arith.andi %eq3A_525, %lt3A_542 : vector<4x42849xi1>
    %convert_element_type3A_544 = arith.extui %and3A_543 : vector<4x42849xi1> to vector<4x42849xi32>
    %reduce_sum3A_545 = arith.constant dense<0> : vector<4xi32>
    %reduce_sum3A_546 = vector.multi_reduction <add>, %convert_element_type3A_544, %reduce_sum3A_545 [1] : vector<4x42849xi32> to vector<4xi32>
    %broadcast_in_dim3A_547 = vector.shape_cast %reduce_sum3A_546 : vector<4xi32> to vector<4x1xi32>
    %lt3A_548 = arith.cmpi slt, %broadcast_in_dim3A_547, %sub3A_524 : vector<4x1xi32>
    %select_n3A_549 = arith.select %lt3A_548, %add3A_540, %select_n3A_537 : vector<4x1xi1>, vector<4x1xi32>
    %add3A_550 = arith.constant 16384 : i32
    %add3A_551 = vector.broadcast %add3A_550 : i32 to vector<4x1xi32>
    %add3A_552 = arith.addi %select_n3A_549, %add3A_551 : vector<4x1xi32>
    %lt3A_553 = vector.broadcast %add3A_552 : vector<4x1xi32> to vector<4x42849xi32>
    %lt3A_554 = arith.cmpi slt, %iota3A, %lt3A_553 : vector<4x42849xi32>
    %and3A_555 = arith.andi %eq3A_525, %lt3A_554 : vector<4x42849xi1>
    %convert_element_type3A_556 = arith.extui %and3A_555 : vector<4x42849xi1> to vector<4x42849xi32>
    %reduce_sum3A_557 = arith.constant dense<0> : vector<4xi32>
    %reduce_sum3A_558 = vector.multi_reduction <add>, %convert_element_type3A_556, %reduce_sum3A_557 [1] : vector<4x42849xi32> to vector<4xi32>
    %broadcast_in_dim3A_559 = vector.shape_cast %reduce_sum3A_558 : vector<4xi32> to vector<4x1xi32>
    %lt3A_560 = arith.cmpi slt, %broadcast_in_dim3A_559, %sub3A_524 : vector<4x1xi32>
    %select_n3A_561 = arith.select %lt3A_560, %add3A_552, %select_n3A_549 : vector<4x1xi1>, vector<4x1xi32>
    %add3A_562 = arith.constant 8192 : i32
    %add3A_563 = vector.broadcast %add3A_562 : i32 to vector<4x1xi32>
    %add3A_564 = arith.addi %select_n3A_561, %add3A_563 : vector<4x1xi32>
    %lt3A_565 = vector.broadcast %add3A_564 : vector<4x1xi32> to vector<4x42849xi32>
    %lt3A_566 = arith.cmpi slt, %iota3A, %lt3A_565 : vector<4x42849xi32>
    %and3A_567 = arith.andi %eq3A_525, %lt3A_566 : vector<4x42849xi1>
    %convert_element_type3A_568 = arith.extui %and3A_567 : vector<4x42849xi1> to vector<4x42849xi32>
    %reduce_sum3A_569 = arith.constant dense<0> : vector<4xi32>
    %reduce_sum3A_570 = vector.multi_reduction <add>, %convert_element_type3A_568, %reduce_sum3A_569 [1] : vector<4x42849xi32> to vector<4xi32>
    %broadcast_in_dim3A_571 = vector.shape_cast %reduce_sum3A_570 : vector<4xi32> to vector<4x1xi32>
    %lt3A_572 = arith.cmpi slt, %broadcast_in_dim3A_571, %sub3A_524 : vector<4x1xi32>
    %select_n3A_573 = arith.select %lt3A_572, %add3A_564, %select_n3A_561 : vector<4x1xi1>, vector<4x1xi32>
    %add3A_574 = arith.constant 4096 : i32
    %add3A_575 = vector.broadcast %add3A_574 : i32 to vector<4x1xi32>
    %add3A_576 = arith.addi %select_n3A_573, %add3A_575 : vector<4x1xi32>
    %lt3A_577 = vector.broadcast %add3A_576 : vector<4x1xi32> to vector<4x42849xi32>
    %lt3A_578 = arith.cmpi slt, %iota3A, %lt3A_577 : vector<4x42849xi32>
    %and3A_579 = arith.andi %eq3A_525, %lt3A_578 : vector<4x42849xi1>
    %convert_element_type3A_580 = arith.extui %and3A_579 : vector<4x42849xi1> to vector<4x42849xi32>
    %reduce_sum3A_581 = arith.constant dense<0> : vector<4xi32>
    %reduce_sum3A_582 = vector.multi_reduction <add>, %convert_element_type3A_580, %reduce_sum3A_581 [1] : vector<4x42849xi32> to vector<4xi32>
    %broadcast_in_dim3A_583 = vector.shape_cast %reduce_sum3A_582 : vector<4xi32> to vector<4x1xi32>
    %lt3A_584 = arith.cmpi slt, %broadcast_in_dim3A_583, %sub3A_524 : vector<4x1xi32>
    %select_n3A_585 = arith.select %lt3A_584, %add3A_576, %select_n3A_573 : vector<4x1xi1>, vector<4x1xi32>
    %add3A_586 = arith.constant 2048 : i32
    %add3A_587 = vector.broadcast %add3A_586 : i32 to vector<4x1xi32>
    %add3A_588 = arith.addi %select_n3A_585, %add3A_587 : vector<4x1xi32>
    %lt3A_589 = vector.broadcast %add3A_588 : vector<4x1xi32> to vector<4x42849xi32>
    %lt3A_590 = arith.cmpi slt, %iota3A, %lt3A_589 : vector<4x42849xi32>
    %and3A_591 = arith.andi %eq3A_525, %lt3A_590 : vector<4x42849xi1>
    %convert_element_type3A_592 = arith.extui %and3A_591 : vector<4x42849xi1> to vector<4x42849xi32>
    %reduce_sum3A_593 = arith.constant dense<0> : vector<4xi32>
    %reduce_sum3A_594 = vector.multi_reduction <add>, %convert_element_type3A_592, %reduce_sum3A_593 [1] : vector<4x42849xi32> to vector<4xi32>
    %broadcast_in_dim3A_595 = vector.shape_cast %reduce_sum3A_594 : vector<4xi32> to vector<4x1xi32>
    %lt3A_596 = arith.cmpi slt, %broadcast_in_dim3A_595, %sub3A_524 : vector<4x1xi32>
    %select_n3A_597 = arith.select %lt3A_596, %add3A_588, %select_n3A_585 : vector<4x1xi1>, vector<4x1xi32>
    %add3A_598 = arith.constant 1024 : i32
    %add3A_599 = vector.broadcast %add3A_598 : i32 to vector<4x1xi32>
    %add3A_600 = arith.addi %select_n3A_597, %add3A_599 : vector<4x1xi32>
    %lt3A_601 = vector.broadcast %add3A_600 : vector<4x1xi32> to vector<4x42849xi32>
    %lt3A_602 = arith.cmpi slt, %iota3A, %lt3A_601 : vector<4x42849xi32>
    %and3A_603 = arith.andi %eq3A_525, %lt3A_602 : vector<4x42849xi1>
    %convert_element_type3A_604 = arith.extui %and3A_603 : vector<4x42849xi1> to vector<4x42849xi32>
    %reduce_sum3A_605 = arith.constant dense<0> : vector<4xi32>
    %reduce_sum3A_606 = vector.multi_reduction <add>, %convert_element_type3A_604, %reduce_sum3A_605 [1] : vector<4x42849xi32> to vector<4xi32>
    %broadcast_in_dim3A_607 = vector.shape_cast %reduce_sum3A_606 : vector<4xi32> to vector<4x1xi32>
    %lt3A_608 = arith.cmpi slt, %broadcast_in_dim3A_607, %sub3A_524 : vector<4x1xi32>
    %select_n3A_609 = arith.select %lt3A_608, %add3A_600, %select_n3A_597 : vector<4x1xi1>, vector<4x1xi32>
    %add3A_610 = arith.constant 512 : i32
    %add3A_611 = vector.broadcast %add3A_610 : i32 to vector<4x1xi32>
    %add3A_612 = arith.addi %select_n3A_609, %add3A_611 : vector<4x1xi32>
    %lt3A_613 = vector.broadcast %add3A_612 : vector<4x1xi32> to vector<4x42849xi32>
    %lt3A_614 = arith.cmpi slt, %iota3A, %lt3A_613 : vector<4x42849xi32>
    %and3A_615 = arith.andi %eq3A_525, %lt3A_614 : vector<4x42849xi1>
    %convert_element_type3A_616 = arith.extui %and3A_615 : vector<4x42849xi1> to vector<4x42849xi32>
    %reduce_sum3A_617 = arith.constant dense<0> : vector<4xi32>
    %reduce_sum3A_618 = vector.multi_reduction <add>, %convert_element_type3A_616, %reduce_sum3A_617 [1] : vector<4x42849xi32> to vector<4xi32>
    %broadcast_in_dim3A_619 = vector.shape_cast %reduce_sum3A_618 : vector<4xi32> to vector<4x1xi32>
    %lt3A_620 = arith.cmpi slt, %broadcast_in_dim3A_619, %sub3A_524 : vector<4x1xi32>
    %select_n3A_621 = arith.select %lt3A_620, %add3A_612, %select_n3A_609 : vector<4x1xi1>, vector<4x1xi32>
    %add3A_622 = arith.constant 256 : i32
    %add3A_623 = vector.broadcast %add3A_622 : i32 to vector<4x1xi32>
    %add3A_624 = arith.addi %select_n3A_621, %add3A_623 : vector<4x1xi32>
    %lt3A_625 = vector.broadcast %add3A_624 : vector<4x1xi32> to vector<4x42849xi32>
    %lt3A_626 = arith.cmpi slt, %iota3A, %lt3A_625 : vector<4x42849xi32>
    %and3A_627 = arith.andi %eq3A_525, %lt3A_626 : vector<4x42849xi1>
    %convert_element_type3A_628 = arith.extui %and3A_627 : vector<4x42849xi1> to vector<4x42849xi32>
    %reduce_sum3A_629 = arith.constant dense<0> : vector<4xi32>
    %reduce_sum3A_630 = vector.multi_reduction <add>, %convert_element_type3A_628, %reduce_sum3A_629 [1] : vector<4x42849xi32> to vector<4xi32>
    %broadcast_in_dim3A_631 = vector.shape_cast %reduce_sum3A_630 : vector<4xi32> to vector<4x1xi32>
    %lt3A_632 = arith.cmpi slt, %broadcast_in_dim3A_631, %sub3A_524 : vector<4x1xi32>
    %select_n3A_633 = arith.select %lt3A_632, %add3A_624, %select_n3A_621 : vector<4x1xi1>, vector<4x1xi32>
    %add3A_634 = arith.constant 128 : i32
    %add3A_635 = vector.broadcast %add3A_634 : i32 to vector<4x1xi32>
    %add3A_636 = arith.addi %select_n3A_633, %add3A_635 : vector<4x1xi32>
    %lt3A_637 = vector.broadcast %add3A_636 : vector<4x1xi32> to vector<4x42849xi32>
    %lt3A_638 = arith.cmpi slt, %iota3A, %lt3A_637 : vector<4x42849xi32>
    %and3A_639 = arith.andi %eq3A_525, %lt3A_638 : vector<4x42849xi1>
    %convert_element_type3A_640 = arith.extui %and3A_639 : vector<4x42849xi1> to vector<4x42849xi32>
    %reduce_sum3A_641 = arith.constant dense<0> : vector<4xi32>
    %reduce_sum3A_642 = vector.multi_reduction <add>, %convert_element_type3A_640, %reduce_sum3A_641 [1] : vector<4x42849xi32> to vector<4xi32>
    %broadcast_in_dim3A_643 = vector.shape_cast %reduce_sum3A_642 : vector<4xi32> to vector<4x1xi32>
    %lt3A_644 = arith.cmpi slt, %broadcast_in_dim3A_643, %sub3A_524 : vector<4x1xi32>
    %select_n3A_645 = arith.select %lt3A_644, %add3A_636, %select_n3A_633 : vector<4x1xi1>, vector<4x1xi32>
    %add3A_646 = arith.constant 64 : i32
    %add3A_647 = vector.broadcast %add3A_646 : i32 to vector<4x1xi32>
    %add3A_648 = arith.addi %select_n3A_645, %add3A_647 : vector<4x1xi32>
    %lt3A_649 = vector.broadcast %add3A_648 : vector<4x1xi32> to vector<4x42849xi32>
    %lt3A_650 = arith.cmpi slt, %iota3A, %lt3A_649 : vector<4x42849xi32>
    %and3A_651 = arith.andi %eq3A_525, %lt3A_650 : vector<4x42849xi1>
    %convert_element_type3A_652 = arith.extui %and3A_651 : vector<4x42849xi1> to vector<4x42849xi32>
    %reduce_sum3A_653 = arith.constant dense<0> : vector<4xi32>
    %reduce_sum3A_654 = vector.multi_reduction <add>, %convert_element_type3A_652, %reduce_sum3A_653 [1] : vector<4x42849xi32> to vector<4xi32>
    %broadcast_in_dim3A_655 = vector.shape_cast %reduce_sum3A_654 : vector<4xi32> to vector<4x1xi32>
    %lt3A_656 = arith.cmpi slt, %broadcast_in_dim3A_655, %sub3A_524 : vector<4x1xi32>
    %select_n3A_657 = arith.select %lt3A_656, %add3A_648, %select_n3A_645 : vector<4x1xi1>, vector<4x1xi32>
    %add3A_658 = arith.constant 32 : i32
    %add3A_659 = vector.broadcast %add3A_658 : i32 to vector<4x1xi32>
    %add3A_660 = arith.addi %select_n3A_657, %add3A_659 : vector<4x1xi32>
    %lt3A_661 = vector.broadcast %add3A_660 : vector<4x1xi32> to vector<4x42849xi32>
    %lt3A_662 = arith.cmpi slt, %iota3A, %lt3A_661 : vector<4x42849xi32>
    %and3A_663 = arith.andi %eq3A_525, %lt3A_662 : vector<4x42849xi1>
    %convert_element_type3A_664 = arith.extui %and3A_663 : vector<4x42849xi1> to vector<4x42849xi32>
    %reduce_sum3A_665 = arith.constant dense<0> : vector<4xi32>
    %reduce_sum3A_666 = vector.multi_reduction <add>, %convert_element_type3A_664, %reduce_sum3A_665 [1] : vector<4x42849xi32> to vector<4xi32>
    %broadcast_in_dim3A_667 = vector.shape_cast %reduce_sum3A_666 : vector<4xi32> to vector<4x1xi32>
    %lt3A_668 = arith.cmpi slt, %broadcast_in_dim3A_667, %sub3A_524 : vector<4x1xi32>
    %select_n3A_669 = arith.select %lt3A_668, %add3A_660, %select_n3A_657 : vector<4x1xi1>, vector<4x1xi32>
    %add3A_670 = arith.constant 16 : i32
    %add3A_671 = vector.broadcast %add3A_670 : i32 to vector<4x1xi32>
    %add3A_672 = arith.addi %select_n3A_669, %add3A_671 : vector<4x1xi32>
    %lt3A_673 = vector.broadcast %add3A_672 : vector<4x1xi32> to vector<4x42849xi32>
    %lt3A_674 = arith.cmpi slt, %iota3A, %lt3A_673 : vector<4x42849xi32>
    %and3A_675 = arith.andi %eq3A_525, %lt3A_674 : vector<4x42849xi1>
    %convert_element_type3A_676 = arith.extui %and3A_675 : vector<4x42849xi1> to vector<4x42849xi32>
    %reduce_sum3A_677 = arith.constant dense<0> : vector<4xi32>
    %reduce_sum3A_678 = vector.multi_reduction <add>, %convert_element_type3A_676, %reduce_sum3A_677 [1] : vector<4x42849xi32> to vector<4xi32>
    %broadcast_in_dim3A_679 = vector.shape_cast %reduce_sum3A_678 : vector<4xi32> to vector<4x1xi32>
    %lt3A_680 = arith.cmpi slt, %broadcast_in_dim3A_679, %sub3A_524 : vector<4x1xi32>
    %select_n3A_681 = arith.select %lt3A_680, %add3A_672, %select_n3A_669 : vector<4x1xi1>, vector<4x1xi32>
    %add3A_682 = arith.constant 8 : i32
    %add3A_683 = vector.broadcast %add3A_682 : i32 to vector<4x1xi32>
    %add3A_684 = arith.addi %select_n3A_681, %add3A_683 : vector<4x1xi32>
    %lt3A_685 = vector.broadcast %add3A_684 : vector<4x1xi32> to vector<4x42849xi32>
    %lt3A_686 = arith.cmpi slt, %iota3A, %lt3A_685 : vector<4x42849xi32>
    %and3A_687 = arith.andi %eq3A_525, %lt3A_686 : vector<4x42849xi1>
    %convert_element_type3A_688 = arith.extui %and3A_687 : vector<4x42849xi1> to vector<4x42849xi32>
    %reduce_sum3A_689 = arith.constant dense<0> : vector<4xi32>
    %reduce_sum3A_690 = vector.multi_reduction <add>, %convert_element_type3A_688, %reduce_sum3A_689 [1] : vector<4x42849xi32> to vector<4xi32>
    %broadcast_in_dim3A_691 = vector.shape_cast %reduce_sum3A_690 : vector<4xi32> to vector<4x1xi32>
    %lt3A_692 = arith.cmpi slt, %broadcast_in_dim3A_691, %sub3A_524 : vector<4x1xi32>
    %select_n3A_693 = arith.select %lt3A_692, %add3A_684, %select_n3A_681 : vector<4x1xi1>, vector<4x1xi32>
    %add3A_694 = arith.constant 4 : i32
    %add3A_695 = vector.broadcast %add3A_694 : i32 to vector<4x1xi32>
    %add3A_696 = arith.addi %select_n3A_693, %add3A_695 : vector<4x1xi32>
    %lt3A_697 = vector.broadcast %add3A_696 : vector<4x1xi32> to vector<4x42849xi32>
    %lt3A_698 = arith.cmpi slt, %iota3A, %lt3A_697 : vector<4x42849xi32>
    %and3A_699 = arith.andi %eq3A_525, %lt3A_698 : vector<4x42849xi1>
    %convert_element_type3A_700 = arith.extui %and3A_699 : vector<4x42849xi1> to vector<4x42849xi32>
    %reduce_sum3A_701 = arith.constant dense<0> : vector<4xi32>
    %reduce_sum3A_702 = vector.multi_reduction <add>, %convert_element_type3A_700, %reduce_sum3A_701 [1] : vector<4x42849xi32> to vector<4xi32>
    %broadcast_in_dim3A_703 = vector.shape_cast %reduce_sum3A_702 : vector<4xi32> to vector<4x1xi32>
    %lt3A_704 = arith.cmpi slt, %broadcast_in_dim3A_703, %sub3A_524 : vector<4x1xi32>
    %select_n3A_705 = arith.select %lt3A_704, %add3A_696, %select_n3A_693 : vector<4x1xi1>, vector<4x1xi32>
    %add3A_706 = arith.constant 2 : i32
    %add3A_707 = vector.broadcast %add3A_706 : i32 to vector<4x1xi32>
    %add3A_708 = arith.addi %select_n3A_705, %add3A_707 : vector<4x1xi32>
    %lt3A_709 = vector.broadcast %add3A_708 : vector<4x1xi32> to vector<4x42849xi32>
    %lt3A_710 = arith.cmpi slt, %iota3A, %lt3A_709 : vector<4x42849xi32>
    %and3A_711 = arith.andi %eq3A_525, %lt3A_710 : vector<4x42849xi1>
    %convert_element_type3A_712 = arith.extui %and3A_711 : vector<4x42849xi1> to vector<4x42849xi32>
    %reduce_sum3A_713 = arith.constant dense<0> : vector<4xi32>
    %reduce_sum3A_714 = vector.multi_reduction <add>, %convert_element_type3A_712, %reduce_sum3A_713 [1] : vector<4x42849xi32> to vector<4xi32>
    %broadcast_in_dim3A_715 = vector.shape_cast %reduce_sum3A_714 : vector<4xi32> to vector<4x1xi32>
    %lt3A_716 = arith.cmpi slt, %broadcast_in_dim3A_715, %sub3A_524 : vector<4x1xi32>
    %select_n3A_717 = arith.select %lt3A_716, %add3A_708, %select_n3A_705 : vector<4x1xi1>, vector<4x1xi32>
    %add3A_718 = arith.constant 1 : i32
    %add3A_719 = vector.broadcast %add3A_718 : i32 to vector<4x1xi32>
    %add3A_720 = arith.addi %select_n3A_717, %add3A_719 : vector<4x1xi32>
    %lt3A_721 = vector.broadcast %add3A_720 : vector<4x1xi32> to vector<4x42849xi32>
    %lt3A_722 = arith.cmpi slt, %iota3A, %lt3A_721 : vector<4x42849xi32>
    %and3A_723 = arith.andi %eq3A_525, %lt3A_722 : vector<4x42849xi1>
    %convert_element_type3A_724 = arith.extui %and3A_723 : vector<4x42849xi1> to vector<4x42849xi32>
    %reduce_sum3A_725 = arith.constant dense<0> : vector<4xi32>
    %reduce_sum3A_726 = vector.multi_reduction <add>, %convert_element_type3A_724, %reduce_sum3A_725 [1] : vector<4x42849xi32> to vector<4xi32>
    %broadcast_in_dim3A_727 = vector.shape_cast %reduce_sum3A_726 : vector<4xi32> to vector<4x1xi32>
    %lt3A_728 = arith.cmpi slt, %broadcast_in_dim3A_727, %sub3A_524 : vector<4x1xi32>
    %select_n3A_729 = arith.select %lt3A_728, %add3A_720, %select_n3A_717 : vector<4x1xi1>, vector<4x1xi32>
    %gt3A_730 = vector.broadcast %select_n3A_517 : vector<4x1xi32> to vector<4x42849xi32>
    %gt3A_731 = arith.cmpi ugt, %select_n3A, %gt3A_730 : vector<4x42849xi32>
    %le3A = vector.broadcast %select_n3A_729 : vector<4x1xi32> to vector<4x42849xi32>
    %le3A_732 = arith.cmpi sle, %iota3A, %le3A : vector<4x42849xi32>
    %and3A_733 = arith.andi %eq3A_525, %le3A_732 : vector<4x42849xi1>
    %gt3A_734 = arith.constant 0 : i32
    %gt3A_735 = vector.broadcast %gt3A_734 : i32 to vector<4x1xi32>
    %gt3A_736 = arith.cmpi sgt, %sub3A_524, %gt3A_735 : vector<4x1xi32>
    %and3A_737 = vector.broadcast %gt3A_736 : vector<4x1xi1> to vector<4x42849xi1>
    %and3A_738 = arith.andi %and3A_733, %and3A_737 : vector<4x42849xi1>
    %or3A_739 = arith.ori %gt3A_731, %and3A_738 : vector<4x42849xi1>
    %ne3A_740 = arith.constant 0.000000e+00 : f32
    %ne3A_741 = vector.broadcast %ne3A_740 : f32 to vector<4x42849xf32>
    %ne3A_742 = arith.cmpf one, %get3A_1, %ne3A_741 : vector<4x42849xf32>
    %and3A_743 = arith.andi %or3A_739, %ne3A_742 : vector<4x42849xi1>
    %get3A_744 = arith.constant 0 : index
    %get3A_745 = arith.constant 0 : index
    %get3A_746 = vector.load %arg1[%get3A_744, %get3A_745] : memref<1x42849xf32, #tpu.memory_space<vmem>>, vector<1x42849xf32>
    %ne3A_747 = arith.constant 0.000000e+00 : f32
    %ne3A_748 = vector.broadcast %ne3A_747 : f32 to vector<1x42849xf32>
    %ne3A_749 = arith.cmpf one, %get3A_746, %ne3A_748 : vector<1x42849xf32>
    %and3A_750 = vector.broadcast %ne3A_749 : vector<1x42849xi1> to vector<4x42849xi1>
    %and3A_751 = arith.andi %and3A_743, %and3A_750 : vector<4x42849xi1>
    %convert_element_type3A_752 = arith.extui %and3A_751 : vector<4x42849xi1> to vector<4x42849xi32>
    %convert_element_type3A_753 = arith.sitofp %convert_element_type3A_752 : vector<4x42849xi32> to vector<4x42849xf32>
    %swap3A = arith.constant 0 : index
    %swap3A_754 = arith.constant 0 : index
    %swap3A_755 = vector.load %arg2[%swap3A, %swap3A_754] : memref<4x42849xf32, #tpu.memory_space<vmem>>, vector<4x42849xf32>
    tpu.vector_store %arg2[%swap3A, %swap3A_754], %convert_element_type3A_753 {strides = array<i32>} : memref<4x42849xf32, #tpu.memory_space<vmem>>, vector<4x42849xf32>,
    return
  }
}

module attributes {stable_mosaic.version = 14 : i64} {
  func.func @_sr_kernel(%arg0: memref<207x100xf32, #tpu.memory_space<vmem>>, %arg1: memref<100x100xf32, #tpu.memory_space<vmem>>, %arg2: memref<100x100xf32, #tpu.memory_space<vmem>>, %arg3: memref<207x100xf32, #tpu.memory_space<vmem>>, %arg4: memref<207x100xf32, #tpu.memory_space<vmem>>) attributes {dimension_semantics = [], scalar_prefetch = 0 : i64, scratch_operands = 0 : i64, tpu.core_type = #tpu.core_type<tc>} {
    %get3A = arith.constant 0 : index
    %get3A_0 = arith.constant 0 : index
    %get3A_1 = vector.load %arg0[%get3A, %get3A_0] : memref<207x100xf32, #tpu.memory_space<vmem>>, vector<207x100xf32>
    %get3A_2 = arith.constant 0 : index
    %get3A_3 = arith.constant 0 : index
    %get3A_4 = vector.load %arg1[%get3A_2, %get3A_3] : memref<100x100xf32, #tpu.memory_space<vmem>>, vector<100x100xf32>
    %dot_general3A = arith.constant dense<0.000000e+00> : vector<207x100xf32>
    %dot_general3A_5 = tpu.matmul %get3A_1, %get3A_4, %dot_general3A {dimension_numbers = #tpu.dot_dimension_numbers<[1], [0], [0], [1], [0, 0, 1, 1], [], []>, transpose_lhs_hint = false} : vector<207x100xf32>, vector<100x100xf32>, vector<207x100xf32> -> vector<207x100xf32>
    %swap3A = arith.constant 0 : index
    %swap3A_6 = arith.constant 0 : index
    %swap3A_7 = vector.load %arg3[%swap3A, %swap3A_6] : memref<207x100xf32, #tpu.memory_space<vmem>>, vector<207x100xf32>
    tpu.vector_store %arg3[%swap3A, %swap3A_6], %dot_general3A_5 {strides = array<i32>} : memref<207x100xf32, #tpu.memory_space<vmem>>, vector<207x100xf32>,
    %get3A_8 = arith.constant 0 : index
    %get3A_9 = arith.constant 0 : index
    %get3A_10 = vector.load %arg2[%get3A_8, %get3A_9] : memref<100x100xf32, #tpu.memory_space<vmem>>, vector<100x100xf32>
    %dot_general3A_11 = arith.constant dense<0.000000e+00> : vector<207x100xf32>
    %dot_general3A_12 = tpu.matmul %get3A_1, %get3A_10, %dot_general3A_11 {dimension_numbers = #tpu.dot_dimension_numbers<[1], [0], [0], [1], [0, 0, 1, 1], [], []>, transpose_lhs_hint = false} : vector<207x100xf32>, vector<100x100xf32>, vector<207x100xf32> -> vector<207x100xf32>
    %swap3A_13 = arith.constant 0 : index
    %swap3A_14 = arith.constant 0 : index
    %swap3A_15 = vector.load %arg4[%swap3A_13, %swap3A_14] : memref<207x100xf32, #tpu.memory_space<vmem>>, vector<207x100xf32>
    tpu.vector_store %arg4[%swap3A_13, %swap3A_14], %dot_general3A_12 {strides = array<i32>} : memref<207x100xf32, #tpu.memory_space<vmem>>, vector<207x100xf32>,
    return
  }
}

module attributes {stable_mosaic.version = 14 : i64} {
  func.func @_edge_kernel(%arg0: i32, %arg1: memref<207x100xf32, #tpu.memory_space<vmem>>, %arg2: memref<8x100xf32, #tpu.memory_space<vmem>>, %arg3: memref<1x100xf32, #tpu.memory_space<vmem>>, %arg4: memref<100x2xf32, #tpu.memory_space<vmem>>, %arg5: memref<1x2xf32, #tpu.memory_space<vmem>>, %arg6: memref<4x8x207x2xf32, #tpu.memory_space<vmem>>, %arg7: memref<8x207x2xf32, #tpu.memory_space<vmem>>, %arg8: memref<4x8x207xf32, #tpu.memory_space<vmem>>) attributes {dimension_semantics = [#tpu.dimension_semantics<arbitrary>], iteration_bounds = array<i64: 26>, scalar_prefetch = 0 : i64, scratch_operands = 0 : i64, tpu.core_type = #tpu.core_type<tc>, window_params = [{pipeline_mode = #tpu.pipeline_mode<synchronous>, transform_indices = @transform_0, window_bounds = array<i64: 207, 100>}, {transform_indices = @transform_1, window_bounds = array<i64: 8, 100>}, {pipeline_mode = #tpu.pipeline_mode<synchronous>, transform_indices = @transform_2, window_bounds = array<i64: 1, 100>}, {pipeline_mode = #tpu.pipeline_mode<synchronous>, transform_indices = @transform_3, window_bounds = array<i64: 100, 2>}, {pipeline_mode = #tpu.pipeline_mode<synchronous>, transform_indices = @transform_4, window_bounds = array<i64: 1, 2>}, {transform_indices = @transform_5, window_bounds = array<i64: 4, 8, 207, 2>}, {transform_indices = @transform_6, window_bounds = array<i64: 8, 207, 2>}, {transform_indices = @transform_7, window_bounds = array<i64: 4, 8, 207>}]} {
    %get3A = arith.constant 0 : index
    %get3A_0 = arith.constant 0 : index
    %get3A_1 = vector.load %arg1[%get3A, %get3A_0] : memref<207x100xf32, #tpu.memory_space<vmem>>, vector<207x100xf32>
    %iota3A = tpu.iota {dimensions = array<i32: 1>} : vector<1x207xi32>
    %get3A_2 = arith.constant 0 : index
    %get3A_3 = arith.constant 0 : index
    %get3A_4 = vector.load %arg2[%get3A_2, %get3A_3] : memref<8x100xf32, #tpu.memory_space<vmem>>, vector<1x100xf32>
    %add3A = vector.broadcast %get3A_4 : vector<1x100xf32> to vector<207x100xf32>
    %add3A_5 = arith.addf %get3A_1, %add3A : vector<207x100xf32>
    %get3A_6 = arith.constant 0 : index
    %get3A_7 = arith.constant 0 : index
    %get3A_8 = vector.load %arg3[%get3A_6, %get3A_7] : memref<1x100xf32, #tpu.memory_space<vmem>>, vector<1x100xf32>
    %add3A_9 = vector.broadcast %get3A_8 : vector<1x100xf32> to vector<207x100xf32>
    %add3A_10 = arith.addf %add3A_5, %add3A_9 : vector<207x100xf32>
    %max3A = arith.constant 0.000000e+00 : f32
    %max3A_11 = vector.broadcast %max3A : f32 to vector<207x100xf32>
    %max3A_12 = arith.maximumf %add3A_10, %max3A_11 : vector<207x100xf32>
    %get3A_13 = arith.constant 0 : index
    %get3A_14 = arith.constant 0 : index
    %get3A_15 = vector.load %arg4[%get3A_13, %get3A_14] : memref<100x2xf32, #tpu.memory_space<vmem>>, vector<100x2xf32>
    %dot_general3A = arith.constant dense<0.000000e+00> : vector<207x2xf32>
    %dot_general3A_16 = tpu.matmul %max3A_12, %get3A_15, %dot_general3A {dimension_numbers = #tpu.dot_dimension_numbers<[1], [0], [0], [1], [0, 0, 1, 1], [], []>, transpose_lhs_hint = false} : vector<207x100xf32>, vector<100x2xf32>, vector<207x2xf32> -> vector<207x2xf32>
    %get3A_17 = arith.constant 0 : index
    %get3A_18 = arith.constant 0 : index
    %get3A_19 = vector.load %arg5[%get3A_17, %get3A_18] : memref<1x2xf32, #tpu.memory_space<vmem>>, vector<1x2xf32>
    %add3A_20 = vector.broadcast %get3A_19 : vector<1x2xf32> to vector<207x2xf32>
    %add3A_21 = arith.addf %dot_general3A_16, %add3A_20 : vector<207x2xf32>
    %reshape3A = vector.shape_cast %add3A_21 : vector<207x2xf32> to vector<1x207x2xf32>
    %swap3A = arith.constant 0 : index
    %swap3A_22 = arith.constant 0 : index
    %swap3A_23 = arith.constant 0 : index
    %swap3A_24 = vector.load %arg7[%swap3A, %swap3A_22, %swap3A_23] : memref<8x207x2xf32, #tpu.memory_space<vmem>>, vector<1x207x2xf32>
    tpu.vector_store %arg7[%swap3A, %swap3A_22, %swap3A_23], %reshape3A {strides = array<i32>} : memref<8x207x2xf32, #tpu.memory_space<vmem>>, vector<1x207x2xf32>,
    %slice3A = vector.extract_strided_slice %add3A_21 {offsets = [0, 0], sizes = [207, 1], strides = [1, 1]} : vector<207x2xf32> to vector<207x1xf32>
    %squeeze3A = vector.shape_cast %slice3A : vector<207x1xf32> to vector<207xf32>
    %reshape3A_25 = vector.shape_cast %squeeze3A : vector<207xf32> to vector<1x207xf32>
    %slice3A_26 = vector.extract_strided_slice %add3A_21 {offsets = [0, 1], sizes = [207, 1], strides = [1, 1]} : vector<207x2xf32> to vector<207x1xf32>
    %squeeze3A_27 = vector.shape_cast %slice3A_26 : vector<207x1xf32> to vector<207xf32>
    %reshape3A_28 = vector.shape_cast %squeeze3A_27 : vector<207xf32> to vector<1x207xf32>
    %mul3A = arith.constant 8 : i32
    %mul3A_29 = arith.muli %arg0, %mul3A : i32
    %add3A_30 = arith.constant 0 : i32
    %add3A_31 = arith.addi %mul3A_29, %add3A_30 : i32
    %ne3A = vector.broadcast %add3A_31 : i32 to vector<1x207xi32>
    %ne3A_32 = arith.cmpi ne, %iota3A, %ne3A : vector<1x207xi32>
    %convert_element_type3A = arith.extui %ne3A_32 : vector<1x207xi1> to vector<1x207xi32>
    %convert_element_type3A_33 = arith.sitofp %convert_element_type3A : vector<1x207xi32> to vector<1x207xf32>
    %get3A_34 = arith.constant 0 : index
    %get3A_35 = arith.constant 0 : index
    %get3A_36 = arith.constant 0 : index
    %get3A_37 = arith.constant 0 : index
    %get3A_38 = vector.load %arg6[%get3A_34, %get3A_35, %get3A_36, %get3A_37] : memref<4x8x207x2xf32, #tpu.memory_space<vmem>>, vector<1x1x207x1xf32>
    %get3A_39 = vector.shape_cast %get3A_38 : vector<1x1x207x1xf32> to vector<1x207xf32>
    %get3A_40 = arith.constant 0 : index
    %get3A_41 = arith.constant 0 : index
    %get3A_42 = arith.constant 0 : index
    %get3A_43 = arith.constant 1 : index
    %get3A_44 = vector.load %arg6[%get3A_40, %get3A_41, %get3A_42, %get3A_43] : memref<4x8x207x2xf32, #tpu.memory_space<vmem>>, vector<1x1x207x1xf32>
    %get3A_45 = vector.shape_cast %get3A_44 : vector<1x1x207x1xf32> to vector<1x207xf32>
    %add3A_46 = arith.constant 9.99999968E-21 : f32
    %add3A_47 = vector.broadcast %add3A_46 : f32 to vector<1x207xf32>
    %add3A_48 = arith.addf %get3A_39, %add3A_47 : vector<1x207xf32>
    %log3A = math.log %add3A_48 : vector<1x207xf32>
    %neg3A = arith.constant 0.000000e+00 : f32
    %neg3A_49 = vector.broadcast %neg3A : f32 to vector<1x207xf32>
    %neg3A_50 = arith.subf %neg3A_49, %log3A : vector<1x207xf32>
    %add3A_51 = arith.constant 9.99999968E-21 : f32
    %add3A_52 = vector.broadcast %add3A_51 : f32 to vector<1x207xf32>
    %add3A_53 = arith.addf %neg3A_50, %add3A_52 : vector<1x207xf32>
    %log3A_54 = math.log %add3A_53 : vector<1x207xf32>
    %neg3A_55 = arith.constant 0.000000e+00 : f32
    %neg3A_56 = vector.broadcast %neg3A_55 : f32 to vector<1x207xf32>
    %neg3A_57 = arith.subf %neg3A_56, %log3A_54 : vector<1x207xf32>
    %add3A_58 = arith.constant 9.99999968E-21 : f32
    %add3A_59 = vector.broadcast %add3A_58 : f32 to vector<1x207xf32>
    %add3A_60 = arith.addf %get3A_45, %add3A_59 : vector<1x207xf32>
    %log3A_61 = math.log %add3A_60 : vector<1x207xf32>
    %neg3A_62 = arith.constant 0.000000e+00 : f32
    %neg3A_63 = vector.broadcast %neg3A_62 : f32 to vector<1x207xf32>
    %neg3A_64 = arith.subf %neg3A_63, %log3A_61 : vector<1x207xf32>
    %add3A_65 = arith.constant 9.99999968E-21 : f32
    %add3A_66 = vector.broadcast %add3A_65 : f32 to vector<1x207xf32>
    %add3A_67 = arith.addf %neg3A_64, %add3A_66 : vector<1x207xf32>
    %log3A_68 = math.log %add3A_67 : vector<1x207xf32>
    %neg3A_69 = arith.constant 0.000000e+00 : f32
    %neg3A_70 = vector.broadcast %neg3A_69 : f32 to vector<1x207xf32>
    %neg3A_71 = arith.subf %neg3A_70, %log3A_68 : vector<1x207xf32>
    %add3A_72 = arith.addf %reshape3A_25, %neg3A_57 : vector<1x207xf32>
    %mul3A_73 = arith.constant 2.000000e+00 : f32
    %mul3A_74 = vector.broadcast %mul3A_73 : f32 to vector<1x207xf32>
    %mul3A_75 = arith.mulf %add3A_72, %mul3A_74 : vector<1x207xf32>
    %add3A_76 = arith.addf %reshape3A_28, %neg3A_71 : vector<1x207xf32>
    %mul3A_77 = arith.constant 2.000000e+00 : f32
    %mul3A_78 = vector.broadcast %mul3A_77 : f32 to vector<1x207xf32>
    %mul3A_79 = arith.mulf %add3A_76, %mul3A_78 : vector<1x207xf32>
    %max3A_80 = arith.maximumf %mul3A_75, %mul3A_79 : vector<1x207xf32>
    %sub3A = arith.subf %mul3A_75, %max3A_80 : vector<1x207xf32>
    %exp3A = math.exp %sub3A : vector<1x207xf32>
    %sub3A_81 = arith.subf %mul3A_79, %max3A_80 : vector<1x207xf32>
    %exp3A_82 = math.exp %sub3A_81 : vector<1x207xf32>
    %add3A_83 = arith.addf %exp3A, %exp3A_82 : vector<1x207xf32>
    %div3A = arith.divf %exp3A, %add3A_83 : vector<1x207xf32>
    %ge3A = arith.cmpf oge, %mul3A_75, %mul3A_79 : vector<1x207xf32>
    %convert_element_type3A_84 = arith.extui %ge3A : vector<1x207xi1> to vector<1x207xi32>
    %convert_element_type3A_85 = arith.sitofp %convert_element_type3A_84 : vector<1x207xi32> to vector<1x207xf32>
    %sub3A_86 = arith.subf %convert_element_type3A_85, %div3A : vector<1x207xf32>
    %add3A_87 = arith.addf %sub3A_86, %div3A : vector<1x207xf32>
    %mul3A_88 = arith.mulf %add3A_87, %convert_element_type3A_33 : vector<1x207xf32>
    %swap3A_89 = arith.constant 0 : index
    %swap3A_90 = arith.constant 0 : index
    %swap3A_91 = arith.constant 0 : index
    %swap3A_92 = vector.load %arg8[%swap3A_89, %swap3A_90, %swap3A_91] : memref<4x8x207xf32, #tpu.memory_space<vmem>>, vector<1x1x207xf32>
    %swap3A_93 = vector.shape_cast %swap3A_92 : vector<1x1x207xf32> to vector<1x207xf32>
    %swap3A_94 = vector.shape_cast %mul3A_88 : vector<1x207xf32> to vector<1x1x207xf32>
    tpu.vector_store %arg8[%swap3A_89, %swap3A_90, %swap3A_91], %swap3A_94 {strides = array<i32>} : memref<4x8x207xf32, #tpu.memory_space<vmem>>, vector<1x1x207xf32>,
    %get3A_95 = arith.constant 1 : index
    %get3A_96 = arith.constant 0 : index
    %get3A_97 = arith.constant 0 : index
    %get3A_98 = arith.constant 0 : index
    %get3A_99 = vector.load %arg6[%get3A_95, %get3A_96, %get3A_97, %get3A_98] : memref<4x8x207x2xf32, #tpu.memory_space<vmem>>, vector<1x1x207x1xf32>
    %get3A_100 = vector.shape_cast %get3A_99 : vector<1x1x207x1xf32> to vector<1x207xf32>
    %get3A_101 = arith.constant 1 : index
    %get3A_102 = arith.constant 0 : index
    %get3A_103 = arith.constant 0 : index
    %get3A_104 = arith.constant 1 : index
    %get3A_105 = vector.load %arg6[%get3A_101, %get3A_102, %get3A_103, %get3A_104] : memref<4x8x207x2xf32, #tpu.memory_space<vmem>>, vector<1x1x207x1xf32>
    %get3A_106 = vector.shape_cast %get3A_105 : vector<1x1x207x1xf32> to vector<1x207xf32>
    %add3A_107 = arith.constant 9.99999968E-21 : f32
    %add3A_108 = vector.broadcast %add3A_107 : f32 to vector<1x207xf32>
    %add3A_109 = arith.addf %get3A_100, %add3A_108 : vector<1x207xf32>
    %log3A_110 = math.log %add3A_109 : vector<1x207xf32>
    %neg3A_111 = arith.constant 0.000000e+00 : f32
    %neg3A_112 = vector.broadcast %neg3A_111 : f32 to vector<1x207xf32>
    %neg3A_113 = arith.subf %neg3A_112, %log3A_110 : vector<1x207xf32>
    %add3A_114 = arith.constant 9.99999968E-21 : f32
    %add3A_115 = vector.broadcast %add3A_114 : f32 to vector<1x207xf32>
    %add3A_116 = arith.addf %neg3A_113, %add3A_115 : vector<1x207xf32>
    %log3A_117 = math.log %add3A_116 : vector<1x207xf32>
    %neg3A_118 = arith.constant 0.000000e+00 : f32
    %neg3A_119 = vector.broadcast %neg3A_118 : f32 to vector<1x207xf32>
    %neg3A_120 = arith.subf %neg3A_119, %log3A_117 : vector<1x207xf32>
    %add3A_121 = arith.constant 9.99999968E-21 : f32
    %add3A_122 = vector.broadcast %add3A_121 : f32 to vector<1x207xf32>
    %add3A_123 = arith.addf %get3A_106, %add3A_122 : vector<1x207xf32>
    %log3A_124 = math.log %add3A_123 : vector<1x207xf32>
    %neg3A_125 = arith.constant 0.000000e+00 : f32
    %neg3A_126 = vector.broadcast %neg3A_125 : f32 to vector<1x207xf32>
    %neg3A_127 = arith.subf %neg3A_126, %log3A_124 : vector<1x207xf32>
    %add3A_128 = arith.constant 9.99999968E-21 : f32
    %add3A_129 = vector.broadcast %add3A_128 : f32 to vector<1x207xf32>
    %add3A_130 = arith.addf %neg3A_127, %add3A_129 : vector<1x207xf32>
    %log3A_131 = math.log %add3A_130 : vector<1x207xf32>
    %neg3A_132 = arith.constant 0.000000e+00 : f32
    %neg3A_133 = vector.broadcast %neg3A_132 : f32 to vector<1x207xf32>
    %neg3A_134 = arith.subf %neg3A_133, %log3A_131 : vector<1x207xf32>
    %add3A_135 = arith.addf %reshape3A_25, %neg3A_120 : vector<1x207xf32>
    %mul3A_136 = arith.constant 2.000000e+00 : f32
    %mul3A_137 = vector.broadcast %mul3A_136 : f32 to vector<1x207xf32>
    %mul3A_138 = arith.mulf %add3A_135, %mul3A_137 : vector<1x207xf32>
    %add3A_139 = arith.addf %reshape3A_28, %neg3A_134 : vector<1x207xf32>
    %mul3A_140 = arith.constant 2.000000e+00 : f32
    %mul3A_141 = vector.broadcast %mul3A_140 : f32 to vector<1x207xf32>
    %mul3A_142 = arith.mulf %add3A_139, %mul3A_141 : vector<1x207xf32>
    %max3A_143 = arith.maximumf %mul3A_138, %mul3A_142 : vector<1x207xf32>
    %sub3A_144 = arith.subf %mul3A_138, %max3A_143 : vector<1x207xf32>
    %exp3A_145 = math.exp %sub3A_144 : vector<1x207xf32>
    %sub3A_146 = arith.subf %mul3A_142, %max3A_143 : vector<1x207xf32>
    %exp3A_147 = math.exp %sub3A_146 : vector<1x207xf32>
    %add3A_148 = arith.addf %exp3A_145, %exp3A_147 : vector<1x207xf32>
    %div3A_149 = arith.divf %exp3A_145, %add3A_148 : vector<1x207xf32>
    %ge3A_150 = arith.cmpf oge, %mul3A_138, %mul3A_142 : vector<1x207xf32>
    %convert_element_type3A_151 = arith.extui %ge3A_150 : vector<1x207xi1> to vector<1x207xi32>
    %convert_element_type3A_152 = arith.sitofp %convert_element_type3A_151 : vector<1x207xi32> to vector<1x207xf32>
    %sub3A_153 = arith.subf %convert_element_type3A_152, %div3A_149 : vector<1x207xf32>
    %add3A_154 = arith.addf %sub3A_153, %div3A_149 : vector<1x207xf32>
    %mul3A_155 = arith.mulf %add3A_154, %convert_element_type3A_33 : vector<1x207xf32>
    %swap3A_156 = arith.constant 1 : index
    %swap3A_157 = arith.constant 0 : index
    %swap3A_158 = arith.constant 0 : index
    %swap3A_159 = vector.load %arg8[%swap3A_156, %swap3A_157, %swap3A_158] : memref<4x8x207xf32, #tpu.memory_space<vmem>>, vector<1x1x207xf32>
    %swap3A_160 = vector.shape_cast %swap3A_159 : vector<1x1x207xf32> to vector<1x207xf32>
    %swap3A_161 = vector.shape_cast %mul3A_155 : vector<1x207xf32> to vector<1x1x207xf32>
    tpu.vector_store %arg8[%swap3A_156, %swap3A_157, %swap3A_158], %swap3A_161 {strides = array<i32>} : memref<4x8x207xf32, #tpu.memory_space<vmem>>, vector<1x1x207xf32>,
    %get3A_162 = arith.constant 2 : index
    %get3A_163 = arith.constant 0 : index
    %get3A_164 = arith.constant 0 : index
    %get3A_165 = arith.constant 0 : index
    %get3A_166 = vector.load %arg6[%get3A_162, %get3A_163, %get3A_164, %get3A_165] : memref<4x8x207x2xf32, #tpu.memory_space<vmem>>, vector<1x1x207x1xf32>
    %get3A_167 = vector.shape_cast %get3A_166 : vector<1x1x207x1xf32> to vector<1x207xf32>
    %get3A_168 = arith.constant 2 : index
    %get3A_169 = arith.constant 0 : index
    %get3A_170 = arith.constant 0 : index
    %get3A_171 = arith.constant 1 : index
    %get3A_172 = vector.load %arg6[%get3A_168, %get3A_169, %get3A_170, %get3A_171] : memref<4x8x207x2xf32, #tpu.memory_space<vmem>>, vector<1x1x207x1xf32>
    %get3A_173 = vector.shape_cast %get3A_172 : vector<1x1x207x1xf32> to vector<1x207xf32>
    %add3A_174 = arith.constant 9.99999968E-21 : f32
    %add3A_175 = vector.broadcast %add3A_174 : f32 to vector<1x207xf32>
    %add3A_176 = arith.addf %get3A_167, %add3A_175 : vector<1x207xf32>
    %log3A_177 = math.log %add3A_176 : vector<1x207xf32>
    %neg3A_178 = arith.constant 0.000000e+00 : f32
    %neg3A_179 = vector.broadcast %neg3A_178 : f32 to vector<1x207xf32>
    %neg3A_180 = arith.subf %neg3A_179, %log3A_177 : vector<1x207xf32>
    %add3A_181 = arith.constant 9.99999968E-21 : f32
    %add3A_182 = vector.broadcast %add3A_181 : f32 to vector<1x207xf32>
    %add3A_183 = arith.addf %neg3A_180, %add3A_182 : vector<1x207xf32>
    %log3A_184 = math.log %add3A_183 : vector<1x207xf32>
    %neg3A_185 = arith.constant 0.000000e+00 : f32
    %neg3A_186 = vector.broadcast %neg3A_185 : f32 to vector<1x207xf32>
    %neg3A_187 = arith.subf %neg3A_186, %log3A_184 : vector<1x207xf32>
    %add3A_188 = arith.constant 9.99999968E-21 : f32
    %add3A_189 = vector.broadcast %add3A_188 : f32 to vector<1x207xf32>
    %add3A_190 = arith.addf %get3A_173, %add3A_189 : vector<1x207xf32>
    %log3A_191 = math.log %add3A_190 : vector<1x207xf32>
    %neg3A_192 = arith.constant 0.000000e+00 : f32
    %neg3A_193 = vector.broadcast %neg3A_192 : f32 to vector<1x207xf32>
    %neg3A_194 = arith.subf %neg3A_193, %log3A_191 : vector<1x207xf32>
    %add3A_195 = arith.constant 9.99999968E-21 : f32
    %add3A_196 = vector.broadcast %add3A_195 : f32 to vector<1x207xf32>
    %add3A_197 = arith.addf %neg3A_194, %add3A_196 : vector<1x207xf32>
    %log3A_198 = math.log %add3A_197 : vector<1x207xf32>
    %neg3A_199 = arith.constant 0.000000e+00 : f32
    %neg3A_200 = vector.broadcast %neg3A_199 : f32 to vector<1x207xf32>
    %neg3A_201 = arith.subf %neg3A_200, %log3A_198 : vector<1x207xf32>
    %add3A_202 = arith.addf %reshape3A_25, %neg3A_187 : vector<1x207xf32>
    %mul3A_203 = arith.constant 2.000000e+00 : f32
    %mul3A_204 = vector.broadcast %mul3A_203 : f32 to vector<1x207xf32>
    %mul3A_205 = arith.mulf %add3A_202, %mul3A_204 : vector<1x207xf32>
    %add3A_206 = arith.addf %reshape3A_28, %neg3A_201 : vector<1x207xf32>
    %mul3A_207 = arith.constant 2.000000e+00 : f32
    %mul3A_208 = vector.broadcast %mul3A_207 : f32 to vector<1x207xf32>
    %mul3A_209 = arith.mulf %add3A_206, %mul3A_208 : vector<1x207xf32>
    %max3A_210 = arith.maximumf %mul3A_205, %mul3A_209 : vector<1x207xf32>
    %sub3A_211 = arith.subf %mul3A_205, %max3A_210 : vector<1x207xf32>
    %exp3A_212 = math.exp %sub3A_211 : vector<1x207xf32>
    %sub3A_213 = arith.subf %mul3A_209, %max3A_210 : vector<1x207xf32>
    %exp3A_214 = math.exp %sub3A_213 : vector<1x207xf32>
    %add3A_215 = arith.addf %exp3A_212, %exp3A_214 : vector<1x207xf32>
    %div3A_216 = arith.divf %exp3A_212, %add3A_215 : vector<1x207xf32>
    %ge3A_217 = arith.cmpf oge, %mul3A_205, %mul3A_209 : vector<1x207xf32>
    %convert_element_type3A_218 = arith.extui %ge3A_217 : vector<1x207xi1> to vector<1x207xi32>
    %convert_element_type3A_219 = arith.sitofp %convert_element_type3A_218 : vector<1x207xi32> to vector<1x207xf32>
    %sub3A_220 = arith.subf %convert_element_type3A_219, %div3A_216 : vector<1x207xf32>
    %add3A_221 = arith.addf %sub3A_220, %div3A_216 : vector<1x207xf32>
    %mul3A_222 = arith.mulf %add3A_221, %convert_element_type3A_33 : vector<1x207xf32>
    %swap3A_223 = arith.constant 2 : index
    %swap3A_224 = arith.constant 0 : index
    %swap3A_225 = arith.constant 0 : index
    %swap3A_226 = vector.load %arg8[%swap3A_223, %swap3A_224, %swap3A_225] : memref<4x8x207xf32, #tpu.memory_space<vmem>>, vector<1x1x207xf32>
    %swap3A_227 = vector.shape_cast %swap3A_226 : vector<1x1x207xf32> to vector<1x207xf32>
    %swap3A_228 = vector.shape_cast %mul3A_222 : vector<1x207xf32> to vector<1x1x207xf32>
    tpu.vector_store %arg8[%swap3A_223, %swap3A_224, %swap3A_225], %swap3A_228 {strides = array<i32>} : memref<4x8x207xf32, #tpu.memory_space<vmem>>, vector<1x1x207xf32>,
    %get3A_229 = arith.constant 3 : index
    %get3A_230 = arith.constant 0 : index
    %get3A_231 = arith.constant 0 : index
    %get3A_232 = arith.constant 0 : index
    %get3A_233 = vector.load %arg6[%get3A_229, %get3A_230, %get3A_231, %get3A_232] : memref<4x8x207x2xf32, #tpu.memory_space<vmem>>, vector<1x1x207x1xf32>
    %get3A_234 = vector.shape_cast %get3A_233 : vector<1x1x207x1xf32> to vector<1x207xf32>
    %get3A_235 = arith.constant 3 : index
    %get3A_236 = arith.constant 0 : index
    %get3A_237 = arith.constant 0 : index
    %get3A_238 = arith.constant 1 : index
    %get3A_239 = vector.load %arg6[%get3A_235, %get3A_236, %get3A_237, %get3A_238] : memref<4x8x207x2xf32, #tpu.memory_space<vmem>>, vector<1x1x207x1xf32>
    %get3A_240 = vector.shape_cast %get3A_239 : vector<1x1x207x1xf32> to vector<1x207xf32>
    %add3A_241 = arith.constant 9.99999968E-21 : f32
    %add3A_242 = vector.broadcast %add3A_241 : f32 to vector<1x207xf32>
    %add3A_243 = arith.addf %get3A_234, %add3A_242 : vector<1x207xf32>
    %log3A_244 = math.log %add3A_243 : vector<1x207xf32>
    %neg3A_245 = arith.constant 0.000000e+00 : f32
    %neg3A_246 = vector.broadcast %neg3A_245 : f32 to vector<1x207xf32>
    %neg3A_247 = arith.subf %neg3A_246, %log3A_244 : vector<1x207xf32>
    %add3A_248 = arith.constant 9.99999968E-21 : f32
    %add3A_249 = vector.broadcast %add3A_248 : f32 to vector<1x207xf32>
    %add3A_250 = arith.addf %neg3A_247, %add3A_249 : vector<1x207xf32>
    %log3A_251 = math.log %add3A_250 : vector<1x207xf32>
    %neg3A_252 = arith.constant 0.000000e+00 : f32
    %neg3A_253 = vector.broadcast %neg3A_252 : f32 to vector<1x207xf32>
    %neg3A_254 = arith.subf %neg3A_253, %log3A_251 : vector<1x207xf32>
    %add3A_255 = arith.constant 9.99999968E-21 : f32
    %add3A_256 = vector.broadcast %add3A_255 : f32 to vector<1x207xf32>
    %add3A_257 = arith.addf %get3A_240, %add3A_256 : vector<1x207xf32>
    %log3A_258 = math.log %add3A_257 : vector<1x207xf32>
    %neg3A_259 = arith.constant 0.000000e+00 : f32
    %neg3A_260 = vector.broadcast %neg3A_259 : f32 to vector<1x207xf32>
    %neg3A_261 = arith.subf %neg3A_260, %log3A_258 : vector<1x207xf32>
    %add3A_262 = arith.constant 9.99999968E-21 : f32
    %add3A_263 = vector.broadcast %add3A_262 : f32 to vector<1x207xf32>
    %add3A_264 = arith.addf %neg3A_261, %add3A_263 : vector<1x207xf32>
    %log3A_265 = math.log %add3A_264 : vector<1x207xf32>
    %neg3A_266 = arith.constant 0.000000e+00 : f32
    %neg3A_267 = vector.broadcast %neg3A_266 : f32 to vector<1x207xf32>
    %neg3A_268 = arith.subf %neg3A_267, %log3A_265 : vector<1x207xf32>
    %add3A_269 = arith.addf %reshape3A_25, %neg3A_254 : vector<1x207xf32>
    %mul3A_270 = arith.constant 2.000000e+00 : f32
    %mul3A_271 = vector.broadcast %mul3A_270 : f32 to vector<1x207xf32>
    %mul3A_272 = arith.mulf %add3A_269, %mul3A_271 : vector<1x207xf32>
    %add3A_273 = arith.addf %reshape3A_28, %neg3A_268 : vector<1x207xf32>
    %mul3A_274 = arith.constant 2.000000e+00 : f32
    %mul3A_275 = vector.broadcast %mul3A_274 : f32 to vector<1x207xf32>
    %mul3A_276 = arith.mulf %add3A_273, %mul3A_275 : vector<1x207xf32>
    %max3A_277 = arith.maximumf %mul3A_272, %mul3A_276 : vector<1x207xf32>
    %sub3A_278 = arith.subf %mul3A_272, %max3A_277 : vector<1x207xf32>
    %exp3A_279 = math.exp %sub3A_278 : vector<1x207xf32>
    %sub3A_280 = arith.subf %mul3A_276, %max3A_277 : vector<1x207xf32>
    %exp3A_281 = math.exp %sub3A_280 : vector<1x207xf32>
    %add3A_282 = arith.addf %exp3A_279, %exp3A_281 : vector<1x207xf32>
    %div3A_283 = arith.divf %exp3A_279, %add3A_282 : vector<1x207xf32>
    %ge3A_284 = arith.cmpf oge, %mul3A_272, %mul3A_276 : vector<1x207xf32>
    %convert_element_type3A_285 = arith.extui %ge3A_284 : vector<1x207xi1> to vector<1x207xi32>
    %convert_element_type3A_286 = arith.sitofp %convert_element_type3A_285 : vector<1x207xi32> to vector<1x207xf32>
    %sub3A_287 = arith.subf %convert_element_type3A_286, %div3A_283 : vector<1x207xf32>
    %add3A_288 = arith.addf %sub3A_287, %div3A_283 : vector<1x207xf32>
    %mul3A_289 = arith.mulf %add3A_288, %convert_element_type3A_33 : vector<1x207xf32>
    %swap3A_290 = arith.constant 3 : index
    %swap3A_291 = arith.constant 0 : index
    %swap3A_292 = arith.constant 0 : index
    %swap3A_293 = vector.load %arg8[%swap3A_290, %swap3A_291, %swap3A_292] : memref<4x8x207xf32, #tpu.memory_space<vmem>>, vector<1x1x207xf32>
    %swap3A_294 = vector.shape_cast %swap3A_293 : vector<1x1x207xf32> to vector<1x207xf32>
    %swap3A_295 = vector.shape_cast %mul3A_289 : vector<1x207xf32> to vector<1x1x207xf32>
    tpu.vector_store %arg8[%swap3A_290, %swap3A_291, %swap3A_292], %swap3A_295 {strides = array<i32>} : memref<4x8x207xf32, #tpu.memory_space<vmem>>, vector<1x1x207xf32>,
    %get3A_296 = arith.constant 1 : index
    %get3A_297 = arith.constant 0 : index
    %get3A_298 = vector.load %arg2[%get3A_296, %get3A_297] : memref<8x100xf32, #tpu.memory_space<vmem>>, vector<1x100xf32>
    %add3A_299 = vector.broadcast %get3A_298 : vector<1x100xf32> to vector<207x100xf32>
    %add3A_300 = arith.addf %get3A_1, %add3A_299 : vector<207x100xf32>
    %get3A_301 = arith.constant 0 : index
    %get3A_302 = arith.constant 0 : index
    %get3A_303 = vector.load %arg3[%get3A_301, %get3A_302] : memref<1x100xf32, #tpu.memory_space<vmem>>, vector<1x100xf32>
    %add3A_304 = vector.broadcast %get3A_303 : vector<1x100xf32> to vector<207x100xf32>
    %add3A_305 = arith.addf %add3A_300, %add3A_304 : vector<207x100xf32>
    %max3A_306 = arith.constant 0.000000e+00 : f32
    %max3A_307 = vector.broadcast %max3A_306 : f32 to vector<207x100xf32>
    %max3A_308 = arith.maximumf %add3A_305, %max3A_307 : vector<207x100xf32>
    %get3A_309 = arith.constant 0 : index
    %get3A_310 = arith.constant 0 : index
    %get3A_311 = vector.load %arg4[%get3A_309, %get3A_310] : memref<100x2xf32, #tpu.memory_space<vmem>>, vector<100x2xf32>
    %dot_general3A_312 = arith.constant dense<0.000000e+00> : vector<207x2xf32>
    %dot_general3A_313 = tpu.matmul %max3A_308, %get3A_311, %dot_general3A_312 {dimension_numbers = #tpu.dot_dimension_numbers<[1], [0], [0], [1], [0, 0, 1, 1], [], []>, transpose_lhs_hint = false} : vector<207x100xf32>, vector<100x2xf32>, vector<207x2xf32> -> vector<207x2xf32>
    %get3A_314 = arith.constant 0 : index
    %get3A_315 = arith.constant 0 : index
    %get3A_316 = vector.load %arg5[%get3A_314, %get3A_315] : memref<1x2xf32, #tpu.memory_space<vmem>>, vector<1x2xf32>
    %add3A_317 = vector.broadcast %get3A_316 : vector<1x2xf32> to vector<207x2xf32>
    %add3A_318 = arith.addf %dot_general3A_313, %add3A_317 : vector<207x2xf32>
    %reshape3A_319 = vector.shape_cast %add3A_318 : vector<207x2xf32> to vector<1x207x2xf32>
    %swap3A_320 = arith.constant 1 : index
    %swap3A_321 = arith.constant 0 : index
    %swap3A_322 = arith.constant 0 : index
    %swap3A_323 = vector.load %arg7[%swap3A_320, %swap3A_321, %swap3A_322] : memref<8x207x2xf32, #tpu.memory_space<vmem>>, vector<1x207x2xf32>
    tpu.vector_store %arg7[%swap3A_320, %swap3A_321, %swap3A_322], %reshape3A_319 {strides = array<i32>} : memref<8x207x2xf32, #tpu.memory_space<vmem>>, vector<1x207x2xf32>,
    %slice3A_324 = vector.extract_strided_slice %add3A_318 {offsets = [0, 0], sizes = [207, 1], strides = [1, 1]} : vector<207x2xf32> to vector<207x1xf32>
    %squeeze3A_325 = vector.shape_cast %slice3A_324 : vector<207x1xf32> to vector<207xf32>
    %reshape3A_326 = vector.shape_cast %squeeze3A_325 : vector<207xf32> to vector<1x207xf32>
    %slice3A_327 = vector.extract_strided_slice %add3A_318 {offsets = [0, 1], sizes = [207, 1], strides = [1, 1]} : vector<207x2xf32> to vector<207x1xf32>
    %squeeze3A_328 = vector.shape_cast %slice3A_327 : vector<207x1xf32> to vector<207xf32>
    %reshape3A_329 = vector.shape_cast %squeeze3A_328 : vector<207xf32> to vector<1x207xf32>
    %mul3A_330 = arith.constant 8 : i32
    %mul3A_331 = arith.muli %arg0, %mul3A_330 : i32
    %add3A_332 = arith.constant 1 : i32
    %add3A_333 = arith.addi %mul3A_331, %add3A_332 : i32
    %ne3A_334 = vector.broadcast %add3A_333 : i32 to vector<1x207xi32>
    %ne3A_335 = arith.cmpi ne, %iota3A, %ne3A_334 : vector<1x207xi32>
    %convert_element_type3A_336 = arith.extui %ne3A_335 : vector<1x207xi1> to vector<1x207xi32>
    %convert_element_type3A_337 = arith.sitofp %convert_element_type3A_336 : vector<1x207xi32> to vector<1x207xf32>
    %get3A_338 = arith.constant 0 : index
    %get3A_339 = arith.constant 1 : index
    %get3A_340 = arith.constant 0 : index
    %get3A_341 = arith.constant 0 : index
    %get3A_342 = vector.load %arg6[%get3A_338, %get3A_339, %get3A_340, %get3A_341] : memref<4x8x207x2xf32, #tpu.memory_space<vmem>>, vector<1x1x207x1xf32>
    %get3A_343 = vector.shape_cast %get3A_342 : vector<1x1x207x1xf32> to vector<1x207xf32>
    %get3A_344 = arith.constant 0 : index
    %get3A_345 = arith.constant 1 : index
    %get3A_346 = arith.constant 0 : index
    %get3A_347 = arith.constant 1 : index
    %get3A_348 = vector.load %arg6[%get3A_344, %get3A_345, %get3A_346, %get3A_347] : memref<4x8x207x2xf32, #tpu.memory_space<vmem>>, vector<1x1x207x1xf32>
    %get3A_349 = vector.shape_cast %get3A_348 : vector<1x1x207x1xf32> to vector<1x207xf32>
    %add3A_350 = arith.constant 9.99999968E-21 : f32
    %add3A_351 = vector.broadcast %add3A_350 : f32 to vector<1x207xf32>
    %add3A_352 = arith.addf %get3A_343, %add3A_351 : vector<1x207xf32>
    %log3A_353 = math.log %add3A_352 : vector<1x207xf32>
    %neg3A_354 = arith.constant 0.000000e+00 : f32
    %neg3A_355 = vector.broadcast %neg3A_354 : f32 to vector<1x207xf32>
    %neg3A_356 = arith.subf %neg3A_355, %log3A_353 : vector<1x207xf32>
    %add3A_357 = arith.constant 9.99999968E-21 : f32
    %add3A_358 = vector.broadcast %add3A_357 : f32 to vector<1x207xf32>
    %add3A_359 = arith.addf %neg3A_356, %add3A_358 : vector<1x207xf32>
    %log3A_360 = math.log %add3A_359 : vector<1x207xf32>
    %neg3A_361 = arith.constant 0.000000e+00 : f32
    %neg3A_362 = vector.broadcast %neg3A_361 : f32 to vector<1x207xf32>
    %neg3A_363 = arith.subf %neg3A_362, %log3A_360 : vector<1x207xf32>
    %add3A_364 = arith.constant 9.99999968E-21 : f32
    %add3A_365 = vector.broadcast %add3A_364 : f32 to vector<1x207xf32>
    %add3A_366 = arith.addf %get3A_349, %add3A_365 : vector<1x207xf32>
    %log3A_367 = math.log %add3A_366 : vector<1x207xf32>
    %neg3A_368 = arith.constant 0.000000e+00 : f32
    %neg3A_369 = vector.broadcast %neg3A_368 : f32 to vector<1x207xf32>
    %neg3A_370 = arith.subf %neg3A_369, %log3A_367 : vector<1x207xf32>
    %add3A_371 = arith.constant 9.99999968E-21 : f32
    %add3A_372 = vector.broadcast %add3A_371 : f32 to vector<1x207xf32>
    %add3A_373 = arith.addf %neg3A_370, %add3A_372 : vector<1x207xf32>
    %log3A_374 = math.log %add3A_373 : vector<1x207xf32>
    %neg3A_375 = arith.constant 0.000000e+00 : f32
    %neg3A_376 = vector.broadcast %neg3A_375 : f32 to vector<1x207xf32>
    %neg3A_377 = arith.subf %neg3A_376, %log3A_374 : vector<1x207xf32>
    %add3A_378 = arith.addf %reshape3A_326, %neg3A_363 : vector<1x207xf32>
    %mul3A_379 = arith.constant 2.000000e+00 : f32
    %mul3A_380 = vector.broadcast %mul3A_379 : f32 to vector<1x207xf32>
    %mul3A_381 = arith.mulf %add3A_378, %mul3A_380 : vector<1x207xf32>
    %add3A_382 = arith.addf %reshape3A_329, %neg3A_377 : vector<1x207xf32>
    %mul3A_383 = arith.constant 2.000000e+00 : f32
    %mul3A_384 = vector.broadcast %mul3A_383 : f32 to vector<1x207xf32>
    %mul3A_385 = arith.mulf %add3A_382, %mul3A_384 : vector<1x207xf32>
    %max3A_386 = arith.maximumf %mul3A_381, %mul3A_385 : vector<1x207xf32>
    %sub3A_387 = arith.subf %mul3A_381, %max3A_386 : vector<1x207xf32>
    %exp3A_388 = math.exp %sub3A_387 : vector<1x207xf32>
    %sub3A_389 = arith.subf %mul3A_385, %max3A_386 : vector<1x207xf32>
    %exp3A_390 = math.exp %sub3A_389 : vector<1x207xf32>
    %add3A_391 = arith.addf %exp3A_388, %exp3A_390 : vector<1x207xf32>
    %div3A_392 = arith.divf %exp3A_388, %add3A_391 : vector<1x207xf32>
    %ge3A_393 = arith.cmpf oge, %mul3A_381, %mul3A_385 : vector<1x207xf32>
    %convert_element_type3A_394 = arith.extui %ge3A_393 : vector<1x207xi1> to vector<1x207xi32>
    %convert_element_type3A_395 = arith.sitofp %convert_element_type3A_394 : vector<1x207xi32> to vector<1x207xf32>
    %sub3A_396 = arith.subf %convert_element_type3A_395, %div3A_392 : vector<1x207xf32>
    %add3A_397 = arith.addf %sub3A_396, %div3A_392 : vector<1x207xf32>
    %mul3A_398 = arith.mulf %add3A_397, %convert_element_type3A_337 : vector<1x207xf32>
    %swap3A_399 = arith.constant 0 : index
    %swap3A_400 = arith.constant 1 : index
    %swap3A_401 = arith.constant 0 : index
    %swap3A_402 = vector.load %arg8[%swap3A_399, %swap3A_400, %swap3A_401] : memref<4x8x207xf32, #tpu.memory_space<vmem>>, vector<1x1x207xf32>
    %swap3A_403 = vector.shape_cast %swap3A_402 : vector<1x1x207xf32> to vector<1x207xf32>
    %swap3A_404 = vector.shape_cast %mul3A_398 : vector<1x207xf32> to vector<1x1x207xf32>
    tpu.vector_store %arg8[%swap3A_399, %swap3A_400, %swap3A_401], %swap3A_404 {strides = array<i32>} : memref<4x8x207xf32, #tpu.memory_space<vmem>>, vector<1x1x207xf32>,
    %get3A_405 = arith.constant 1 : index
    %get3A_406 = arith.constant 1 : index
    %get3A_407 = arith.constant 0 : index
    %get3A_408 = arith.constant 0 : index
    %get3A_409 = vector.load %arg6[%get3A_405, %get3A_406, %get3A_407, %get3A_408] : memref<4x8x207x2xf32, #tpu.memory_space<vmem>>, vector<1x1x207x1xf32>
    %get3A_410 = vector.shape_cast %get3A_409 : vector<1x1x207x1xf32> to vector<1x207xf32>
    %get3A_411 = arith.constant 1 : index
    %get3A_412 = arith.constant 1 : index
    %get3A_413 = arith.constant 0 : index
    %get3A_414 = arith.constant 1 : index
    %get3A_415 = vector.load %arg6[%get3A_411, %get3A_412, %get3A_413, %get3A_414] : memref<4x8x207x2xf32, #tpu.memory_space<vmem>>, vector<1x1x207x1xf32>
    %get3A_416 = vector.shape_cast %get3A_415 : vector<1x1x207x1xf32> to vector<1x207xf32>
    %add3A_417 = arith.constant 9.99999968E-21 : f32
    %add3A_418 = vector.broadcast %add3A_417 : f32 to vector<1x207xf32>
    %add3A_419 = arith.addf %get3A_410, %add3A_418 : vector<1x207xf32>
    %log3A_420 = math.log %add3A_419 : vector<1x207xf32>
    %neg3A_421 = arith.constant 0.000000e+00 : f32
    %neg3A_422 = vector.broadcast %neg3A_421 : f32 to vector<1x207xf32>
    %neg3A_423 = arith.subf %neg3A_422, %log3A_420 : vector<1x207xf32>
    %add3A_424 = arith.constant 9.99999968E-21 : f32
    %add3A_425 = vector.broadcast %add3A_424 : f32 to vector<1x207xf32>
    %add3A_426 = arith.addf %neg3A_423, %add3A_425 : vector<1x207xf32>
    %log3A_427 = math.log %add3A_426 : vector<1x207xf32>
    %neg3A_428 = arith.constant 0.000000e+00 : f32
    %neg3A_429 = vector.broadcast %neg3A_428 : f32 to vector<1x207xf32>
    %neg3A_430 = arith.subf %neg3A_429, %log3A_427 : vector<1x207xf32>
    %add3A_431 = arith.constant 9.99999968E-21 : f32
    %add3A_432 = vector.broadcast %add3A_431 : f32 to vector<1x207xf32>
    %add3A_433 = arith.addf %get3A_416, %add3A_432 : vector<1x207xf32>
    %log3A_434 = math.log %add3A_433 : vector<1x207xf32>
    %neg3A_435 = arith.constant 0.000000e+00 : f32
    %neg3A_436 = vector.broadcast %neg3A_435 : f32 to vector<1x207xf32>
    %neg3A_437 = arith.subf %neg3A_436, %log3A_434 : vector<1x207xf32>
    %add3A_438 = arith.constant 9.99999968E-21 : f32
    %add3A_439 = vector.broadcast %add3A_438 : f32 to vector<1x207xf32>
    %add3A_440 = arith.addf %neg3A_437, %add3A_439 : vector<1x207xf32>
    %log3A_441 = math.log %add3A_440 : vector<1x207xf32>
    %neg3A_442 = arith.constant 0.000000e+00 : f32
    %neg3A_443 = vector.broadcast %neg3A_442 : f32 to vector<1x207xf32>
    %neg3A_444 = arith.subf %neg3A_443, %log3A_441 : vector<1x207xf32>
    %add3A_445 = arith.addf %reshape3A_326, %neg3A_430 : vector<1x207xf32>
    %mul3A_446 = arith.constant 2.000000e+00 : f32
    %mul3A_447 = vector.broadcast %mul3A_446 : f32 to vector<1x207xf32>
    %mul3A_448 = arith.mulf %add3A_445, %mul3A_447 : vector<1x207xf32>
    %add3A_449 = arith.addf %reshape3A_329, %neg3A_444 : vector<1x207xf32>
    %mul3A_450 = arith.constant 2.000000e+00 : f32
    %mul3A_451 = vector.broadcast %mul3A_450 : f32 to vector<1x207xf32>
    %mul3A_452 = arith.mulf %add3A_449, %mul3A_451 : vector<1x207xf32>
    %max3A_453 = arith.maximumf %mul3A_448, %mul3A_452 : vector<1x207xf32>
    %sub3A_454 = arith.subf %mul3A_448, %max3A_453 : vector<1x207xf32>
    %exp3A_455 = math.exp %sub3A_454 : vector<1x207xf32>
    %sub3A_456 = arith.subf %mul3A_452, %max3A_453 : vector<1x207xf32>
    %exp3A_457 = math.exp %sub3A_456 : vector<1x207xf32>
    %add3A_458 = arith.addf %exp3A_455, %exp3A_457 : vector<1x207xf32>
    %div3A_459 = arith.divf %exp3A_455, %add3A_458 : vector<1x207xf32>
    %ge3A_460 = arith.cmpf oge, %mul3A_448, %mul3A_452 : vector<1x207xf32>
    %convert_element_type3A_461 = arith.extui %ge3A_460 : vector<1x207xi1> to vector<1x207xi32>
    %convert_element_type3A_462 = arith.sitofp %convert_element_type3A_461 : vector<1x207xi32> to vector<1x207xf32>
    %sub3A_463 = arith.subf %convert_element_type3A_462, %div3A_459 : vector<1x207xf32>
    %add3A_464 = arith.addf %sub3A_463, %div3A_459 : vector<1x207xf32>
    %mul3A_465 = arith.mulf %add3A_464, %convert_element_type3A_337 : vector<1x207xf32>
    %swap3A_466 = arith.constant 1 : index
    %swap3A_467 = arith.constant 1 : index
    %swap3A_468 = arith.constant 0 : index
    %swap3A_469 = vector.load %arg8[%swap3A_466, %swap3A_467, %swap3A_468] : memref<4x8x207xf32, #tpu.memory_space<vmem>>, vector<1x1x207xf32>
    %swap3A_470 = vector.shape_cast %swap3A_469 : vector<1x1x207xf32> to vector<1x207xf32>
    %swap3A_471 = vector.shape_cast %mul3A_465 : vector<1x207xf32> to vector<1x1x207xf32>
    tpu.vector_store %arg8[%swap3A_466, %swap3A_467, %swap3A_468], %swap3A_471 {strides = array<i32>} : memref<4x8x207xf32, #tpu.memory_space<vmem>>, vector<1x1x207xf32>,
    %get3A_472 = arith.constant 2 : index
    %get3A_473 = arith.constant 1 : index
    %get3A_474 = arith.constant 0 : index
    %get3A_475 = arith.constant 0 : index
    %get3A_476 = vector.load %arg6[%get3A_472, %get3A_473, %get3A_474, %get3A_475] : memref<4x8x207x2xf32, #tpu.memory_space<vmem>>, vector<1x1x207x1xf32>
    %get3A_477 = vector.shape_cast %get3A_476 : vector<1x1x207x1xf32> to vector<1x207xf32>
    %get3A_478 = arith.constant 2 : index
    %get3A_479 = arith.constant 1 : index
    %get3A_480 = arith.constant 0 : index
    %get3A_481 = arith.constant 1 : index
    %get3A_482 = vector.load %arg6[%get3A_478, %get3A_479, %get3A_480, %get3A_481] : memref<4x8x207x2xf32, #tpu.memory_space<vmem>>, vector<1x1x207x1xf32>
    %get3A_483 = vector.shape_cast %get3A_482 : vector<1x1x207x1xf32> to vector<1x207xf32>
    %add3A_484 = arith.constant 9.99999968E-21 : f32
    %add3A_485 = vector.broadcast %add3A_484 : f32 to vector<1x207xf32>
    %add3A_486 = arith.addf %get3A_477, %add3A_485 : vector<1x207xf32>
    %log3A_487 = math.log %add3A_486 : vector<1x207xf32>
    %neg3A_488 = arith.constant 0.000000e+00 : f32
    %neg3A_489 = vector.broadcast %neg3A_488 : f32 to vector<1x207xf32>
    %neg3A_490 = arith.subf %neg3A_489, %log3A_487 : vector<1x207xf32>
    %add3A_491 = arith.constant 9.99999968E-21 : f32
    %add3A_492 = vector.broadcast %add3A_491 : f32 to vector<1x207xf32>
    %add3A_493 = arith.addf %neg3A_490, %add3A_492 : vector<1x207xf32>
    %log3A_494 = math.log %add3A_493 : vector<1x207xf32>
    %neg3A_495 = arith.constant 0.000000e+00 : f32
    %neg3A_496 = vector.broadcast %neg3A_495 : f32 to vector<1x207xf32>
    %neg3A_497 = arith.subf %neg3A_496, %log3A_494 : vector<1x207xf32>
    %add3A_498 = arith.constant 9.99999968E-21 : f32
    %add3A_499 = vector.broadcast %add3A_498 : f32 to vector<1x207xf32>
    %add3A_500 = arith.addf %get3A_483, %add3A_499 : vector<1x207xf32>
    %log3A_501 = math.log %add3A_500 : vector<1x207xf32>
    %neg3A_502 = arith.constant 0.000000e+00 : f32
    %neg3A_503 = vector.broadcast %neg3A_502 : f32 to vector<1x207xf32>
    %neg3A_504 = arith.subf %neg3A_503, %log3A_501 : vector<1x207xf32>
    %add3A_505 = arith.constant 9.99999968E-21 : f32
    %add3A_506 = vector.broadcast %add3A_505 : f32 to vector<1x207xf32>
    %add3A_507 = arith.addf %neg3A_504, %add3A_506 : vector<1x207xf32>
    %log3A_508 = math.log %add3A_507 : vector<1x207xf32>
    %neg3A_509 = arith.constant 0.000000e+00 : f32
    %neg3A_510 = vector.broadcast %neg3A_509 : f32 to vector<1x207xf32>
    %neg3A_511 = arith.subf %neg3A_510, %log3A_508 : vector<1x207xf32>
    %add3A_512 = arith.addf %reshape3A_326, %neg3A_497 : vector<1x207xf32>
    %mul3A_513 = arith.constant 2.000000e+00 : f32
    %mul3A_514 = vector.broadcast %mul3A_513 : f32 to vector<1x207xf32>
    %mul3A_515 = arith.mulf %add3A_512, %mul3A_514 : vector<1x207xf32>
    %add3A_516 = arith.addf %reshape3A_329, %neg3A_511 : vector<1x207xf32>
    %mul3A_517 = arith.constant 2.000000e+00 : f32
    %mul3A_518 = vector.broadcast %mul3A_517 : f32 to vector<1x207xf32>
    %mul3A_519 = arith.mulf %add3A_516, %mul3A_518 : vector<1x207xf32>
    %max3A_520 = arith.maximumf %mul3A_515, %mul3A_519 : vector<1x207xf32>
    %sub3A_521 = arith.subf %mul3A_515, %max3A_520 : vector<1x207xf32>
    %exp3A_522 = math.exp %sub3A_521 : vector<1x207xf32>
    %sub3A_523 = arith.subf %mul3A_519, %max3A_520 : vector<1x207xf32>
    %exp3A_524 = math.exp %sub3A_523 : vector<1x207xf32>
    %add3A_525 = arith.addf %exp3A_522, %exp3A_524 : vector<1x207xf32>
    %div3A_526 = arith.divf %exp3A_522, %add3A_525 : vector<1x207xf32>
    %ge3A_527 = arith.cmpf oge, %mul3A_515, %mul3A_519 : vector<1x207xf32>
    %convert_element_type3A_528 = arith.extui %ge3A_527 : vector<1x207xi1> to vector<1x207xi32>
    %convert_element_type3A_529 = arith.sitofp %convert_element_type3A_528 : vector<1x207xi32> to vector<1x207xf32>
    %sub3A_530 = arith.subf %convert_element_type3A_529, %div3A_526 : vector<1x207xf32>
    %add3A_531 = arith.addf %sub3A_530, %div3A_526 : vector<1x207xf32>
    %mul3A_532 = arith.mulf %add3A_531, %convert_element_type3A_337 : vector<1x207xf32>
    %swap3A_533 = arith.constant 2 : index
    %swap3A_534 = arith.constant 1 : index
    %swap3A_535 = arith.constant 0 : index
    %swap3A_536 = vector.load %arg8[%swap3A_533, %swap3A_534, %swap3A_535] : memref<4x8x207xf32, #tpu.memory_space<vmem>>, vector<1x1x207xf32>
    %swap3A_537 = vector.shape_cast %swap3A_536 : vector<1x1x207xf32> to vector<1x207xf32>
    %swap3A_538 = vector.shape_cast %mul3A_532 : vector<1x207xf32> to vector<1x1x207xf32>
    tpu.vector_store %arg8[%swap3A_533, %swap3A_534, %swap3A_535], %swap3A_538 {strides = array<i32>} : memref<4x8x207xf32, #tpu.memory_space<vmem>>, vector<1x1x207xf32>,
    %get3A_539 = arith.constant 3 : index
    %get3A_540 = arith.constant 1 : index
    %get3A_541 = arith.constant 0 : index
    %get3A_542 = arith.constant 0 : index
    %get3A_543 = vector.load %arg6[%get3A_539, %get3A_540, %get3A_541, %get3A_542] : memref<4x8x207x2xf32, #tpu.memory_space<vmem>>, vector<1x1x207x1xf32>
    %get3A_544 = vector.shape_cast %get3A_543 : vector<1x1x207x1xf32> to vector<1x207xf32>
    %get3A_545 = arith.constant 3 : index
    %get3A_546 = arith.constant 1 : index
    %get3A_547 = arith.constant 0 : index
    %get3A_548 = arith.constant 1 : index
    %get3A_549 = vector.load %arg6[%get3A_545, %get3A_546, %get3A_547, %get3A_548] : memref<4x8x207x2xf32, #tpu.memory_space<vmem>>, vector<1x1x207x1xf32>
    %get3A_550 = vector.shape_cast %get3A_549 : vector<1x1x207x1xf32> to vector<1x207xf32>
    %add3A_551 = arith.constant 9.99999968E-21 : f32
    %add3A_552 = vector.broadcast %add3A_551 : f32 to vector<1x207xf32>
    %add3A_553 = arith.addf %get3A_544, %add3A_552 : vector<1x207xf32>
    %log3A_554 = math.log %add3A_553 : vector<1x207xf32>
    %neg3A_555 = arith.constant 0.000000e+00 : f32
    %neg3A_556 = vector.broadcast %neg3A_555 : f32 to vector<1x207xf32>
    %neg3A_557 = arith.subf %neg3A_556, %log3A_554 : vector<1x207xf32>
    %add3A_558 = arith.constant 9.99999968E-21 : f32
    %add3A_559 = vector.broadcast %add3A_558 : f32 to vector<1x207xf32>
    %add3A_560 = arith.addf %neg3A_557, %add3A_559 : vector<1x207xf32>
    %log3A_561 = math.log %add3A_560 : vector<1x207xf32>
    %neg3A_562 = arith.constant 0.000000e+00 : f32
    %neg3A_563 = vector.broadcast %neg3A_562 : f32 to vector<1x207xf32>
    %neg3A_564 = arith.subf %neg3A_563, %log3A_561 : vector<1x207xf32>
    %add3A_565 = arith.constant 9.99999968E-21 : f32
    %add3A_566 = vector.broadcast %add3A_565 : f32 to vector<1x207xf32>
    %add3A_567 = arith.addf %get3A_550, %add3A_566 : vector<1x207xf32>
    %log3A_568 = math.log %add3A_567 : vector<1x207xf32>
    %neg3A_569 = arith.constant 0.000000e+00 : f32
    %neg3A_570 = vector.broadcast %neg3A_569 : f32 to vector<1x207xf32>
    %neg3A_571 = arith.subf %neg3A_570, %log3A_568 : vector<1x207xf32>
    %add3A_572 = arith.constant 9.99999968E-21 : f32
    %add3A_573 = vector.broadcast %add3A_572 : f32 to vector<1x207xf32>
    %add3A_574 = arith.addf %neg3A_571, %add3A_573 : vector<1x207xf32>
    %log3A_575 = math.log %add3A_574 : vector<1x207xf32>
    %neg3A_576 = arith.constant 0.000000e+00 : f32
    %neg3A_577 = vector.broadcast %neg3A_576 : f32 to vector<1x207xf32>
    %neg3A_578 = arith.subf %neg3A_577, %log3A_575 : vector<1x207xf32>
    %add3A_579 = arith.addf %reshape3A_326, %neg3A_564 : vector<1x207xf32>
    %mul3A_580 = arith.constant 2.000000e+00 : f32
    %mul3A_581 = vector.broadcast %mul3A_580 : f32 to vector<1x207xf32>
    %mul3A_582 = arith.mulf %add3A_579, %mul3A_581 : vector<1x207xf32>
    %add3A_583 = arith.addf %reshape3A_329, %neg3A_578 : vector<1x207xf32>
    %mul3A_584 = arith.constant 2.000000e+00 : f32
    %mul3A_585 = vector.broadcast %mul3A_584 : f32 to vector<1x207xf32>
    %mul3A_586 = arith.mulf %add3A_583, %mul3A_585 : vector<1x207xf32>
    %max3A_587 = arith.maximumf %mul3A_582, %mul3A_586 : vector<1x207xf32>
    %sub3A_588 = arith.subf %mul3A_582, %max3A_587 : vector<1x207xf32>
    %exp3A_589 = math.exp %sub3A_588 : vector<1x207xf32>
    %sub3A_590 = arith.subf %mul3A_586, %max3A_587 : vector<1x207xf32>
    %exp3A_591 = math.exp %sub3A_590 : vector<1x207xf32>
    %add3A_592 = arith.addf %exp3A_589, %exp3A_591 : vector<1x207xf32>
    %div3A_593 = arith.divf %exp3A_589, %add3A_592 : vector<1x207xf32>
    %ge3A_594 = arith.cmpf oge, %mul3A_582, %mul3A_586 : vector<1x207xf32>
    %convert_element_type3A_595 = arith.extui %ge3A_594 : vector<1x207xi1> to vector<1x207xi32>
    %convert_element_type3A_596 = arith.sitofp %convert_element_type3A_595 : vector<1x207xi32> to vector<1x207xf32>
    %sub3A_597 = arith.subf %convert_element_type3A_596, %div3A_593 : vector<1x207xf32>
    %add3A_598 = arith.addf %sub3A_597, %div3A_593 : vector<1x207xf32>
    %mul3A_599 = arith.mulf %add3A_598, %convert_element_type3A_337 : vector<1x207xf32>
    %swap3A_600 = arith.constant 3 : index
    %swap3A_601 = arith.constant 1 : index
    %swap3A_602 = arith.constant 0 : index
    %swap3A_603 = vector.load %arg8[%swap3A_600, %swap3A_601, %swap3A_602] : memref<4x8x207xf32, #tpu.memory_space<vmem>>, vector<1x1x207xf32>
    %swap3A_604 = vector.shape_cast %swap3A_603 : vector<1x1x207xf32> to vector<1x207xf32>
    %swap3A_605 = vector.shape_cast %mul3A_599 : vector<1x207xf32> to vector<1x1x207xf32>
    tpu.vector_store %arg8[%swap3A_600, %swap3A_601, %swap3A_602], %swap3A_605 {strides = array<i32>} : memref<4x8x207xf32, #tpu.memory_space<vmem>>, vector<1x1x207xf32>,
    %get3A_606 = arith.constant 2 : index
    %get3A_607 = arith.constant 0 : index
    %get3A_608 = vector.load %arg2[%get3A_606, %get3A_607] : memref<8x100xf32, #tpu.memory_space<vmem>>, vector<1x100xf32>
    %add3A_609 = vector.broadcast %get3A_608 : vector<1x100xf32> to vector<207x100xf32>
    %add3A_610 = arith.addf %get3A_1, %add3A_609 : vector<207x100xf32>
    %get3A_611 = arith.constant 0 : index
    %get3A_612 = arith.constant 0 : index
    %get3A_613 = vector.load %arg3[%get3A_611, %get3A_612] : memref<1x100xf32, #tpu.memory_space<vmem>>, vector<1x100xf32>
    %add3A_614 = vector.broadcast %get3A_613 : vector<1x100xf32> to vector<207x100xf32>
    %add3A_615 = arith.addf %add3A_610, %add3A_614 : vector<207x100xf32>
    %max3A_616 = arith.constant 0.000000e+00 : f32
    %max3A_617 = vector.broadcast %max3A_616 : f32 to vector<207x100xf32>
    %max3A_618 = arith.maximumf %add3A_615, %max3A_617 : vector<207x100xf32>
    %get3A_619 = arith.constant 0 : index
    %get3A_620 = arith.constant 0 : index
    %get3A_621 = vector.load %arg4[%get3A_619, %get3A_620] : memref<100x2xf32, #tpu.memory_space<vmem>>, vector<100x2xf32>
    %dot_general3A_622 = arith.constant dense<0.000000e+00> : vector<207x2xf32>
    %dot_general3A_623 = tpu.matmul %max3A_618, %get3A_621, %dot_general3A_622 {dimension_numbers = #tpu.dot_dimension_numbers<[1], [0], [0], [1], [0, 0, 1, 1], [], []>, transpose_lhs_hint = false} : vector<207x100xf32>, vector<100x2xf32>, vector<207x2xf32> -> vector<207x2xf32>
    %get3A_624 = arith.constant 0 : index
    %get3A_625 = arith.constant 0 : index
    %get3A_626 = vector.load %arg5[%get3A_624, %get3A_625] : memref<1x2xf32, #tpu.memory_space<vmem>>, vector<1x2xf32>
    %add3A_627 = vector.broadcast %get3A_626 : vector<1x2xf32> to vector<207x2xf32>
    %add3A_628 = arith.addf %dot_general3A_623, %add3A_627 : vector<207x2xf32>
    %reshape3A_629 = vector.shape_cast %add3A_628 : vector<207x2xf32> to vector<1x207x2xf32>
    %swap3A_630 = arith.constant 2 : index
    %swap3A_631 = arith.constant 0 : index
    %swap3A_632 = arith.constant 0 : index
    %swap3A_633 = vector.load %arg7[%swap3A_630, %swap3A_631, %swap3A_632] : memref<8x207x2xf32, #tpu.memory_space<vmem>>, vector<1x207x2xf32>
    tpu.vector_store %arg7[%swap3A_630, %swap3A_631, %swap3A_632], %reshape3A_629 {strides = array<i32>} : memref<8x207x2xf32, #tpu.memory_space<vmem>>, vector<1x207x2xf32>,
    %slice3A_634 = vector.extract_strided_slice %add3A_628 {offsets = [0, 0], sizes = [207, 1], strides = [1, 1]} : vector<207x2xf32> to vector<207x1xf32>
    %squeeze3A_635 = vector.shape_cast %slice3A_634 : vector<207x1xf32> to vector<207xf32>
    %reshape3A_636 = vector.shape_cast %squeeze3A_635 : vector<207xf32> to vector<1x207xf32>
    %slice3A_637 = vector.extract_strided_slice %add3A_628 {offsets = [0, 1], sizes = [207, 1], strides = [1, 1]} : vector<207x2xf32> to vector<207x1xf32>
    %squeeze3A_638 = vector.shape_cast %slice3A_637 : vector<207x1xf32> to vector<207xf32>
    %reshape3A_639 = vector.shape_cast %squeeze3A_638 : vector<207xf32> to vector<1x207xf32>
    %mul3A_640 = arith.constant 8 : i32
    %mul3A_641 = arith.muli %arg0, %mul3A_640 : i32
    %add3A_642 = arith.constant 2 : i32
    %add3A_643 = arith.addi %mul3A_641, %add3A_642 : i32
    %ne3A_644 = vector.broadcast %add3A_643 : i32 to vector<1x207xi32>
    %ne3A_645 = arith.cmpi ne, %iota3A, %ne3A_644 : vector<1x207xi32>
    %convert_element_type3A_646 = arith.extui %ne3A_645 : vector<1x207xi1> to vector<1x207xi32>
    %convert_element_type3A_647 = arith.sitofp %convert_element_type3A_646 : vector<1x207xi32> to vector<1x207xf32>
    %get3A_648 = arith.constant 0 : index
    %get3A_649 = arith.constant 2 : index
    %get3A_650 = arith.constant 0 : index
    %get3A_651 = arith.constant 0 : index
    %get3A_652 = vector.load %arg6[%get3A_648, %get3A_649, %get3A_650, %get3A_651] : memref<4x8x207x2xf32, #tpu.memory_space<vmem>>, vector<1x1x207x1xf32>
    %get3A_653 = vector.shape_cast %get3A_652 : vector<1x1x207x1xf32> to vector<1x207xf32>
    %get3A_654 = arith.constant 0 : index
    %get3A_655 = arith.constant 2 : index
    %get3A_656 = arith.constant 0 : index
    %get3A_657 = arith.constant 1 : index
    %get3A_658 = vector.load %arg6[%get3A_654, %get3A_655, %get3A_656, %get3A_657] : memref<4x8x207x2xf32, #tpu.memory_space<vmem>>, vector<1x1x207x1xf32>
    %get3A_659 = vector.shape_cast %get3A_658 : vector<1x1x207x1xf32> to vector<1x207xf32>
    %add3A_660 = arith.constant 9.99999968E-21 : f32
    %add3A_661 = vector.broadcast %add3A_660 : f32 to vector<1x207xf32>
    %add3A_662 = arith.addf %get3A_653, %add3A_661 : vector<1x207xf32>
    %log3A_663 = math.log %add3A_662 : vector<1x207xf32>
    %neg3A_664 = arith.constant 0.000000e+00 : f32
    %neg3A_665 = vector.broadcast %neg3A_664 : f32 to vector<1x207xf32>
    %neg3A_666 = arith.subf %neg3A_665, %log3A_663 : vector<1x207xf32>
    %add3A_667 = arith.constant 9.99999968E-21 : f32
    %add3A_668 = vector.broadcast %add3A_667 : f32 to vector<1x207xf32>
    %add3A_669 = arith.addf %neg3A_666, %add3A_668 : vector<1x207xf32>
    %log3A_670 = math.log %add3A_669 : vector<1x207xf32>
    %neg3A_671 = arith.constant 0.000000e+00 : f32
    %neg3A_672 = vector.broadcast %neg3A_671 : f32 to vector<1x207xf32>
    %neg3A_673 = arith.subf %neg3A_672, %log3A_670 : vector<1x207xf32>
    %add3A_674 = arith.constant 9.99999968E-21 : f32
    %add3A_675 = vector.broadcast %add3A_674 : f32 to vector<1x207xf32>
    %add3A_676 = arith.addf %get3A_659, %add3A_675 : vector<1x207xf32>
    %log3A_677 = math.log %add3A_676 : vector<1x207xf32>
    %neg3A_678 = arith.constant 0.000000e+00 : f32
    %neg3A_679 = vector.broadcast %neg3A_678 : f32 to vector<1x207xf32>
    %neg3A_680 = arith.subf %neg3A_679, %log3A_677 : vector<1x207xf32>
    %add3A_681 = arith.constant 9.99999968E-21 : f32
    %add3A_682 = vector.broadcast %add3A_681 : f32 to vector<1x207xf32>
    %add3A_683 = arith.addf %neg3A_680, %add3A_682 : vector<1x207xf32>
    %log3A_684 = math.log %add3A_683 : vector<1x207xf32>
    %neg3A_685 = arith.constant 0.000000e+00 : f32
    %neg3A_686 = vector.broadcast %neg3A_685 : f32 to vector<1x207xf32>
    %neg3A_687 = arith.subf %neg3A_686, %log3A_684 : vector<1x207xf32>
    %add3A_688 = arith.addf %reshape3A_636, %neg3A_673 : vector<1x207xf32>
    %mul3A_689 = arith.constant 2.000000e+00 : f32
    %mul3A_690 = vector.broadcast %mul3A_689 : f32 to vector<1x207xf32>
    %mul3A_691 = arith.mulf %add3A_688, %mul3A_690 : vector<1x207xf32>
    %add3A_692 = arith.addf %reshape3A_639, %neg3A_687 : vector<1x207xf32>
    %mul3A_693 = arith.constant 2.000000e+00 : f32
    %mul3A_694 = vector.broadcast %mul3A_693 : f32 to vector<1x207xf32>
    %mul3A_695 = arith.mulf %add3A_692, %mul3A_694 : vector<1x207xf32>
    %max3A_696 = arith.maximumf %mul3A_691, %mul3A_695 : vector<1x207xf32>
    %sub3A_697 = arith.subf %mul3A_691, %max3A_696 : vector<1x207xf32>
    %exp3A_698 = math.exp %sub3A_697 : vector<1x207xf32>
    %sub3A_699 = arith.subf %mul3A_695, %max3A_696 : vector<1x207xf32>
    %exp3A_700 = math.exp %sub3A_699 : vector<1x207xf32>
    %add3A_701 = arith.addf %exp3A_698, %exp3A_700 : vector<1x207xf32>
    %div3A_702 = arith.divf %exp3A_698, %add3A_701 : vector<1x207xf32>
    %ge3A_703 = arith.cmpf oge, %mul3A_691, %mul3A_695 : vector<1x207xf32>
    %convert_element_type3A_704 = arith.extui %ge3A_703 : vector<1x207xi1> to vector<1x207xi32>
    %convert_element_type3A_705 = arith.sitofp %convert_element_type3A_704 : vector<1x207xi32> to vector<1x207xf32>
    %sub3A_706 = arith.subf %convert_element_type3A_705, %div3A_702 : vector<1x207xf32>
    %add3A_707 = arith.addf %sub3A_706, %div3A_702 : vector<1x207xf32>
    %mul3A_708 = arith.mulf %add3A_707, %convert_element_type3A_647 : vector<1x207xf32>
    %swap3A_709 = arith.constant 0 : index
    %swap3A_710 = arith.constant 2 : index
    %swap3A_711 = arith.constant 0 : index
    %swap3A_712 = vector.load %arg8[%swap3A_709, %swap3A_710, %swap3A_711] : memref<4x8x207xf32, #tpu.memory_space<vmem>>, vector<1x1x207xf32>
    %swap3A_713 = vector.shape_cast %swap3A_712 : vector<1x1x207xf32> to vector<1x207xf32>
    %swap3A_714 = vector.shape_cast %mul3A_708 : vector<1x207xf32> to vector<1x1x207xf32>
    tpu.vector_store %arg8[%swap3A_709, %swap3A_710, %swap3A_711], %swap3A_714 {strides = array<i32>} : memref<4x8x207xf32, #tpu.memory_space<vmem>>, vector<1x1x207xf32>,
    %get3A_715 = arith.constant 1 : index
    %get3A_716 = arith.constant 2 : index
    %get3A_717 = arith.constant 0 : index
    %get3A_718 = arith.constant 0 : index
    %get3A_719 = vector.load %arg6[%get3A_715, %get3A_716, %get3A_717, %get3A_718] : memref<4x8x207x2xf32, #tpu.memory_space<vmem>>, vector<1x1x207x1xf32>
    %get3A_720 = vector.shape_cast %get3A_719 : vector<1x1x207x1xf32> to vector<1x207xf32>
    %get3A_721 = arith.constant 1 : index
    %get3A_722 = arith.constant 2 : index
    %get3A_723 = arith.constant 0 : index
    %get3A_724 = arith.constant 1 : index
    %get3A_725 = vector.load %arg6[%get3A_721, %get3A_722, %get3A_723, %get3A_724] : memref<4x8x207x2xf32, #tpu.memory_space<vmem>>, vector<1x1x207x1xf32>
    %get3A_726 = vector.shape_cast %get3A_725 : vector<1x1x207x1xf32> to vector<1x207xf32>
    %add3A_727 = arith.constant 9.99999968E-21 : f32
    %add3A_728 = vector.broadcast %add3A_727 : f32 to vector<1x207xf32>
    %add3A_729 = arith.addf %get3A_720, %add3A_728 : vector<1x207xf32>
    %log3A_730 = math.log %add3A_729 : vector<1x207xf32>
    %neg3A_731 = arith.constant 0.000000e+00 : f32
    %neg3A_732 = vector.broadcast %neg3A_731 : f32 to vector<1x207xf32>
    %neg3A_733 = arith.subf %neg3A_732, %log3A_730 : vector<1x207xf32>
    %add3A_734 = arith.constant 9.99999968E-21 : f32
    %add3A_735 = vector.broadcast %add3A_734 : f32 to vector<1x207xf32>
    %add3A_736 = arith.addf %neg3A_733, %add3A_735 : vector<1x207xf32>
    %log3A_737 = math.log %add3A_736 : vector<1x207xf32>
    %neg3A_738 = arith.constant 0.000000e+00 : f32
    %neg3A_739 = vector.broadcast %neg3A_738 : f32 to vector<1x207xf32>
    %neg3A_740 = arith.subf %neg3A_739, %log3A_737 : vector<1x207xf32>
    %add3A_741 = arith.constant 9.99999968E-21 : f32
    %add3A_742 = vector.broadcast %add3A_741 : f32 to vector<1x207xf32>
    %add3A_743 = arith.addf %get3A_726, %add3A_742 : vector<1x207xf32>
    %log3A_744 = math.log %add3A_743 : vector<1x207xf32>
    %neg3A_745 = arith.constant 0.000000e+00 : f32
    %neg3A_746 = vector.broadcast %neg3A_745 : f32 to vector<1x207xf32>
    %neg3A_747 = arith.subf %neg3A_746, %log3A_744 : vector<1x207xf32>
    %add3A_748 = arith.constant 9.99999968E-21 : f32
    %add3A_749 = vector.broadcast %add3A_748 : f32 to vector<1x207xf32>
    %add3A_750 = arith.addf %neg3A_747, %add3A_749 : vector<1x207xf32>
    %log3A_751 = math.log %add3A_750 : vector<1x207xf32>
    %neg3A_752 = arith.constant 0.000000e+00 : f32
    %neg3A_753 = vector.broadcast %neg3A_752 : f32 to vector<1x207xf32>
    %neg3A_754 = arith.subf %neg3A_753, %log3A_751 : vector<1x207xf32>
    %add3A_755 = arith.addf %reshape3A_636, %neg3A_740 : vector<1x207xf32>
    %mul3A_756 = arith.constant 2.000000e+00 : f32
    %mul3A_757 = vector.broadcast %mul3A_756 : f32 to vector<1x207xf32>
    %mul3A_758 = arith.mulf %add3A_755, %mul3A_757 : vector<1x207xf32>
    %add3A_759 = arith.addf %reshape3A_639, %neg3A_754 : vector<1x207xf32>
    %mul3A_760 = arith.constant 2.000000e+00 : f32
    %mul3A_761 = vector.broadcast %mul3A_760 : f32 to vector<1x207xf32>
    %mul3A_762 = arith.mulf %add3A_759, %mul3A_761 : vector<1x207xf32>
    %max3A_763 = arith.maximumf %mul3A_758, %mul3A_762 : vector<1x207xf32>
    %sub3A_764 = arith.subf %mul3A_758, %max3A_763 : vector<1x207xf32>
    %exp3A_765 = math.exp %sub3A_764 : vector<1x207xf32>
    %sub3A_766 = arith.subf %mul3A_762, %max3A_763 : vector<1x207xf32>
    %exp3A_767 = math.exp %sub3A_766 : vector<1x207xf32>
    %add3A_768 = arith.addf %exp3A_765, %exp3A_767 : vector<1x207xf32>
    %div3A_769 = arith.divf %exp3A_765, %add3A_768 : vector<1x207xf32>
    %ge3A_770 = arith.cmpf oge, %mul3A_758, %mul3A_762 : vector<1x207xf32>
    %convert_element_type3A_771 = arith.extui %ge3A_770 : vector<1x207xi1> to vector<1x207xi32>
    %convert_element_type3A_772 = arith.sitofp %convert_element_type3A_771 : vector<1x207xi32> to vector<1x207xf32>
    %sub3A_773 = arith.subf %convert_element_type3A_772, %div3A_769 : vector<1x207xf32>
    %add3A_774 = arith.addf %sub3A_773, %div3A_769 : vector<1x207xf32>
    %mul3A_775 = arith.mulf %add3A_774, %convert_element_type3A_647 : vector<1x207xf32>
    %swap3A_776 = arith.constant 1 : index
    %swap3A_777 = arith.constant 2 : index
    %swap3A_778 = arith.constant 0 : index
    %swap3A_779 = vector.load %arg8[%swap3A_776, %swap3A_777, %swap3A_778] : memref<4x8x207xf32, #tpu.memory_space<vmem>>, vector<1x1x207xf32>
    %swap3A_780 = vector.shape_cast %swap3A_779 : vector<1x1x207xf32> to vector<1x207xf32>
    %swap3A_781 = vector.shape_cast %mul3A_775 : vector<1x207xf32> to vector<1x1x207xf32>
    tpu.vector_store %arg8[%swap3A_776, %swap3A_777, %swap3A_778], %swap3A_781 {strides = array<i32>} : memref<4x8x207xf32, #tpu.memory_space<vmem>>, vector<1x1x207xf32>,
    %get3A_782 = arith.constant 2 : index
    %get3A_783 = arith.constant 2 : index
    %get3A_784 = arith.constant 0 : index
    %get3A_785 = arith.constant 0 : index
    %get3A_786 = vector.load %arg6[%get3A_782, %get3A_783, %get3A_784, %get3A_785] : memref<4x8x207x2xf32, #tpu.memory_space<vmem>>, vector<1x1x207x1xf32>
    %get3A_787 = vector.shape_cast %get3A_786 : vector<1x1x207x1xf32> to vector<1x207xf32>
    %get3A_788 = arith.constant 2 : index
    %get3A_789 = arith.constant 2 : index
    %get3A_790 = arith.constant 0 : index
    %get3A_791 = arith.constant 1 : index
    %get3A_792 = vector.load %arg6[%get3A_788, %get3A_789, %get3A_790, %get3A_791] : memref<4x8x207x2xf32, #tpu.memory_space<vmem>>, vector<1x1x207x1xf32>
    %get3A_793 = vector.shape_cast %get3A_792 : vector<1x1x207x1xf32> to vector<1x207xf32>
    %add3A_794 = arith.constant 9.99999968E-21 : f32
    %add3A_795 = vector.broadcast %add3A_794 : f32 to vector<1x207xf32>
    %add3A_796 = arith.addf %get3A_787, %add3A_795 : vector<1x207xf32>
    %log3A_797 = math.log %add3A_796 : vector<1x207xf32>
    %neg3A_798 = arith.constant 0.000000e+00 : f32
    %neg3A_799 = vector.broadcast %neg3A_798 : f32 to vector<1x207xf32>
    %neg3A_800 = arith.subf %neg3A_799, %log3A_797 : vector<1x207xf32>
    %add3A_801 = arith.constant 9.99999968E-21 : f32
    %add3A_802 = vector.broadcast %add3A_801 : f32 to vector<1x207xf32>
    %add3A_803 = arith.addf %neg3A_800, %add3A_802 : vector<1x207xf32>
    %log3A_804 = math.log %add3A_803 : vector<1x207xf32>
    %neg3A_805 = arith.constant 0.000000e+00 : f32
    %neg3A_806 = vector.broadcast %neg3A_805 : f32 to vector<1x207xf32>
    %neg3A_807 = arith.subf %neg3A_806, %log3A_804 : vector<1x207xf32>
    %add3A_808 = arith.constant 9.99999968E-21 : f32
    %add3A_809 = vector.broadcast %add3A_808 : f32 to vector<1x207xf32>
    %add3A_810 = arith.addf %get3A_793, %add3A_809 : vector<1x207xf32>
    %log3A_811 = math.log %add3A_810 : vector<1x207xf32>
    %neg3A_812 = arith.constant 0.000000e+00 : f32
    %neg3A_813 = vector.broadcast %neg3A_812 : f32 to vector<1x207xf32>
    %neg3A_814 = arith.subf %neg3A_813, %log3A_811 : vector<1x207xf32>
    %add3A_815 = arith.constant 9.99999968E-21 : f32
    %add3A_816 = vector.broadcast %add3A_815 : f32 to vector<1x207xf32>
    %add3A_817 = arith.addf %neg3A_814, %add3A_816 : vector<1x207xf32>
    %log3A_818 = math.log %add3A_817 : vector<1x207xf32>
    %neg3A_819 = arith.constant 0.000000e+00 : f32
    %neg3A_820 = vector.broadcast %neg3A_819 : f32 to vector<1x207xf32>
    %neg3A_821 = arith.subf %neg3A_820, %log3A_818 : vector<1x207xf32>
    %add3A_822 = arith.addf %reshape3A_636, %neg3A_807 : vector<1x207xf32>
    %mul3A_823 = arith.constant 2.000000e+00 : f32
    %mul3A_824 = vector.broadcast %mul3A_823 : f32 to vector<1x207xf32>
    %mul3A_825 = arith.mulf %add3A_822, %mul3A_824 : vector<1x207xf32>
    %add3A_826 = arith.addf %reshape3A_639, %neg3A_821 : vector<1x207xf32>
    %mul3A_827 = arith.constant 2.000000e+00 : f32
    %mul3A_828 = vector.broadcast %mul3A_827 : f32 to vector<1x207xf32>
    %mul3A_829 = arith.mulf %add3A_826, %mul3A_828 : vector<1x207xf32>
    %max3A_830 = arith.maximumf %mul3A_825, %mul3A_829 : vector<1x207xf32>
    %sub3A_831 = arith.subf %mul3A_825, %max3A_830 : vector<1x207xf32>
    %exp3A_832 = math.exp %sub3A_831 : vector<1x207xf32>
    %sub3A_833 = arith.subf %mul3A_829, %max3A_830 : vector<1x207xf32>
    %exp3A_834 = math.exp %sub3A_833 : vector<1x207xf32>
    %add3A_835 = arith.addf %exp3A_832, %exp3A_834 : vector<1x207xf32>
    %div3A_836 = arith.divf %exp3A_832, %add3A_835 : vector<1x207xf32>
    %ge3A_837 = arith.cmpf oge, %mul3A_825, %mul3A_829 : vector<1x207xf32>
    %convert_element_type3A_838 = arith.extui %ge3A_837 : vector<1x207xi1> to vector<1x207xi32>
    %convert_element_type3A_839 = arith.sitofp %convert_element_type3A_838 : vector<1x207xi32> to vector<1x207xf32>
    %sub3A_840 = arith.subf %convert_element_type3A_839, %div3A_836 : vector<1x207xf32>
    %add3A_841 = arith.addf %sub3A_840, %div3A_836 : vector<1x207xf32>
    %mul3A_842 = arith.mulf %add3A_841, %convert_element_type3A_647 : vector<1x207xf32>
    %swap3A_843 = arith.constant 2 : index
    %swap3A_844 = arith.constant 2 : index
    %swap3A_845 = arith.constant 0 : index
    %swap3A_846 = vector.load %arg8[%swap3A_843, %swap3A_844, %swap3A_845] : memref<4x8x207xf32, #tpu.memory_space<vmem>>, vector<1x1x207xf32>
    %swap3A_847 = vector.shape_cast %swap3A_846 : vector<1x1x207xf32> to vector<1x207xf32>
    %swap3A_848 = vector.shape_cast %mul3A_842 : vector<1x207xf32> to vector<1x1x207xf32>
    tpu.vector_store %arg8[%swap3A_843, %swap3A_844, %swap3A_845], %swap3A_848 {strides = array<i32>} : memref<4x8x207xf32, #tpu.memory_space<vmem>>, vector<1x1x207xf32>,
    %get3A_849 = arith.constant 3 : index
    %get3A_850 = arith.constant 2 : index
    %get3A_851 = arith.constant 0 : index
    %get3A_852 = arith.constant 0 : index
    %get3A_853 = vector.load %arg6[%get3A_849, %get3A_850, %get3A_851, %get3A_852] : memref<4x8x207x2xf32, #tpu.memory_space<vmem>>, vector<1x1x207x1xf32>
    %get3A_854 = vector.shape_cast %get3A_853 : vector<1x1x207x1xf32> to vector<1x207xf32>
    %get3A_855 = arith.constant 3 : index
    %get3A_856 = arith.constant 2 : index
    %get3A_857 = arith.constant 0 : index
    %get3A_858 = arith.constant 1 : index
    %get3A_859 = vector.load %arg6[%get3A_855, %get3A_856, %get3A_857, %get3A_858] : memref<4x8x207x2xf32, #tpu.memory_space<vmem>>, vector<1x1x207x1xf32>
    %get3A_860 = vector.shape_cast %get3A_859 : vector<1x1x207x1xf32> to vector<1x207xf32>
    %add3A_861 = arith.constant 9.99999968E-21 : f32
    %add3A_862 = vector.broadcast %add3A_861 : f32 to vector<1x207xf32>
    %add3A_863 = arith.addf %get3A_854, %add3A_862 : vector<1x207xf32>
    %log3A_864 = math.log %add3A_863 : vector<1x207xf32>
    %neg3A_865 = arith.constant 0.000000e+00 : f32
    %neg3A_866 = vector.broadcast %neg3A_865 : f32 to vector<1x207xf32>
    %neg3A_867 = arith.subf %neg3A_866, %log3A_864 : vector<1x207xf32>
    %add3A_868 = arith.constant 9.99999968E-21 : f32
    %add3A_869 = vector.broadcast %add3A_868 : f32 to vector<1x207xf32>
    %add3A_870 = arith.addf %neg3A_867, %add3A_869 : vector<1x207xf32>
    %log3A_871 = math.log %add3A_870 : vector<1x207xf32>
    %neg3A_872 = arith.constant 0.000000e+00 : f32
    %neg3A_873 = vector.broadcast %neg3A_872 : f32 to vector<1x207xf32>
    %neg3A_874 = arith.subf %neg3A_873, %log3A_871 : vector<1x207xf32>
    %add3A_875 = arith.constant 9.99999968E-21 : f32
    %add3A_876 = vector.broadcast %add3A_875 : f32 to vector<1x207xf32>
    %add3A_877 = arith.addf %get3A_860, %add3A_876 : vector<1x207xf32>
    %log3A_878 = math.log %add3A_877 : vector<1x207xf32>
    %neg3A_879 = arith.constant 0.000000e+00 : f32
    %neg3A_880 = vector.broadcast %neg3A_879 : f32 to vector<1x207xf32>
    %neg3A_881 = arith.subf %neg3A_880, %log3A_878 : vector<1x207xf32>
    %add3A_882 = arith.constant 9.99999968E-21 : f32
    %add3A_883 = vector.broadcast %add3A_882 : f32 to vector<1x207xf32>
    %add3A_884 = arith.addf %neg3A_881, %add3A_883 : vector<1x207xf32>
    %log3A_885 = math.log %add3A_884 : vector<1x207xf32>
    %neg3A_886 = arith.constant 0.000000e+00 : f32
    %neg3A_887 = vector.broadcast %neg3A_886 : f32 to vector<1x207xf32>
    %neg3A_888 = arith.subf %neg3A_887, %log3A_885 : vector<1x207xf32>
    %add3A_889 = arith.addf %reshape3A_636, %neg3A_874 : vector<1x207xf32>
    %mul3A_890 = arith.constant 2.000000e+00 : f32
    %mul3A_891 = vector.broadcast %mul3A_890 : f32 to vector<1x207xf32>
    %mul3A_892 = arith.mulf %add3A_889, %mul3A_891 : vector<1x207xf32>
    %add3A_893 = arith.addf %reshape3A_639, %neg3A_888 : vector<1x207xf32>
    %mul3A_894 = arith.constant 2.000000e+00 : f32
    %mul3A_895 = vector.broadcast %mul3A_894 : f32 to vector<1x207xf32>
    %mul3A_896 = arith.mulf %add3A_893, %mul3A_895 : vector<1x207xf32>
    %max3A_897 = arith.maximumf %mul3A_892, %mul3A_896 : vector<1x207xf32>
    %sub3A_898 = arith.subf %mul3A_892, %max3A_897 : vector<1x207xf32>
    %exp3A_899 = math.exp %sub3A_898 : vector<1x207xf32>
    %sub3A_900 = arith.subf %mul3A_896, %max3A_897 : vector<1x207xf32>
    %exp3A_901 = math.exp %sub3A_900 : vector<1x207xf32>
    %add3A_902 = arith.addf %exp3A_899, %exp3A_901 : vector<1x207xf32>
    %div3A_903 = arith.divf %exp3A_899, %add3A_902 : vector<1x207xf32>
    %ge3A_904 = arith.cmpf oge, %mul3A_892, %mul3A_896 : vector<1x207xf32>
    %convert_element_type3A_905 = arith.extui %ge3A_904 : vector<1x207xi1> to vector<1x207xi32>
    %convert_element_type3A_906 = arith.sitofp %convert_element_type3A_905 : vector<1x207xi32> to vector<1x207xf32>
    %sub3A_907 = arith.subf %convert_element_type3A_906, %div3A_903 : vector<1x207xf32>
    %add3A_908 = arith.addf %sub3A_907, %div3A_903 : vector<1x207xf32>
    %mul3A_909 = arith.mulf %add3A_908, %convert_element_type3A_647 : vector<1x207xf32>
    %swap3A_910 = arith.constant 3 : index
    %swap3A_911 = arith.constant 2 : index
    %swap3A_912 = arith.constant 0 : index
    %swap3A_913 = vector.load %arg8[%swap3A_910, %swap3A_911, %swap3A_912] : memref<4x8x207xf32, #tpu.memory_space<vmem>>, vector<1x1x207xf32>
    %swap3A_914 = vector.shape_cast %swap3A_913 : vector<1x1x207xf32> to vector<1x207xf32>
    %swap3A_915 = vector.shape_cast %mul3A_909 : vector<1x207xf32> to vector<1x1x207xf32>
    tpu.vector_store %arg8[%swap3A_910, %swap3A_911, %swap3A_912], %swap3A_915 {strides = array<i32>} : memref<4x8x207xf32, #tpu.memory_space<vmem>>, vector<1x1x207xf32>,
    %get3A_916 = arith.constant 3 : index
    %get3A_917 = arith.constant 0 : index
    %get3A_918 = vector.load %arg2[%get3A_916, %get3A_917] : memref<8x100xf32, #tpu.memory_space<vmem>>, vector<1x100xf32>
    %add3A_919 = vector.broadcast %get3A_918 : vector<1x100xf32> to vector<207x100xf32>
    %add3A_920 = arith.addf %get3A_1, %add3A_919 : vector<207x100xf32>
    %get3A_921 = arith.constant 0 : index
    %get3A_922 = arith.constant 0 : index
    %get3A_923 = vector.load %arg3[%get3A_921, %get3A_922] : memref<1x100xf32, #tpu.memory_space<vmem>>, vector<1x100xf32>
    %add3A_924 = vector.broadcast %get3A_923 : vector<1x100xf32> to vector<207x100xf32>
    %add3A_925 = arith.addf %add3A_920, %add3A_924 : vector<207x100xf32>
    %max3A_926 = arith.constant 0.000000e+00 : f32
    %max3A_927 = vector.broadcast %max3A_926 : f32 to vector<207x100xf32>
    %max3A_928 = arith.maximumf %add3A_925, %max3A_927 : vector<207x100xf32>
    %get3A_929 = arith.constant 0 : index
    %get3A_930 = arith.constant 0 : index
    %get3A_931 = vector.load %arg4[%get3A_929, %get3A_930] : memref<100x2xf32, #tpu.memory_space<vmem>>, vector<100x2xf32>
    %dot_general3A_932 = arith.constant dense<0.000000e+00> : vector<207x2xf32>
    %dot_general3A_933 = tpu.matmul %max3A_928, %get3A_931, %dot_general3A_932 {dimension_numbers = #tpu.dot_dimension_numbers<[1], [0], [0], [1], [0, 0, 1, 1], [], []>, transpose_lhs_hint = false} : vector<207x100xf32>, vector<100x2xf32>, vector<207x2xf32> -> vector<207x2xf32>
    %get3A_934 = arith.constant 0 : index
    %get3A_935 = arith.constant 0 : index
    %get3A_936 = vector.load %arg5[%get3A_934, %get3A_935] : memref<1x2xf32, #tpu.memory_space<vmem>>, vector<1x2xf32>
    %add3A_937 = vector.broadcast %get3A_936 : vector<1x2xf32> to vector<207x2xf32>
    %add3A_938 = arith.addf %dot_general3A_933, %add3A_937 : vector<207x2xf32>
    %reshape3A_939 = vector.shape_cast %add3A_938 : vector<207x2xf32> to vector<1x207x2xf32>
    %swap3A_940 = arith.constant 3 : index
    %swap3A_941 = arith.constant 0 : index
    %swap3A_942 = arith.constant 0 : index
    %swap3A_943 = vector.load %arg7[%swap3A_940, %swap3A_941, %swap3A_942] : memref<8x207x2xf32, #tpu.memory_space<vmem>>, vector<1x207x2xf32>
    tpu.vector_store %arg7[%swap3A_940, %swap3A_941, %swap3A_942], %reshape3A_939 {strides = array<i32>} : memref<8x207x2xf32, #tpu.memory_space<vmem>>, vector<1x207x2xf32>,
    %slice3A_944 = vector.extract_strided_slice %add3A_938 {offsets = [0, 0], sizes = [207, 1], strides = [1, 1]} : vector<207x2xf32> to vector<207x1xf32>
    %squeeze3A_945 = vector.shape_cast %slice3A_944 : vector<207x1xf32> to vector<207xf32>
    %reshape3A_946 = vector.shape_cast %squeeze3A_945 : vector<207xf32> to vector<1x207xf32>
    %slice3A_947 = vector.extract_strided_slice %add3A_938 {offsets = [0, 1], sizes = [207, 1], strides = [1, 1]} : vector<207x2xf32> to vector<207x1xf32>
    %squeeze3A_948 = vector.shape_cast %slice3A_947 : vector<207x1xf32> to vector<207xf32>
    %reshape3A_949 = vector.shape_cast %squeeze3A_948 : vector<207xf32> to vector<1x207xf32>
    %mul3A_950 = arith.constant 8 : i32
    %mul3A_951 = arith.muli %arg0, %mul3A_950 : i32
    %add3A_952 = arith.constant 3 : i32
    %add3A_953 = arith.addi %mul3A_951, %add3A_952 : i32
    %ne3A_954 = vector.broadcast %add3A_953 : i32 to vector<1x207xi32>
    %ne3A_955 = arith.cmpi ne, %iota3A, %ne3A_954 : vector<1x207xi32>
    %convert_element_type3A_956 = arith.extui %ne3A_955 : vector<1x207xi1> to vector<1x207xi32>
    %convert_element_type3A_957 = arith.sitofp %convert_element_type3A_956 : vector<1x207xi32> to vector<1x207xf32>
    %get3A_958 = arith.constant 0 : index
    %get3A_959 = arith.constant 3 : index
    %get3A_960 = arith.constant 0 : index
    %get3A_961 = arith.constant 0 : index
    %get3A_962 = vector.load %arg6[%get3A_958, %get3A_959, %get3A_960, %get3A_961] : memref<4x8x207x2xf32, #tpu.memory_space<vmem>>, vector<1x1x207x1xf32>
    %get3A_963 = vector.shape_cast %get3A_962 : vector<1x1x207x1xf32> to vector<1x207xf32>
    %get3A_964 = arith.constant 0 : index
    %get3A_965 = arith.constant 3 : index
    %get3A_966 = arith.constant 0 : index
    %get3A_967 = arith.constant 1 : index
    %get3A_968 = vector.load %arg6[%get3A_964, %get3A_965, %get3A_966, %get3A_967] : memref<4x8x207x2xf32, #tpu.memory_space<vmem>>, vector<1x1x207x1xf32>
    %get3A_969 = vector.shape_cast %get3A_968 : vector<1x1x207x1xf32> to vector<1x207xf32>
    %add3A_970 = arith.constant 9.99999968E-21 : f32
    %add3A_971 = vector.broadcast %add3A_970 : f32 to vector<1x207xf32>
    %add3A_972 = arith.addf %get3A_963, %add3A_971 : vector<1x207xf32>
    %log3A_973 = math.log %add3A_972 : vector<1x207xf32>
    %neg3A_974 = arith.constant 0.000000e+00 : f32
    %neg3A_975 = vector.broadcast %neg3A_974 : f32 to vector<1x207xf32>
    %neg3A_976 = arith.subf %neg3A_975, %log3A_973 : vector<1x207xf32>
    %add3A_977 = arith.constant 9.99999968E-21 : f32
    %add3A_978 = vector.broadcast %add3A_977 : f32 to vector<1x207xf32>
    %add3A_979 = arith.addf %neg3A_976, %add3A_978 : vector<1x207xf32>
    %log3A_980 = math.log %add3A_979 : vector<1x207xf32>
    %neg3A_981 = arith.constant 0.000000e+00 : f32
    %neg3A_982 = vector.broadcast %neg3A_981 : f32 to vector<1x207xf32>
    %neg3A_983 = arith.subf %neg3A_982, %log3A_980 : vector<1x207xf32>
    %add3A_984 = arith.constant 9.99999968E-21 : f32
    %add3A_985 = vector.broadcast %add3A_984 : f32 to vector<1x207xf32>
    %add3A_986 = arith.addf %get3A_969, %add3A_985 : vector<1x207xf32>
    %log3A_987 = math.log %add3A_986 : vector<1x207xf32>
    %neg3A_988 = arith.constant 0.000000e+00 : f32
    %neg3A_989 = vector.broadcast %neg3A_988 : f32 to vector<1x207xf32>
    %neg3A_990 = arith.subf %neg3A_989, %log3A_987 : vector<1x207xf32>
    %add3A_991 = arith.constant 9.99999968E-21 : f32
    %add3A_992 = vector.broadcast %add3A_991 : f32 to vector<1x207xf32>
    %add3A_993 = arith.addf %neg3A_990, %add3A_992 : vector<1x207xf32>
    %log3A_994 = math.log %add3A_993 : vector<1x207xf32>
    %neg3A_995 = arith.constant 0.000000e+00 : f32
    %neg3A_996 = vector.broadcast %neg3A_995 : f32 to vector<1x207xf32>
    %neg3A_997 = arith.subf %neg3A_996, %log3A_994 : vector<1x207xf32>
    %add3A_998 = arith.addf %reshape3A_946, %neg3A_983 : vector<1x207xf32>
    %mul3A_999 = arith.constant 2.000000e+00 : f32
    %mul3A_1000 = vector.broadcast %mul3A_999 : f32 to vector<1x207xf32>
    %mul3A_1001 = arith.mulf %add3A_998, %mul3A_1000 : vector<1x207xf32>
    %add3A_1002 = arith.addf %reshape3A_949, %neg3A_997 : vector<1x207xf32>
    %mul3A_1003 = arith.constant 2.000000e+00 : f32
    %mul3A_1004 = vector.broadcast %mul3A_1003 : f32 to vector<1x207xf32>
    %mul3A_1005 = arith.mulf %add3A_1002, %mul3A_1004 : vector<1x207xf32>
    %max3A_1006 = arith.maximumf %mul3A_1001, %mul3A_1005 : vector<1x207xf32>
    %sub3A_1007 = arith.subf %mul3A_1001, %max3A_1006 : vector<1x207xf32>
    %exp3A_1008 = math.exp %sub3A_1007 : vector<1x207xf32>
    %sub3A_1009 = arith.subf %mul3A_1005, %max3A_1006 : vector<1x207xf32>
    %exp3A_1010 = math.exp %sub3A_1009 : vector<1x207xf32>
    %add3A_1011 = arith.addf %exp3A_1008, %exp3A_1010 : vector<1x207xf32>
    %div3A_1012 = arith.divf %exp3A_1008, %add3A_1011 : vector<1x207xf32>
    %ge3A_1013 = arith.cmpf oge, %mul3A_1001, %mul3A_1005 : vector<1x207xf32>
    %convert_element_type3A_1014 = arith.extui %ge3A_1013 : vector<1x207xi1> to vector<1x207xi32>
    %convert_element_type3A_1015 = arith.sitofp %convert_element_type3A_1014 : vector<1x207xi32> to vector<1x207xf32>
    %sub3A_1016 = arith.subf %convert_element_type3A_1015, %div3A_1012 : vector<1x207xf32>
    %add3A_1017 = arith.addf %sub3A_1016, %div3A_1012 : vector<1x207xf32>
    %mul3A_1018 = arith.mulf %add3A_1017, %convert_element_type3A_957 : vector<1x207xf32>
    %swap3A_1019 = arith.constant 0 : index
    %swap3A_1020 = arith.constant 3 : index
    %swap3A_1021 = arith.constant 0 : index
    %swap3A_1022 = vector.load %arg8[%swap3A_1019, %swap3A_1020, %swap3A_1021] : memref<4x8x207xf32, #tpu.memory_space<vmem>>, vector<1x1x207xf32>
    %swap3A_1023 = vector.shape_cast %swap3A_1022 : vector<1x1x207xf32> to vector<1x207xf32>
    %swap3A_1024 = vector.shape_cast %mul3A_1018 : vector<1x207xf32> to vector<1x1x207xf32>
    tpu.vector_store %arg8[%swap3A_1019, %swap3A_1020, %swap3A_1021], %swap3A_1024 {strides = array<i32>} : memref<4x8x207xf32, #tpu.memory_space<vmem>>, vector<1x1x207xf32>,
    %get3A_1025 = arith.constant 1 : index
    %get3A_1026 = arith.constant 3 : index
    %get3A_1027 = arith.constant 0 : index
    %get3A_1028 = arith.constant 0 : index
    %get3A_1029 = vector.load %arg6[%get3A_1025, %get3A_1026, %get3A_1027, %get3A_1028] : memref<4x8x207x2xf32, #tpu.memory_space<vmem>>, vector<1x1x207x1xf32>
    %get3A_1030 = vector.shape_cast %get3A_1029 : vector<1x1x207x1xf32> to vector<1x207xf32>
    %get3A_1031 = arith.constant 1 : index
    %get3A_1032 = arith.constant 3 : index
    %get3A_1033 = arith.constant 0 : index
    %get3A_1034 = arith.constant 1 : index
    %get3A_1035 = vector.load %arg6[%get3A_1031, %get3A_1032, %get3A_1033, %get3A_1034] : memref<4x8x207x2xf32, #tpu.memory_space<vmem>>, vector<1x1x207x1xf32>
    %get3A_1036 = vector.shape_cast %get3A_1035 : vector<1x1x207x1xf32> to vector<1x207xf32>
    %add3A_1037 = arith.constant 9.99999968E-21 : f32
    %add3A_1038 = vector.broadcast %add3A_1037 : f32 to vector<1x207xf32>
    %add3A_1039 = arith.addf %get3A_1030, %add3A_1038 : vector<1x207xf32>
    %log3A_1040 = math.log %add3A_1039 : vector<1x207xf32>
    %neg3A_1041 = arith.constant 0.000000e+00 : f32
    %neg3A_1042 = vector.broadcast %neg3A_1041 : f32 to vector<1x207xf32>
    %neg3A_1043 = arith.subf %neg3A_1042, %log3A_1040 : vector<1x207xf32>
    %add3A_1044 = arith.constant 9.99999968E-21 : f32
    %add3A_1045 = vector.broadcast %add3A_1044 : f32 to vector<1x207xf32>
    %add3A_1046 = arith.addf %neg3A_1043, %add3A_1045 : vector<1x207xf32>
    %log3A_1047 = math.log %add3A_1046 : vector<1x207xf32>
    %neg3A_1048 = arith.constant 0.000000e+00 : f32
    %neg3A_1049 = vector.broadcast %neg3A_1048 : f32 to vector<1x207xf32>
    %neg3A_1050 = arith.subf %neg3A_1049, %log3A_1047 : vector<1x207xf32>
    %add3A_1051 = arith.constant 9.99999968E-21 : f32
    %add3A_1052 = vector.broadcast %add3A_1051 : f32 to vector<1x207xf32>
    %add3A_1053 = arith.addf %get3A_1036, %add3A_1052 : vector<1x207xf32>
    %log3A_1054 = math.log %add3A_1053 : vector<1x207xf32>
    %neg3A_1055 = arith.constant 0.000000e+00 : f32
    %neg3A_1056 = vector.broadcast %neg3A_1055 : f32 to vector<1x207xf32>
    %neg3A_1057 = arith.subf %neg3A_1056, %log3A_1054 : vector<1x207xf32>
    %add3A_1058 = arith.constant 9.99999968E-21 : f32
    %add3A_1059 = vector.broadcast %add3A_1058 : f32 to vector<1x207xf32>
    %add3A_1060 = arith.addf %neg3A_1057, %add3A_1059 : vector<1x207xf32>
    %log3A_1061 = math.log %add3A_1060 : vector<1x207xf32>
    %neg3A_1062 = arith.constant 0.000000e+00 : f32
    %neg3A_1063 = vector.broadcast %neg3A_1062 : f32 to vector<1x207xf32>
    %neg3A_1064 = arith.subf %neg3A_1063, %log3A_1061 : vector<1x207xf32>
    %add3A_1065 = arith.addf %reshape3A_946, %neg3A_1050 : vector<1x207xf32>
    %mul3A_1066 = arith.constant 2.000000e+00 : f32
    %mul3A_1067 = vector.broadcast %mul3A_1066 : f32 to vector<1x207xf32>
    %mul3A_1068 = arith.mulf %add3A_1065, %mul3A_1067 : vector<1x207xf32>
    %add3A_1069 = arith.addf %reshape3A_949, %neg3A_1064 : vector<1x207xf32>
    %mul3A_1070 = arith.constant 2.000000e+00 : f32
    %mul3A_1071 = vector.broadcast %mul3A_1070 : f32 to vector<1x207xf32>
    %mul3A_1072 = arith.mulf %add3A_1069, %mul3A_1071 : vector<1x207xf32>
    %max3A_1073 = arith.maximumf %mul3A_1068, %mul3A_1072 : vector<1x207xf32>
    %sub3A_1074 = arith.subf %mul3A_1068, %max3A_1073 : vector<1x207xf32>
    %exp3A_1075 = math.exp %sub3A_1074 : vector<1x207xf32>
    %sub3A_1076 = arith.subf %mul3A_1072, %max3A_1073 : vector<1x207xf32>
    %exp3A_1077 = math.exp %sub3A_1076 : vector<1x207xf32>
    %add3A_1078 = arith.addf %exp3A_1075, %exp3A_1077 : vector<1x207xf32>
    %div3A_1079 = arith.divf %exp3A_1075, %add3A_1078 : vector<1x207xf32>
    %ge3A_1080 = arith.cmpf oge, %mul3A_1068, %mul3A_1072 : vector<1x207xf32>
    %convert_element_type3A_1081 = arith.extui %ge3A_1080 : vector<1x207xi1> to vector<1x207xi32>
    %convert_element_type3A_1082 = arith.sitofp %convert_element_type3A_1081 : vector<1x207xi32> to vector<1x207xf32>
    %sub3A_1083 = arith.subf %convert_element_type3A_1082, %div3A_1079 : vector<1x207xf32>
    %add3A_1084 = arith.addf %sub3A_1083, %div3A_1079 : vector<1x207xf32>
    %mul3A_1085 = arith.mulf %add3A_1084, %convert_element_type3A_957 : vector<1x207xf32>
    %swap3A_1086 = arith.constant 1 : index
    %swap3A_1087 = arith.constant 3 : index
    %swap3A_1088 = arith.constant 0 : index
    %swap3A_1089 = vector.load %arg8[%swap3A_1086, %swap3A_1087, %swap3A_1088] : memref<4x8x207xf32, #tpu.memory_space<vmem>>, vector<1x1x207xf32>
    %swap3A_1090 = vector.shape_cast %swap3A_1089 : vector<1x1x207xf32> to vector<1x207xf32>
    %swap3A_1091 = vector.shape_cast %mul3A_1085 : vector<1x207xf32> to vector<1x1x207xf32>
    tpu.vector_store %arg8[%swap3A_1086, %swap3A_1087, %swap3A_1088], %swap3A_1091 {strides = array<i32>} : memref<4x8x207xf32, #tpu.memory_space<vmem>>, vector<1x1x207xf32>,
    %get3A_1092 = arith.constant 2 : index
    %get3A_1093 = arith.constant 3 : index
    %get3A_1094 = arith.constant 0 : index
    %get3A_1095 = arith.constant 0 : index
    %get3A_1096 = vector.load %arg6[%get3A_1092, %get3A_1093, %get3A_1094, %get3A_1095] : memref<4x8x207x2xf32, #tpu.memory_space<vmem>>, vector<1x1x207x1xf32>
    %get3A_1097 = vector.shape_cast %get3A_1096 : vector<1x1x207x1xf32> to vector<1x207xf32>
    %get3A_1098 = arith.constant 2 : index
    %get3A_1099 = arith.constant 3 : index
    %get3A_1100 = arith.constant 0 : index
    %get3A_1101 = arith.constant 1 : index
    %get3A_1102 = vector.load %arg6[%get3A_1098, %get3A_1099, %get3A_1100, %get3A_1101] : memref<4x8x207x2xf32, #tpu.memory_space<vmem>>, vector<1x1x207x1xf32>
    %get3A_1103 = vector.shape_cast %get3A_1102 : vector<1x1x207x1xf32> to vector<1x207xf32>
    %add3A_1104 = arith.constant 9.99999968E-21 : f32
    %add3A_1105 = vector.broadcast %add3A_1104 : f32 to vector<1x207xf32>
    %add3A_1106 = arith.addf %get3A_1097, %add3A_1105 : vector<1x207xf32>
    %log3A_1107 = math.log %add3A_1106 : vector<1x207xf32>
    %neg3A_1108 = arith.constant 0.000000e+00 : f32
    %neg3A_1109 = vector.broadcast %neg3A_1108 : f32 to vector<1x207xf32>
    %neg3A_1110 = arith.subf %neg3A_1109, %log3A_1107 : vector<1x207xf32>
    %add3A_1111 = arith.constant 9.99999968E-21 : f32
    %add3A_1112 = vector.broadcast %add3A_1111 : f32 to vector<1x207xf32>
    %add3A_1113 = arith.addf %neg3A_1110, %add3A_1112 : vector<1x207xf32>
    %log3A_1114 = math.log %add3A_1113 : vector<1x207xf32>
    %neg3A_1115 = arith.constant 0.000000e+00 : f32
    %neg3A_1116 = vector.broadcast %neg3A_1115 : f32 to vector<1x207xf32>
    %neg3A_1117 = arith.subf %neg3A_1116, %log3A_1114 : vector<1x207xf32>
    %add3A_1118 = arith.constant 9.99999968E-21 : f32
    %add3A_1119 = vector.broadcast %add3A_1118 : f32 to vector<1x207xf32>
    %add3A_1120 = arith.addf %get3A_1103, %add3A_1119 : vector<1x207xf32>
    %log3A_1121 = math.log %add3A_1120 : vector<1x207xf32>
    %neg3A_1122 = arith.constant 0.000000e+00 : f32
    %neg3A_1123 = vector.broadcast %neg3A_1122 : f32 to vector<1x207xf32>
    %neg3A_1124 = arith.subf %neg3A_1123, %log3A_1121 : vector<1x207xf32>
    %add3A_1125 = arith.constant 9.99999968E-21 : f32
    %add3A_1126 = vector.broadcast %add3A_1125 : f32 to vector<1x207xf32>
    %add3A_1127 = arith.addf %neg3A_1124, %add3A_1126 : vector<1x207xf32>
    %log3A_1128 = math.log %add3A_1127 : vector<1x207xf32>
    %neg3A_1129 = arith.constant 0.000000e+00 : f32
    %neg3A_1130 = vector.broadcast %neg3A_1129 : f32 to vector<1x207xf32>
    %neg3A_1131 = arith.subf %neg3A_1130, %log3A_1128 : vector<1x207xf32>
    %add3A_1132 = arith.addf %reshape3A_946, %neg3A_1117 : vector<1x207xf32>
    %mul3A_1133 = arith.constant 2.000000e+00 : f32
    %mul3A_1134 = vector.broadcast %mul3A_1133 : f32 to vector<1x207xf32>
    %mul3A_1135 = arith.mulf %add3A_1132, %mul3A_1134 : vector<1x207xf32>
    %add3A_1136 = arith.addf %reshape3A_949, %neg3A_1131 : vector<1x207xf32>
    %mul3A_1137 = arith.constant 2.000000e+00 : f32
    %mul3A_1138 = vector.broadcast %mul3A_1137 : f32 to vector<1x207xf32>
    %mul3A_1139 = arith.mulf %add3A_1136, %mul3A_1138 : vector<1x207xf32>
    %max3A_1140 = arith.maximumf %mul3A_1135, %mul3A_1139 : vector<1x207xf32>
    %sub3A_1141 = arith.subf %mul3A_1135, %max3A_1140 : vector<1x207xf32>
    %exp3A_1142 = math.exp %sub3A_1141 : vector<1x207xf32>
    %sub3A_1143 = arith.subf %mul3A_1139, %max3A_1140 : vector<1x207xf32>
    %exp3A_1144 = math.exp %sub3A_1143 : vector<1x207xf32>
    %add3A_1145 = arith.addf %exp3A_1142, %exp3A_1144 : vector<1x207xf32>
    %div3A_1146 = arith.divf %exp3A_1142, %add3A_1145 : vector<1x207xf32>
    %ge3A_1147 = arith.cmpf oge, %mul3A_1135, %mul3A_1139 : vector<1x207xf32>
    %convert_element_type3A_1148 = arith.extui %ge3A_1147 : vector<1x207xi1> to vector<1x207xi32>
    %convert_element_type3A_1149 = arith.sitofp %convert_element_type3A_1148 : vector<1x207xi32> to vector<1x207xf32>
    %sub3A_1150 = arith.subf %convert_element_type3A_1149, %div3A_1146 : vector<1x207xf32>
    %add3A_1151 = arith.addf %sub3A_1150, %div3A_1146 : vector<1x207xf32>
    %mul3A_1152 = arith.mulf %add3A_1151, %convert_element_type3A_957 : vector<1x207xf32>
    %swap3A_1153 = arith.constant 2 : index
    %swap3A_1154 = arith.constant 3 : index
    %swap3A_1155 = arith.constant 0 : index
    %swap3A_1156 = vector.load %arg8[%swap3A_1153, %swap3A_1154, %swap3A_1155] : memref<4x8x207xf32, #tpu.memory_space<vmem>>, vector<1x1x207xf32>
    %swap3A_1157 = vector.shape_cast %swap3A_1156 : vector<1x1x207xf32> to vector<1x207xf32>
    %swap3A_1158 = vector.shape_cast %mul3A_1152 : vector<1x207xf32> to vector<1x1x207xf32>
    tpu.vector_store %arg8[%swap3A_1153, %swap3A_1154, %swap3A_1155], %swap3A_1158 {strides = array<i32>} : memref<4x8x207xf32, #tpu.memory_space<vmem>>, vector<1x1x207xf32>,
    %get3A_1159 = arith.constant 3 : index
    %get3A_1160 = arith.constant 3 : index
    %get3A_1161 = arith.constant 0 : index
    %get3A_1162 = arith.constant 0 : index
    %get3A_1163 = vector.load %arg6[%get3A_1159, %get3A_1160, %get3A_1161, %get3A_1162] : memref<4x8x207x2xf32, #tpu.memory_space<vmem>>, vector<1x1x207x1xf32>
    %get3A_1164 = vector.shape_cast %get3A_1163 : vector<1x1x207x1xf32> to vector<1x207xf32>
    %get3A_1165 = arith.constant 3 : index
    %get3A_1166 = arith.constant 3 : index
    %get3A_1167 = arith.constant 0 : index
    %get3A_1168 = arith.constant 1 : index
    %get3A_1169 = vector.load %arg6[%get3A_1165, %get3A_1166, %get3A_1167, %get3A_1168] : memref<4x8x207x2xf32, #tpu.memory_space<vmem>>, vector<1x1x207x1xf32>
    %get3A_1170 = vector.shape_cast %get3A_1169 : vector<1x1x207x1xf32> to vector<1x207xf32>
    %add3A_1171 = arith.constant 9.99999968E-21 : f32
    %add3A_1172 = vector.broadcast %add3A_1171 : f32 to vector<1x207xf32>
    %add3A_1173 = arith.addf %get3A_1164, %add3A_1172 : vector<1x207xf32>
    %log3A_1174 = math.log %add3A_1173 : vector<1x207xf32>
    %neg3A_1175 = arith.constant 0.000000e+00 : f32
    %neg3A_1176 = vector.broadcast %neg3A_1175 : f32 to vector<1x207xf32>
    %neg3A_1177 = arith.subf %neg3A_1176, %log3A_1174 : vector<1x207xf32>
    %add3A_1178 = arith.constant 9.99999968E-21 : f32
    %add3A_1179 = vector.broadcast %add3A_1178 : f32 to vector<1x207xf32>
    %add3A_1180 = arith.addf %neg3A_1177, %add3A_1179 : vector<1x207xf32>
    %log3A_1181 = math.log %add3A_1180 : vector<1x207xf32>
    %neg3A_1182 = arith.constant 0.000000e+00 : f32
    %neg3A_1183 = vector.broadcast %neg3A_1182 : f32 to vector<1x207xf32>
    %neg3A_1184 = arith.subf %neg3A_1183, %log3A_1181 : vector<1x207xf32>
    %add3A_1185 = arith.constant 9.99999968E-21 : f32
    %add3A_1186 = vector.broadcast %add3A_1185 : f32 to vector<1x207xf32>
    %add3A_1187 = arith.addf %get3A_1170, %add3A_1186 : vector<1x207xf32>
    %log3A_1188 = math.log %add3A_1187 : vector<1x207xf32>
    %neg3A_1189 = arith.constant 0.000000e+00 : f32
    %neg3A_1190 = vector.broadcast %neg3A_1189 : f32 to vector<1x207xf32>
    %neg3A_1191 = arith.subf %neg3A_1190, %log3A_1188 : vector<1x207xf32>
    %add3A_1192 = arith.constant 9.99999968E-21 : f32
    %add3A_1193 = vector.broadcast %add3A_1192 : f32 to vector<1x207xf32>
    %add3A_1194 = arith.addf %neg3A_1191, %add3A_1193 : vector<1x207xf32>
    %log3A_1195 = math.log %add3A_1194 : vector<1x207xf32>
    %neg3A_1196 = arith.constant 0.000000e+00 : f32
    %neg3A_1197 = vector.broadcast %neg3A_1196 : f32 to vector<1x207xf32>
    %neg3A_1198 = arith.subf %neg3A_1197, %log3A_1195 : vector<1x207xf32>
    %add3A_1199 = arith.addf %reshape3A_946, %neg3A_1184 : vector<1x207xf32>
    %mul3A_1200 = arith.constant 2.000000e+00 : f32
    %mul3A_1201 = vector.broadcast %mul3A_1200 : f32 to vector<1x207xf32>
    %mul3A_1202 = arith.mulf %add3A_1199, %mul3A_1201 : vector<1x207xf32>
    %add3A_1203 = arith.addf %reshape3A_949, %neg3A_1198 : vector<1x207xf32>
    %mul3A_1204 = arith.constant 2.000000e+00 : f32
    %mul3A_1205 = vector.broadcast %mul3A_1204 : f32 to vector<1x207xf32>
    %mul3A_1206 = arith.mulf %add3A_1203, %mul3A_1205 : vector<1x207xf32>
    %max3A_1207 = arith.maximumf %mul3A_1202, %mul3A_1206 : vector<1x207xf32>
    %sub3A_1208 = arith.subf %mul3A_1202, %max3A_1207 : vector<1x207xf32>
    %exp3A_1209 = math.exp %sub3A_1208 : vector<1x207xf32>
    %sub3A_1210 = arith.subf %mul3A_1206, %max3A_1207 : vector<1x207xf32>
    %exp3A_1211 = math.exp %sub3A_1210 : vector<1x207xf32>
    %add3A_1212 = arith.addf %exp3A_1209, %exp3A_1211 : vector<1x207xf32>
    %div3A_1213 = arith.divf %exp3A_1209, %add3A_1212 : vector<1x207xf32>
    %ge3A_1214 = arith.cmpf oge, %mul3A_1202, %mul3A_1206 : vector<1x207xf32>
    %convert_element_type3A_1215 = arith.extui %ge3A_1214 : vector<1x207xi1> to vector<1x207xi32>
    %convert_element_type3A_1216 = arith.sitofp %convert_element_type3A_1215 : vector<1x207xi32> to vector<1x207xf32>
    %sub3A_1217 = arith.subf %convert_element_type3A_1216, %div3A_1213 : vector<1x207xf32>
    %add3A_1218 = arith.addf %sub3A_1217, %div3A_1213 : vector<1x207xf32>
    %mul3A_1219 = arith.mulf %add3A_1218, %convert_element_type3A_957 : vector<1x207xf32>
    %swap3A_1220 = arith.constant 3 : index
    %swap3A_1221 = arith.constant 3 : index
    %swap3A_1222 = arith.constant 0 : index
    %swap3A_1223 = vector.load %arg8[%swap3A_1220, %swap3A_1221, %swap3A_1222] : memref<4x8x207xf32, #tpu.memory_space<vmem>>, vector<1x1x207xf32>
    %swap3A_1224 = vector.shape_cast %swap3A_1223 : vector<1x1x207xf32> to vector<1x207xf32>
    %swap3A_1225 = vector.shape_cast %mul3A_1219 : vector<1x207xf32> to vector<1x1x207xf32>
    tpu.vector_store %arg8[%swap3A_1220, %swap3A_1221, %swap3A_1222], %swap3A_1225 {strides = array<i32>} : memref<4x8x207xf32, #tpu.memory_space<vmem>>, vector<1x1x207xf32>,
    %get3A_1226 = arith.constant 4 : index
    %get3A_1227 = arith.constant 0 : index
    %get3A_1228 = vector.load %arg2[%get3A_1226, %get3A_1227] : memref<8x100xf32, #tpu.memory_space<vmem>>, vector<1x100xf32>
    %add3A_1229 = vector.broadcast %get3A_1228 : vector<1x100xf32> to vector<207x100xf32>
    %add3A_1230 = arith.addf %get3A_1, %add3A_1229 : vector<207x100xf32>
    %get3A_1231 = arith.constant 0 : index
    %get3A_1232 = arith.constant 0 : index
    %get3A_1233 = vector.load %arg3[%get3A_1231, %get3A_1232] : memref<1x100xf32, #tpu.memory_space<vmem>>, vector<1x100xf32>
    %add3A_1234 = vector.broadcast %get3A_1233 : vector<1x100xf32> to vector<207x100xf32>
    %add3A_1235 = arith.addf %add3A_1230, %add3A_1234 : vector<207x100xf32>
    %max3A_1236 = arith.constant 0.000000e+00 : f32
    %max3A_1237 = vector.broadcast %max3A_1236 : f32 to vector<207x100xf32>
    %max3A_1238 = arith.maximumf %add3A_1235, %max3A_1237 : vector<207x100xf32>
    %get3A_1239 = arith.constant 0 : index
    %get3A_1240 = arith.constant 0 : index
    %get3A_1241 = vector.load %arg4[%get3A_1239, %get3A_1240] : memref<100x2xf32, #tpu.memory_space<vmem>>, vector<100x2xf32>
    %dot_general3A_1242 = arith.constant dense<0.000000e+00> : vector<207x2xf32>
    %dot_general3A_1243 = tpu.matmul %max3A_1238, %get3A_1241, %dot_general3A_1242 {dimension_numbers = #tpu.dot_dimension_numbers<[1], [0], [0], [1], [0, 0, 1, 1], [], []>, transpose_lhs_hint = false} : vector<207x100xf32>, vector<100x2xf32>, vector<207x2xf32> -> vector<207x2xf32>
    %get3A_1244 = arith.constant 0 : index
    %get3A_1245 = arith.constant 0 : index
    %get3A_1246 = vector.load %arg5[%get3A_1244, %get3A_1245] : memref<1x2xf32, #tpu.memory_space<vmem>>, vector<1x2xf32>
    %add3A_1247 = vector.broadcast %get3A_1246 : vector<1x2xf32> to vector<207x2xf32>
    %add3A_1248 = arith.addf %dot_general3A_1243, %add3A_1247 : vector<207x2xf32>
    %reshape3A_1249 = vector.shape_cast %add3A_1248 : vector<207x2xf32> to vector<1x207x2xf32>
    %swap3A_1250 = arith.constant 4 : index
    %swap3A_1251 = arith.constant 0 : index
    %swap3A_1252 = arith.constant 0 : index
    %swap3A_1253 = vector.load %arg7[%swap3A_1250, %swap3A_1251, %swap3A_1252] : memref<8x207x2xf32, #tpu.memory_space<vmem>>, vector<1x207x2xf32>
    tpu.vector_store %arg7[%swap3A_1250, %swap3A_1251, %swap3A_1252], %reshape3A_1249 {strides = array<i32>} : memref<8x207x2xf32, #tpu.memory_space<vmem>>, vector<1x207x2xf32>,
    %slice3A_1254 = vector.extract_strided_slice %add3A_1248 {offsets = [0, 0], sizes = [207, 1], strides = [1, 1]} : vector<207x2xf32> to vector<207x1xf32>
    %squeeze3A_1255 = vector.shape_cast %slice3A_1254 : vector<207x1xf32> to vector<207xf32>
    %reshape3A_1256 = vector.shape_cast %squeeze3A_1255 : vector<207xf32> to vector<1x207xf32>
    %slice3A_1257 = vector.extract_strided_slice %add3A_1248 {offsets = [0, 1], sizes = [207, 1], strides = [1, 1]} : vector<207x2xf32> to vector<207x1xf32>
    %squeeze3A_1258 = vector.shape_cast %slice3A_1257 : vector<207x1xf32> to vector<207xf32>
    %reshape3A_1259 = vector.shape_cast %squeeze3A_1258 : vector<207xf32> to vector<1x207xf32>
    %mul3A_1260 = arith.constant 8 : i32
    %mul3A_1261 = arith.muli %arg0, %mul3A_1260 : i32
    %add3A_1262 = arith.constant 4 : i32
    %add3A_1263 = arith.addi %mul3A_1261, %add3A_1262 : i32
    %ne3A_1264 = vector.broadcast %add3A_1263 : i32 to vector<1x207xi32>
    %ne3A_1265 = arith.cmpi ne, %iota3A, %ne3A_1264 : vector<1x207xi32>
    %convert_element_type3A_1266 = arith.extui %ne3A_1265 : vector<1x207xi1> to vector<1x207xi32>
    %convert_element_type3A_1267 = arith.sitofp %convert_element_type3A_1266 : vector<1x207xi32> to vector<1x207xf32>
    %get3A_1268 = arith.constant 0 : index
    %get3A_1269 = arith.constant 4 : index
    %get3A_1270 = arith.constant 0 : index
    %get3A_1271 = arith.constant 0 : index
    %get3A_1272 = vector.load %arg6[%get3A_1268, %get3A_1269, %get3A_1270, %get3A_1271] : memref<4x8x207x2xf32, #tpu.memory_space<vmem>>, vector<1x1x207x1xf32>
    %get3A_1273 = vector.shape_cast %get3A_1272 : vector<1x1x207x1xf32> to vector<1x207xf32>
    %get3A_1274 = arith.constant 0 : index
    %get3A_1275 = arith.constant 4 : index
    %get3A_1276 = arith.constant 0 : index
    %get3A_1277 = arith.constant 1 : index
    %get3A_1278 = vector.load %arg6[%get3A_1274, %get3A_1275, %get3A_1276, %get3A_1277] : memref<4x8x207x2xf32, #tpu.memory_space<vmem>>, vector<1x1x207x1xf32>
    %get3A_1279 = vector.shape_cast %get3A_1278 : vector<1x1x207x1xf32> to vector<1x207xf32>
    %add3A_1280 = arith.constant 9.99999968E-21 : f32
    %add3A_1281 = vector.broadcast %add3A_1280 : f32 to vector<1x207xf32>
    %add3A_1282 = arith.addf %get3A_1273, %add3A_1281 : vector<1x207xf32>
    %log3A_1283 = math.log %add3A_1282 : vector<1x207xf32>
    %neg3A_1284 = arith.constant 0.000000e+00 : f32
    %neg3A_1285 = vector.broadcast %neg3A_1284 : f32 to vector<1x207xf32>
    %neg3A_1286 = arith.subf %neg3A_1285, %log3A_1283 : vector<1x207xf32>
    %add3A_1287 = arith.constant 9.99999968E-21 : f32
    %add3A_1288 = vector.broadcast %add3A_1287 : f32 to vector<1x207xf32>
    %add3A_1289 = arith.addf %neg3A_1286, %add3A_1288 : vector<1x207xf32>
    %log3A_1290 = math.log %add3A_1289 : vector<1x207xf32>
    %neg3A_1291 = arith.constant 0.000000e+00 : f32
    %neg3A_1292 = vector.broadcast %neg3A_1291 : f32 to vector<1x207xf32>
    %neg3A_1293 = arith.subf %neg3A_1292, %log3A_1290 : vector<1x207xf32>
    %add3A_1294 = arith.constant 9.99999968E-21 : f32
    %add3A_1295 = vector.broadcast %add3A_1294 : f32 to vector<1x207xf32>
    %add3A_1296 = arith.addf %get3A_1279, %add3A_1295 : vector<1x207xf32>
    %log3A_1297 = math.log %add3A_1296 : vector<1x207xf32>
    %neg3A_1298 = arith.constant 0.000000e+00 : f32
    %neg3A_1299 = vector.broadcast %neg3A_1298 : f32 to vector<1x207xf32>
    %neg3A_1300 = arith.subf %neg3A_1299, %log3A_1297 : vector<1x207xf32>
    %add3A_1301 = arith.constant 9.99999968E-21 : f32
    %add3A_1302 = vector.broadcast %add3A_1301 : f32 to vector<1x207xf32>
    %add3A_1303 = arith.addf %neg3A_1300, %add3A_1302 : vector<1x207xf32>
    %log3A_1304 = math.log %add3A_1303 : vector<1x207xf32>
    %neg3A_1305 = arith.constant 0.000000e+00 : f32
    %neg3A_1306 = vector.broadcast %neg3A_1305 : f32 to vector<1x207xf32>
    %neg3A_1307 = arith.subf %neg3A_1306, %log3A_1304 : vector<1x207xf32>
    %add3A_1308 = arith.addf %reshape3A_1256, %neg3A_1293 : vector<1x207xf32>
    %mul3A_1309 = arith.constant 2.000000e+00 : f32
    %mul3A_1310 = vector.broadcast %mul3A_1309 : f32 to vector<1x207xf32>
    %mul3A_1311 = arith.mulf %add3A_1308, %mul3A_1310 : vector<1x207xf32>
    %add3A_1312 = arith.addf %reshape3A_1259, %neg3A_1307 : vector<1x207xf32>
    %mul3A_1313 = arith.constant 2.000000e+00 : f32
    %mul3A_1314 = vector.broadcast %mul3A_1313 : f32 to vector<1x207xf32>
    %mul3A_1315 = arith.mulf %add3A_1312, %mul3A_1314 : vector<1x207xf32>
    %max3A_1316 = arith.maximumf %mul3A_1311, %mul3A_1315 : vector<1x207xf32>
    %sub3A_1317 = arith.subf %mul3A_1311, %max3A_1316 : vector<1x207xf32>
    %exp3A_1318 = math.exp %sub3A_1317 : vector<1x207xf32>
    %sub3A_1319 = arith.subf %mul3A_1315, %max3A_1316 : vector<1x207xf32>
    %exp3A_1320 = math.exp %sub3A_1319 : vector<1x207xf32>
    %add3A_1321 = arith.addf %exp3A_1318, %exp3A_1320 : vector<1x207xf32>
    %div3A_1322 = arith.divf %exp3A_1318, %add3A_1321 : vector<1x207xf32>
    %ge3A_1323 = arith.cmpf oge, %mul3A_1311, %mul3A_1315 : vector<1x207xf32>
    %convert_element_type3A_1324 = arith.extui %ge3A_1323 : vector<1x207xi1> to vector<1x207xi32>
    %convert_element_type3A_1325 = arith.sitofp %convert_element_type3A_1324 : vector<1x207xi32> to vector<1x207xf32>
    %sub3A_1326 = arith.subf %convert_element_type3A_1325, %div3A_1322 : vector<1x207xf32>
    %add3A_1327 = arith.addf %sub3A_1326, %div3A_1322 : vector<1x207xf32>
    %mul3A_1328 = arith.mulf %add3A_1327, %convert_element_type3A_1267 : vector<1x207xf32>
    %swap3A_1329 = arith.constant 0 : index
    %swap3A_1330 = arith.constant 4 : index
    %swap3A_1331 = arith.constant 0 : index
    %swap3A_1332 = vector.load %arg8[%swap3A_1329, %swap3A_1330, %swap3A_1331] : memref<4x8x207xf32, #tpu.memory_space<vmem>>, vector<1x1x207xf32>
    %swap3A_1333 = vector.shape_cast %swap3A_1332 : vector<1x1x207xf32> to vector<1x207xf32>
    %swap3A_1334 = vector.shape_cast %mul3A_1328 : vector<1x207xf32> to vector<1x1x207xf32>
    tpu.vector_store %arg8[%swap3A_1329, %swap3A_1330, %swap3A_1331], %swap3A_1334 {strides = array<i32>} : memref<4x8x207xf32, #tpu.memory_space<vmem>>, vector<1x1x207xf32>,
    %get3A_1335 = arith.constant 1 : index
    %get3A_1336 = arith.constant 4 : index
    %get3A_1337 = arith.constant 0 : index
    %get3A_1338 = arith.constant 0 : index
    %get3A_1339 = vector.load %arg6[%get3A_1335, %get3A_1336, %get3A_1337, %get3A_1338] : memref<4x8x207x2xf32, #tpu.memory_space<vmem>>, vector<1x1x207x1xf32>
    %get3A_1340 = vector.shape_cast %get3A_1339 : vector<1x1x207x1xf32> to vector<1x207xf32>
    %get3A_1341 = arith.constant 1 : index
    %get3A_1342 = arith.constant 4 : index
    %get3A_1343 = arith.constant 0 : index
    %get3A_1344 = arith.constant 1 : index
    %get3A_1345 = vector.load %arg6[%get3A_1341, %get3A_1342, %get3A_1343, %get3A_1344] : memref<4x8x207x2xf32, #tpu.memory_space<vmem>>, vector<1x1x207x1xf32>
    %get3A_1346 = vector.shape_cast %get3A_1345 : vector<1x1x207x1xf32> to vector<1x207xf32>
    %add3A_1347 = arith.constant 9.99999968E-21 : f32
    %add3A_1348 = vector.broadcast %add3A_1347 : f32 to vector<1x207xf32>
    %add3A_1349 = arith.addf %get3A_1340, %add3A_1348 : vector<1x207xf32>
    %log3A_1350 = math.log %add3A_1349 : vector<1x207xf32>
    %neg3A_1351 = arith.constant 0.000000e+00 : f32
    %neg3A_1352 = vector.broadcast %neg3A_1351 : f32 to vector<1x207xf32>
    %neg3A_1353 = arith.subf %neg3A_1352, %log3A_1350 : vector<1x207xf32>
    %add3A_1354 = arith.constant 9.99999968E-21 : f32
    %add3A_1355 = vector.broadcast %add3A_1354 : f32 to vector<1x207xf32>
    %add3A_1356 = arith.addf %neg3A_1353, %add3A_1355 : vector<1x207xf32>
    %log3A_1357 = math.log %add3A_1356 : vector<1x207xf32>
    %neg3A_1358 = arith.constant 0.000000e+00 : f32
    %neg3A_1359 = vector.broadcast %neg3A_1358 : f32 to vector<1x207xf32>
    %neg3A_1360 = arith.subf %neg3A_1359, %log3A_1357 : vector<1x207xf32>
    %add3A_1361 = arith.constant 9.99999968E-21 : f32
    %add3A_1362 = vector.broadcast %add3A_1361 : f32 to vector<1x207xf32>
    %add3A_1363 = arith.addf %get3A_1346, %add3A_1362 : vector<1x207xf32>
    %log3A_1364 = math.log %add3A_1363 : vector<1x207xf32>
    %neg3A_1365 = arith.constant 0.000000e+00 : f32
    %neg3A_1366 = vector.broadcast %neg3A_1365 : f32 to vector<1x207xf32>
    %neg3A_1367 = arith.subf %neg3A_1366, %log3A_1364 : vector<1x207xf32>
    %add3A_1368 = arith.constant 9.99999968E-21 : f32
    %add3A_1369 = vector.broadcast %add3A_1368 : f32 to vector<1x207xf32>
    %add3A_1370 = arith.addf %neg3A_1367, %add3A_1369 : vector<1x207xf32>
    %log3A_1371 = math.log %add3A_1370 : vector<1x207xf32>
    %neg3A_1372 = arith.constant 0.000000e+00 : f32
    %neg3A_1373 = vector.broadcast %neg3A_1372 : f32 to vector<1x207xf32>
    %neg3A_1374 = arith.subf %neg3A_1373, %log3A_1371 : vector<1x207xf32>
    %add3A_1375 = arith.addf %reshape3A_1256, %neg3A_1360 : vector<1x207xf32>
    %mul3A_1376 = arith.constant 2.000000e+00 : f32
    %mul3A_1377 = vector.broadcast %mul3A_1376 : f32 to vector<1x207xf32>
    %mul3A_1378 = arith.mulf %add3A_1375, %mul3A_1377 : vector<1x207xf32>
    %add3A_1379 = arith.addf %reshape3A_1259, %neg3A_1374 : vector<1x207xf32>
    %mul3A_1380 = arith.constant 2.000000e+00 : f32
    %mul3A_1381 = vector.broadcast %mul3A_1380 : f32 to vector<1x207xf32>
    %mul3A_1382 = arith.mulf %add3A_1379, %mul3A_1381 : vector<1x207xf32>
    %max3A_1383 = arith.maximumf %mul3A_1378, %mul3A_1382 : vector<1x207xf32>
    %sub3A_1384 = arith.subf %mul3A_1378, %max3A_1383 : vector<1x207xf32>
    %exp3A_1385 = math.exp %sub3A_1384 : vector<1x207xf32>
    %sub3A_1386 = arith.subf %mul3A_1382, %max3A_1383 : vector<1x207xf32>
    %exp3A_1387 = math.exp %sub3A_1386 : vector<1x207xf32>
    %add3A_1388 = arith.addf %exp3A_1385, %exp3A_1387 : vector<1x207xf32>
    %div3A_1389 = arith.divf %exp3A_1385, %add3A_1388 : vector<1x207xf32>
    %ge3A_1390 = arith.cmpf oge, %mul3A_1378, %mul3A_1382 : vector<1x207xf32>
    %convert_element_type3A_1391 = arith.extui %ge3A_1390 : vector<1x207xi1> to vector<1x207xi32>
    %convert_element_type3A_1392 = arith.sitofp %convert_element_type3A_1391 : vector<1x207xi32> to vector<1x207xf32>
    %sub3A_1393 = arith.subf %convert_element_type3A_1392, %div3A_1389 : vector<1x207xf32>
    %add3A_1394 = arith.addf %sub3A_1393, %div3A_1389 : vector<1x207xf32>
    %mul3A_1395 = arith.mulf %add3A_1394, %convert_element_type3A_1267 : vector<1x207xf32>
    %swap3A_1396 = arith.constant 1 : index
    %swap3A_1397 = arith.constant 4 : index
    %swap3A_1398 = arith.constant 0 : index
    %swap3A_1399 = vector.load %arg8[%swap3A_1396, %swap3A_1397, %swap3A_1398] : memref<4x8x207xf32, #tpu.memory_space<vmem>>, vector<1x1x207xf32>
    %swap3A_1400 = vector.shape_cast %swap3A_1399 : vector<1x1x207xf32> to vector<1x207xf32>
    %swap3A_1401 = vector.shape_cast %mul3A_1395 : vector<1x207xf32> to vector<1x1x207xf32>
    tpu.vector_store %arg8[%swap3A_1396, %swap3A_1397, %swap3A_1398], %swap3A_1401 {strides = array<i32>} : memref<4x8x207xf32, #tpu.memory_space<vmem>>, vector<1x1x207xf32>,
    %get3A_1402 = arith.constant 2 : index
    %get3A_1403 = arith.constant 4 : index
    %get3A_1404 = arith.constant 0 : index
    %get3A_1405 = arith.constant 0 : index
    %get3A_1406 = vector.load %arg6[%get3A_1402, %get3A_1403, %get3A_1404, %get3A_1405] : memref<4x8x207x2xf32, #tpu.memory_space<vmem>>, vector<1x1x207x1xf32>
    %get3A_1407 = vector.shape_cast %get3A_1406 : vector<1x1x207x1xf32> to vector<1x207xf32>
    %get3A_1408 = arith.constant 2 : index
    %get3A_1409 = arith.constant 4 : index
    %get3A_1410 = arith.constant 0 : index
    %get3A_1411 = arith.constant 1 : index
    %get3A_1412 = vector.load %arg6[%get3A_1408, %get3A_1409, %get3A_1410, %get3A_1411] : memref<4x8x207x2xf32, #tpu.memory_space<vmem>>, vector<1x1x207x1xf32>
    %get3A_1413 = vector.shape_cast %get3A_1412 : vector<1x1x207x1xf32> to vector<1x207xf32>
    %add3A_1414 = arith.constant 9.99999968E-21 : f32
    %add3A_1415 = vector.broadcast %add3A_1414 : f32 to vector<1x207xf32>
    %add3A_1416 = arith.addf %get3A_1407, %add3A_1415 : vector<1x207xf32>
    %log3A_1417 = math.log %add3A_1416 : vector<1x207xf32>
    %neg3A_1418 = arith.constant 0.000000e+00 : f32
    %neg3A_1419 = vector.broadcast %neg3A_1418 : f32 to vector<1x207xf32>
    %neg3A_1420 = arith.subf %neg3A_1419, %log3A_1417 : vector<1x207xf32>
    %add3A_1421 = arith.constant 9.99999968E-21 : f32
    %add3A_1422 = vector.broadcast %add3A_1421 : f32 to vector<1x207xf32>
    %add3A_1423 = arith.addf %neg3A_1420, %add3A_1422 : vector<1x207xf32>
    %log3A_1424 = math.log %add3A_1423 : vector<1x207xf32>
    %neg3A_1425 = arith.constant 0.000000e+00 : f32
    %neg3A_1426 = vector.broadcast %neg3A_1425 : f32 to vector<1x207xf32>
    %neg3A_1427 = arith.subf %neg3A_1426, %log3A_1424 : vector<1x207xf32>
    %add3A_1428 = arith.constant 9.99999968E-21 : f32
    %add3A_1429 = vector.broadcast %add3A_1428 : f32 to vector<1x207xf32>
    %add3A_1430 = arith.addf %get3A_1413, %add3A_1429 : vector<1x207xf32>
    %log3A_1431 = math.log %add3A_1430 : vector<1x207xf32>
    %neg3A_1432 = arith.constant 0.000000e+00 : f32
    %neg3A_1433 = vector.broadcast %neg3A_1432 : f32 to vector<1x207xf32>
    %neg3A_1434 = arith.subf %neg3A_1433, %log3A_1431 : vector<1x207xf32>
    %add3A_1435 = arith.constant 9.99999968E-21 : f32
    %add3A_1436 = vector.broadcast %add3A_1435 : f32 to vector<1x207xf32>
    %add3A_1437 = arith.addf %neg3A_1434, %add3A_1436 : vector<1x207xf32>
    %log3A_1438 = math.log %add3A_1437 : vector<1x207xf32>
    %neg3A_1439 = arith.constant 0.000000e+00 : f32
    %neg3A_1440 = vector.broadcast %neg3A_1439 : f32 to vector<1x207xf32>
    %neg3A_1441 = arith.subf %neg3A_1440, %log3A_1438 : vector<1x207xf32>
    %add3A_1442 = arith.addf %reshape3A_1256, %neg3A_1427 : vector<1x207xf32>
    %mul3A_1443 = arith.constant 2.000000e+00 : f32
    %mul3A_1444 = vector.broadcast %mul3A_1443 : f32 to vector<1x207xf32>
    %mul3A_1445 = arith.mulf %add3A_1442, %mul3A_1444 : vector<1x207xf32>
    %add3A_1446 = arith.addf %reshape3A_1259, %neg3A_1441 : vector<1x207xf32>
    %mul3A_1447 = arith.constant 2.000000e+00 : f32
    %mul3A_1448 = vector.broadcast %mul3A_1447 : f32 to vector<1x207xf32>
    %mul3A_1449 = arith.mulf %add3A_1446, %mul3A_1448 : vector<1x207xf32>
    %max3A_1450 = arith.maximumf %mul3A_1445, %mul3A_1449 : vector<1x207xf32>
    %sub3A_1451 = arith.subf %mul3A_1445, %max3A_1450 : vector<1x207xf32>
    %exp3A_1452 = math.exp %sub3A_1451 : vector<1x207xf32>
    %sub3A_1453 = arith.subf %mul3A_1449, %max3A_1450 : vector<1x207xf32>
    %exp3A_1454 = math.exp %sub3A_1453 : vector<1x207xf32>
    %add3A_1455 = arith.addf %exp3A_1452, %exp3A_1454 : vector<1x207xf32>
    %div3A_1456 = arith.divf %exp3A_1452, %add3A_1455 : vector<1x207xf32>
    %ge3A_1457 = arith.cmpf oge, %mul3A_1445, %mul3A_1449 : vector<1x207xf32>
    %convert_element_type3A_1458 = arith.extui %ge3A_1457 : vector<1x207xi1> to vector<1x207xi32>
    %convert_element_type3A_1459 = arith.sitofp %convert_element_type3A_1458 : vector<1x207xi32> to vector<1x207xf32>
    %sub3A_1460 = arith.subf %convert_element_type3A_1459, %div3A_1456 : vector<1x207xf32>
    %add3A_1461 = arith.addf %sub3A_1460, %div3A_1456 : vector<1x207xf32>
    %mul3A_1462 = arith.mulf %add3A_1461, %convert_element_type3A_1267 : vector<1x207xf32>
    %swap3A_1463 = arith.constant 2 : index
    %swap3A_1464 = arith.constant 4 : index
    %swap3A_1465 = arith.constant 0 : index
    %swap3A_1466 = vector.load %arg8[%swap3A_1463, %swap3A_1464, %swap3A_1465] : memref<4x8x207xf32, #tpu.memory_space<vmem>>, vector<1x1x207xf32>
    %swap3A_1467 = vector.shape_cast %swap3A_1466 : vector<1x1x207xf32> to vector<1x207xf32>
    %swap3A_1468 = vector.shape_cast %mul3A_1462 : vector<1x207xf32> to vector<1x1x207xf32>
    tpu.vector_store %arg8[%swap3A_1463, %swap3A_1464, %swap3A_1465], %swap3A_1468 {strides = array<i32>} : memref<4x8x207xf32, #tpu.memory_space<vmem>>, vector<1x1x207xf32>,
    %get3A_1469 = arith.constant 3 : index
    %get3A_1470 = arith.constant 4 : index
    %get3A_1471 = arith.constant 0 : index
    %get3A_1472 = arith.constant 0 : index
    %get3A_1473 = vector.load %arg6[%get3A_1469, %get3A_1470, %get3A_1471, %get3A_1472] : memref<4x8x207x2xf32, #tpu.memory_space<vmem>>, vector<1x1x207x1xf32>
    %get3A_1474 = vector.shape_cast %get3A_1473 : vector<1x1x207x1xf32> to vector<1x207xf32>
    %get3A_1475 = arith.constant 3 : index
    %get3A_1476 = arith.constant 4 : index
    %get3A_1477 = arith.constant 0 : index
    %get3A_1478 = arith.constant 1 : index
    %get3A_1479 = vector.load %arg6[%get3A_1475, %get3A_1476, %get3A_1477, %get3A_1478] : memref<4x8x207x2xf32, #tpu.memory_space<vmem>>, vector<1x1x207x1xf32>
    %get3A_1480 = vector.shape_cast %get3A_1479 : vector<1x1x207x1xf32> to vector<1x207xf32>
    %add3A_1481 = arith.constant 9.99999968E-21 : f32
    %add3A_1482 = vector.broadcast %add3A_1481 : f32 to vector<1x207xf32>
    %add3A_1483 = arith.addf %get3A_1474, %add3A_1482 : vector<1x207xf32>
    %log3A_1484 = math.log %add3A_1483 : vector<1x207xf32>
    %neg3A_1485 = arith.constant 0.000000e+00 : f32
    %neg3A_1486 = vector.broadcast %neg3A_1485 : f32 to vector<1x207xf32>
    %neg3A_1487 = arith.subf %neg3A_1486, %log3A_1484 : vector<1x207xf32>
    %add3A_1488 = arith.constant 9.99999968E-21 : f32
    %add3A_1489 = vector.broadcast %add3A_1488 : f32 to vector<1x207xf32>
    %add3A_1490 = arith.addf %neg3A_1487, %add3A_1489 : vector<1x207xf32>
    %log3A_1491 = math.log %add3A_1490 : vector<1x207xf32>
    %neg3A_1492 = arith.constant 0.000000e+00 : f32
    %neg3A_1493 = vector.broadcast %neg3A_1492 : f32 to vector<1x207xf32>
    %neg3A_1494 = arith.subf %neg3A_1493, %log3A_1491 : vector<1x207xf32>
    %add3A_1495 = arith.constant 9.99999968E-21 : f32
    %add3A_1496 = vector.broadcast %add3A_1495 : f32 to vector<1x207xf32>
    %add3A_1497 = arith.addf %get3A_1480, %add3A_1496 : vector<1x207xf32>
    %log3A_1498 = math.log %add3A_1497 : vector<1x207xf32>
    %neg3A_1499 = arith.constant 0.000000e+00 : f32
    %neg3A_1500 = vector.broadcast %neg3A_1499 : f32 to vector<1x207xf32>
    %neg3A_1501 = arith.subf %neg3A_1500, %log3A_1498 : vector<1x207xf32>
    %add3A_1502 = arith.constant 9.99999968E-21 : f32
    %add3A_1503 = vector.broadcast %add3A_1502 : f32 to vector<1x207xf32>
    %add3A_1504 = arith.addf %neg3A_1501, %add3A_1503 : vector<1x207xf32>
    %log3A_1505 = math.log %add3A_1504 : vector<1x207xf32>
    %neg3A_1506 = arith.constant 0.000000e+00 : f32
    %neg3A_1507 = vector.broadcast %neg3A_1506 : f32 to vector<1x207xf32>
    %neg3A_1508 = arith.subf %neg3A_1507, %log3A_1505 : vector<1x207xf32>
    %add3A_1509 = arith.addf %reshape3A_1256, %neg3A_1494 : vector<1x207xf32>
    %mul3A_1510 = arith.constant 2.000000e+00 : f32
    %mul3A_1511 = vector.broadcast %mul3A_1510 : f32 to vector<1x207xf32>
    %mul3A_1512 = arith.mulf %add3A_1509, %mul3A_1511 : vector<1x207xf32>
    %add3A_1513 = arith.addf %reshape3A_1259, %neg3A_1508 : vector<1x207xf32>
    %mul3A_1514 = arith.constant 2.000000e+00 : f32
    %mul3A_1515 = vector.broadcast %mul3A_1514 : f32 to vector<1x207xf32>
    %mul3A_1516 = arith.mulf %add3A_1513, %mul3A_1515 : vector<1x207xf32>
    %max3A_1517 = arith.maximumf %mul3A_1512, %mul3A_1516 : vector<1x207xf32>
    %sub3A_1518 = arith.subf %mul3A_1512, %max3A_1517 : vector<1x207xf32>
    %exp3A_1519 = math.exp %sub3A_1518 : vector<1x207xf32>
    %sub3A_1520 = arith.subf %mul3A_1516, %max3A_1517 : vector<1x207xf32>
    %exp3A_1521 = math.exp %sub3A_1520 : vector<1x207xf32>
    %add3A_1522 = arith.addf %exp3A_1519, %exp3A_1521 : vector<1x207xf32>
    %div3A_1523 = arith.divf %exp3A_1519, %add3A_1522 : vector<1x207xf32>
    %ge3A_1524 = arith.cmpf oge, %mul3A_1512, %mul3A_1516 : vector<1x207xf32>
    %convert_element_type3A_1525 = arith.extui %ge3A_1524 : vector<1x207xi1> to vector<1x207xi32>
    %convert_element_type3A_1526 = arith.sitofp %convert_element_type3A_1525 : vector<1x207xi32> to vector<1x207xf32>
    %sub3A_1527 = arith.subf %convert_element_type3A_1526, %div3A_1523 : vector<1x207xf32>
    %add3A_1528 = arith.addf %sub3A_1527, %div3A_1523 : vector<1x207xf32>
    %mul3A_1529 = arith.mulf %add3A_1528, %convert_element_type3A_1267 : vector<1x207xf32>
    %swap3A_1530 = arith.constant 3 : index
    %swap3A_1531 = arith.constant 4 : index
    %swap3A_1532 = arith.constant 0 : index
    %swap3A_1533 = vector.load %arg8[%swap3A_1530, %swap3A_1531, %swap3A_1532] : memref<4x8x207xf32, #tpu.memory_space<vmem>>, vector<1x1x207xf32>
    %swap3A_1534 = vector.shape_cast %swap3A_1533 : vector<1x1x207xf32> to vector<1x207xf32>
    %swap3A_1535 = vector.shape_cast %mul3A_1529 : vector<1x207xf32> to vector<1x1x207xf32>
    tpu.vector_store %arg8[%swap3A_1530, %swap3A_1531, %swap3A_1532], %swap3A_1535 {strides = array<i32>} : memref<4x8x207xf32, #tpu.memory_space<vmem>>, vector<1x1x207xf32>,
    %get3A_1536 = arith.constant 5 : index
    %get3A_1537 = arith.constant 0 : index
    %get3A_1538 = vector.load %arg2[%get3A_1536, %get3A_1537] : memref<8x100xf32, #tpu.memory_space<vmem>>, vector<1x100xf32>
    %add3A_1539 = vector.broadcast %get3A_1538 : vector<1x100xf32> to vector<207x100xf32>
    %add3A_1540 = arith.addf %get3A_1, %add3A_1539 : vector<207x100xf32>
    %get3A_1541 = arith.constant 0 : index
    %get3A_1542 = arith.constant 0 : index
    %get3A_1543 = vector.load %arg3[%get3A_1541, %get3A_1542] : memref<1x100xf32, #tpu.memory_space<vmem>>, vector<1x100xf32>
    %add3A_1544 = vector.broadcast %get3A_1543 : vector<1x100xf32> to vector<207x100xf32>
    %add3A_1545 = arith.addf %add3A_1540, %add3A_1544 : vector<207x100xf32>
    %max3A_1546 = arith.constant 0.000000e+00 : f32
    %max3A_1547 = vector.broadcast %max3A_1546 : f32 to vector<207x100xf32>
    %max3A_1548 = arith.maximumf %add3A_1545, %max3A_1547 : vector<207x100xf32>
    %get3A_1549 = arith.constant 0 : index
    %get3A_1550 = arith.constant 0 : index
    %get3A_1551 = vector.load %arg4[%get3A_1549, %get3A_1550] : memref<100x2xf32, #tpu.memory_space<vmem>>, vector<100x2xf32>
    %dot_general3A_1552 = arith.constant dense<0.000000e+00> : vector<207x2xf32>
    %dot_general3A_1553 = tpu.matmul %max3A_1548, %get3A_1551, %dot_general3A_1552 {dimension_numbers = #tpu.dot_dimension_numbers<[1], [0], [0], [1], [0, 0, 1, 1], [], []>, transpose_lhs_hint = false} : vector<207x100xf32>, vector<100x2xf32>, vector<207x2xf32> -> vector<207x2xf32>
    %get3A_1554 = arith.constant 0 : index
    %get3A_1555 = arith.constant 0 : index
    %get3A_1556 = vector.load %arg5[%get3A_1554, %get3A_1555] : memref<1x2xf32, #tpu.memory_space<vmem>>, vector<1x2xf32>
    %add3A_1557 = vector.broadcast %get3A_1556 : vector<1x2xf32> to vector<207x2xf32>
    %add3A_1558 = arith.addf %dot_general3A_1553, %add3A_1557 : vector<207x2xf32>
    %reshape3A_1559 = vector.shape_cast %add3A_1558 : vector<207x2xf32> to vector<1x207x2xf32>
    %swap3A_1560 = arith.constant 5 : index
    %swap3A_1561 = arith.constant 0 : index
    %swap3A_1562 = arith.constant 0 : index
    %swap3A_1563 = vector.load %arg7[%swap3A_1560, %swap3A_1561, %swap3A_1562] : memref<8x207x2xf32, #tpu.memory_space<vmem>>, vector<1x207x2xf32>
    tpu.vector_store %arg7[%swap3A_1560, %swap3A_1561, %swap3A_1562], %reshape3A_1559 {strides = array<i32>} : memref<8x207x2xf32, #tpu.memory_space<vmem>>, vector<1x207x2xf32>,
    %slice3A_1564 = vector.extract_strided_slice %add3A_1558 {offsets = [0, 0], sizes = [207, 1], strides = [1, 1]} : vector<207x2xf32> to vector<207x1xf32>
    %squeeze3A_1565 = vector.shape_cast %slice3A_1564 : vector<207x1xf32> to vector<207xf32>
    %reshape3A_1566 = vector.shape_cast %squeeze3A_1565 : vector<207xf32> to vector<1x207xf32>
    %slice3A_1567 = vector.extract_strided_slice %add3A_1558 {offsets = [0, 1], sizes = [207, 1], strides = [1, 1]} : vector<207x2xf32> to vector<207x1xf32>
    %squeeze3A_1568 = vector.shape_cast %slice3A_1567 : vector<207x1xf32> to vector<207xf32>
    %reshape3A_1569 = vector.shape_cast %squeeze3A_1568 : vector<207xf32> to vector<1x207xf32>
    %mul3A_1570 = arith.constant 8 : i32
    %mul3A_1571 = arith.muli %arg0, %mul3A_1570 : i32
    %add3A_1572 = arith.constant 5 : i32
    %add3A_1573 = arith.addi %mul3A_1571, %add3A_1572 : i32
    %ne3A_1574 = vector.broadcast %add3A_1573 : i32 to vector<1x207xi32>
    %ne3A_1575 = arith.cmpi ne, %iota3A, %ne3A_1574 : vector<1x207xi32>
    %convert_element_type3A_1576 = arith.extui %ne3A_1575 : vector<1x207xi1> to vector<1x207xi32>
    %convert_element_type3A_1577 = arith.sitofp %convert_element_type3A_1576 : vector<1x207xi32> to vector<1x207xf32>
    %get3A_1578 = arith.constant 0 : index
    %get3A_1579 = arith.constant 5 : index
    %get3A_1580 = arith.constant 0 : index
    %get3A_1581 = arith.constant 0 : index
    %get3A_1582 = vector.load %arg6[%get3A_1578, %get3A_1579, %get3A_1580, %get3A_1581] : memref<4x8x207x2xf32, #tpu.memory_space<vmem>>, vector<1x1x207x1xf32>
    %get3A_1583 = vector.shape_cast %get3A_1582 : vector<1x1x207x1xf32> to vector<1x207xf32>
    %get3A_1584 = arith.constant 0 : index
    %get3A_1585 = arith.constant 5 : index
    %get3A_1586 = arith.constant 0 : index
    %get3A_1587 = arith.constant 1 : index
    %get3A_1588 = vector.load %arg6[%get3A_1584, %get3A_1585, %get3A_1586, %get3A_1587] : memref<4x8x207x2xf32, #tpu.memory_space<vmem>>, vector<1x1x207x1xf32>
    %get3A_1589 = vector.shape_cast %get3A_1588 : vector<1x1x207x1xf32> to vector<1x207xf32>
    %add3A_1590 = arith.constant 9.99999968E-21 : f32
    %add3A_1591 = vector.broadcast %add3A_1590 : f32 to vector<1x207xf32>
    %add3A_1592 = arith.addf %get3A_1583, %add3A_1591 : vector<1x207xf32>
    %log3A_1593 = math.log %add3A_1592 : vector<1x207xf32>
    %neg3A_1594 = arith.constant 0.000000e+00 : f32
    %neg3A_1595 = vector.broadcast %neg3A_1594 : f32 to vector<1x207xf32>
    %neg3A_1596 = arith.subf %neg3A_1595, %log3A_1593 : vector<1x207xf32>
    %add3A_1597 = arith.constant 9.99999968E-21 : f32
    %add3A_1598 = vector.broadcast %add3A_1597 : f32 to vector<1x207xf32>
    %add3A_1599 = arith.addf %neg3A_1596, %add3A_1598 : vector<1x207xf32>
    %log3A_1600 = math.log %add3A_1599 : vector<1x207xf32>
    %neg3A_1601 = arith.constant 0.000000e+00 : f32
    %neg3A_1602 = vector.broadcast %neg3A_1601 : f32 to vector<1x207xf32>
    %neg3A_1603 = arith.subf %neg3A_1602, %log3A_1600 : vector<1x207xf32>
    %add3A_1604 = arith.constant 9.99999968E-21 : f32
    %add3A_1605 = vector.broadcast %add3A_1604 : f32 to vector<1x207xf32>
    %add3A_1606 = arith.addf %get3A_1589, %add3A_1605 : vector<1x207xf32>
    %log3A_1607 = math.log %add3A_1606 : vector<1x207xf32>
    %neg3A_1608 = arith.constant 0.000000e+00 : f32
    %neg3A_1609 = vector.broadcast %neg3A_1608 : f32 to vector<1x207xf32>
    %neg3A_1610 = arith.subf %neg3A_1609, %log3A_1607 : vector<1x207xf32>
    %add3A_1611 = arith.constant 9.99999968E-21 : f32
    %add3A_1612 = vector.broadcast %add3A_1611 : f32 to vector<1x207xf32>
    %add3A_1613 = arith.addf %neg3A_1610, %add3A_1612 : vector<1x207xf32>
    %log3A_1614 = math.log %add3A_1613 : vector<1x207xf32>
    %neg3A_1615 = arith.constant 0.000000e+00 : f32
    %neg3A_1616 = vector.broadcast %neg3A_1615 : f32 to vector<1x207xf32>
    %neg3A_1617 = arith.subf %neg3A_1616, %log3A_1614 : vector<1x207xf32>
    %add3A_1618 = arith.addf %reshape3A_1566, %neg3A_1603 : vector<1x207xf32>
    %mul3A_1619 = arith.constant 2.000000e+00 : f32
    %mul3A_1620 = vector.broadcast %mul3A_1619 : f32 to vector<1x207xf32>
    %mul3A_1621 = arith.mulf %add3A_1618, %mul3A_1620 : vector<1x207xf32>
    %add3A_1622 = arith.addf %reshape3A_1569, %neg3A_1617 : vector<1x207xf32>
    %mul3A_1623 = arith.constant 2.000000e+00 : f32
    %mul3A_1624 = vector.broadcast %mul3A_1623 : f32 to vector<1x207xf32>
    %mul3A_1625 = arith.mulf %add3A_1622, %mul3A_1624 : vector<1x207xf32>
    %max3A_1626 = arith.maximumf %mul3A_1621, %mul3A_1625 : vector<1x207xf32>
    %sub3A_1627 = arith.subf %mul3A_1621, %max3A_1626 : vector<1x207xf32>
    %exp3A_1628 = math.exp %sub3A_1627 : vector<1x207xf32>
    %sub3A_1629 = arith.subf %mul3A_1625, %max3A_1626 : vector<1x207xf32>
    %exp3A_1630 = math.exp %sub3A_1629 : vector<1x207xf32>
    %add3A_1631 = arith.addf %exp3A_1628, %exp3A_1630 : vector<1x207xf32>
    %div3A_1632 = arith.divf %exp3A_1628, %add3A_1631 : vector<1x207xf32>
    %ge3A_1633 = arith.cmpf oge, %mul3A_1621, %mul3A_1625 : vector<1x207xf32>
    %convert_element_type3A_1634 = arith.extui %ge3A_1633 : vector<1x207xi1> to vector<1x207xi32>
    %convert_element_type3A_1635 = arith.sitofp %convert_element_type3A_1634 : vector<1x207xi32> to vector<1x207xf32>
    %sub3A_1636 = arith.subf %convert_element_type3A_1635, %div3A_1632 : vector<1x207xf32>
    %add3A_1637 = arith.addf %sub3A_1636, %div3A_1632 : vector<1x207xf32>
    %mul3A_1638 = arith.mulf %add3A_1637, %convert_element_type3A_1577 : vector<1x207xf32>
    %swap3A_1639 = arith.constant 0 : index
    %swap3A_1640 = arith.constant 5 : index
    %swap3A_1641 = arith.constant 0 : index
    %swap3A_1642 = vector.load %arg8[%swap3A_1639, %swap3A_1640, %swap3A_1641] : memref<4x8x207xf32, #tpu.memory_space<vmem>>, vector<1x1x207xf32>
    %swap3A_1643 = vector.shape_cast %swap3A_1642 : vector<1x1x207xf32> to vector<1x207xf32>
    %swap3A_1644 = vector.shape_cast %mul3A_1638 : vector<1x207xf32> to vector<1x1x207xf32>
    tpu.vector_store %arg8[%swap3A_1639, %swap3A_1640, %swap3A_1641], %swap3A_1644 {strides = array<i32>} : memref<4x8x207xf32, #tpu.memory_space<vmem>>, vector<1x1x207xf32>,
    %get3A_1645 = arith.constant 1 : index
    %get3A_1646 = arith.constant 5 : index
    %get3A_1647 = arith.constant 0 : index
    %get3A_1648 = arith.constant 0 : index
    %get3A_1649 = vector.load %arg6[%get3A_1645, %get3A_1646, %get3A_1647, %get3A_1648] : memref<4x8x207x2xf32, #tpu.memory_space<vmem>>, vector<1x1x207x1xf32>
    %get3A_1650 = vector.shape_cast %get3A_1649 : vector<1x1x207x1xf32> to vector<1x207xf32>
    %get3A_1651 = arith.constant 1 : index
    %get3A_1652 = arith.constant 5 : index
    %get3A_1653 = arith.constant 0 : index
    %get3A_1654 = arith.constant 1 : index
    %get3A_1655 = vector.load %arg6[%get3A_1651, %get3A_1652, %get3A_1653, %get3A_1654] : memref<4x8x207x2xf32, #tpu.memory_space<vmem>>, vector<1x1x207x1xf32>
    %get3A_1656 = vector.shape_cast %get3A_1655 : vector<1x1x207x1xf32> to vector<1x207xf32>
    %add3A_1657 = arith.constant 9.99999968E-21 : f32
    %add3A_1658 = vector.broadcast %add3A_1657 : f32 to vector<1x207xf32>
    %add3A_1659 = arith.addf %get3A_1650, %add3A_1658 : vector<1x207xf32>
    %log3A_1660 = math.log %add3A_1659 : vector<1x207xf32>
    %neg3A_1661 = arith.constant 0.000000e+00 : f32
    %neg3A_1662 = vector.broadcast %neg3A_1661 : f32 to vector<1x207xf32>
    %neg3A_1663 = arith.subf %neg3A_1662, %log3A_1660 : vector<1x207xf32>
    %add3A_1664 = arith.constant 9.99999968E-21 : f32
    %add3A_1665 = vector.broadcast %add3A_1664 : f32 to vector<1x207xf32>
    %add3A_1666 = arith.addf %neg3A_1663, %add3A_1665 : vector<1x207xf32>
    %log3A_1667 = math.log %add3A_1666 : vector<1x207xf32>
    %neg3A_1668 = arith.constant 0.000000e+00 : f32
    %neg3A_1669 = vector.broadcast %neg3A_1668 : f32 to vector<1x207xf32>
    %neg3A_1670 = arith.subf %neg3A_1669, %log3A_1667 : vector<1x207xf32>
    %add3A_1671 = arith.constant 9.99999968E-21 : f32
    %add3A_1672 = vector.broadcast %add3A_1671 : f32 to vector<1x207xf32>
    %add3A_1673 = arith.addf %get3A_1656, %add3A_1672 : vector<1x207xf32>
    %log3A_1674 = math.log %add3A_1673 : vector<1x207xf32>
    %neg3A_1675 = arith.constant 0.000000e+00 : f32
    %neg3A_1676 = vector.broadcast %neg3A_1675 : f32 to vector<1x207xf32>
    %neg3A_1677 = arith.subf %neg3A_1676, %log3A_1674 : vector<1x207xf32>
    %add3A_1678 = arith.constant 9.99999968E-21 : f32
    %add3A_1679 = vector.broadcast %add3A_1678 : f32 to vector<1x207xf32>
    %add3A_1680 = arith.addf %neg3A_1677, %add3A_1679 : vector<1x207xf32>
    %log3A_1681 = math.log %add3A_1680 : vector<1x207xf32>
    %neg3A_1682 = arith.constant 0.000000e+00 : f32
    %neg3A_1683 = vector.broadcast %neg3A_1682 : f32 to vector<1x207xf32>
    %neg3A_1684 = arith.subf %neg3A_1683, %log3A_1681 : vector<1x207xf32>
    %add3A_1685 = arith.addf %reshape3A_1566, %neg3A_1670 : vector<1x207xf32>
    %mul3A_1686 = arith.constant 2.000000e+00 : f32
    %mul3A_1687 = vector.broadcast %mul3A_1686 : f32 to vector<1x207xf32>
    %mul3A_1688 = arith.mulf %add3A_1685, %mul3A_1687 : vector<1x207xf32>
    %add3A_1689 = arith.addf %reshape3A_1569, %neg3A_1684 : vector<1x207xf32>
    %mul3A_1690 = arith.constant 2.000000e+00 : f32
    %mul3A_1691 = vector.broadcast %mul3A_1690 : f32 to vector<1x207xf32>
    %mul3A_1692 = arith.mulf %add3A_1689, %mul3A_1691 : vector<1x207xf32>
    %max3A_1693 = arith.maximumf %mul3A_1688, %mul3A_1692 : vector<1x207xf32>
    %sub3A_1694 = arith.subf %mul3A_1688, %max3A_1693 : vector<1x207xf32>
    %exp3A_1695 = math.exp %sub3A_1694 : vector<1x207xf32>
    %sub3A_1696 = arith.subf %mul3A_1692, %max3A_1693 : vector<1x207xf32>
    %exp3A_1697 = math.exp %sub3A_1696 : vector<1x207xf32>
    %add3A_1698 = arith.addf %exp3A_1695, %exp3A_1697 : vector<1x207xf32>
    %div3A_1699 = arith.divf %exp3A_1695, %add3A_1698 : vector<1x207xf32>
    %ge3A_1700 = arith.cmpf oge, %mul3A_1688, %mul3A_1692 : vector<1x207xf32>
    %convert_element_type3A_1701 = arith.extui %ge3A_1700 : vector<1x207xi1> to vector<1x207xi32>
    %convert_element_type3A_1702 = arith.sitofp %convert_element_type3A_1701 : vector<1x207xi32> to vector<1x207xf32>
    %sub3A_1703 = arith.subf %convert_element_type3A_1702, %div3A_1699 : vector<1x207xf32>
    %add3A_1704 = arith.addf %sub3A_1703, %div3A_1699 : vector<1x207xf32>
    %mul3A_1705 = arith.mulf %add3A_1704, %convert_element_type3A_1577 : vector<1x207xf32>
    %swap3A_1706 = arith.constant 1 : index
    %swap3A_1707 = arith.constant 5 : index
    %swap3A_1708 = arith.constant 0 : index
    %swap3A_1709 = vector.load %arg8[%swap3A_1706, %swap3A_1707, %swap3A_1708] : memref<4x8x207xf32, #tpu.memory_space<vmem>>, vector<1x1x207xf32>
    %swap3A_1710 = vector.shape_cast %swap3A_1709 : vector<1x1x207xf32> to vector<1x207xf32>
    %swap3A_1711 = vector.shape_cast %mul3A_1705 : vector<1x207xf32> to vector<1x1x207xf32>
    tpu.vector_store %arg8[%swap3A_1706, %swap3A_1707, %swap3A_1708], %swap3A_1711 {strides = array<i32>} : memref<4x8x207xf32, #tpu.memory_space<vmem>>, vector<1x1x207xf32>,
    %get3A_1712 = arith.constant 2 : index
    %get3A_1713 = arith.constant 5 : index
    %get3A_1714 = arith.constant 0 : index
    %get3A_1715 = arith.constant 0 : index
    %get3A_1716 = vector.load %arg6[%get3A_1712, %get3A_1713, %get3A_1714, %get3A_1715] : memref<4x8x207x2xf32, #tpu.memory_space<vmem>>, vector<1x1x207x1xf32>
    %get3A_1717 = vector.shape_cast %get3A_1716 : vector<1x1x207x1xf32> to vector<1x207xf32>
    %get3A_1718 = arith.constant 2 : index
    %get3A_1719 = arith.constant 5 : index
    %get3A_1720 = arith.constant 0 : index
    %get3A_1721 = arith.constant 1 : index
    %get3A_1722 = vector.load %arg6[%get3A_1718, %get3A_1719, %get3A_1720, %get3A_1721] : memref<4x8x207x2xf32, #tpu.memory_space<vmem>>, vector<1x1x207x1xf32>
    %get3A_1723 = vector.shape_cast %get3A_1722 : vector<1x1x207x1xf32> to vector<1x207xf32>
    %add3A_1724 = arith.constant 9.99999968E-21 : f32
    %add3A_1725 = vector.broadcast %add3A_1724 : f32 to vector<1x207xf32>
    %add3A_1726 = arith.addf %get3A_1717, %add3A_1725 : vector<1x207xf32>
    %log3A_1727 = math.log %add3A_1726 : vector<1x207xf32>
    %neg3A_1728 = arith.constant 0.000000e+00 : f32
    %neg3A_1729 = vector.broadcast %neg3A_1728 : f32 to vector<1x207xf32>
    %neg3A_1730 = arith.subf %neg3A_1729, %log3A_1727 : vector<1x207xf32>
    %add3A_1731 = arith.constant 9.99999968E-21 : f32
    %add3A_1732 = vector.broadcast %add3A_1731 : f32 to vector<1x207xf32>
    %add3A_1733 = arith.addf %neg3A_1730, %add3A_1732 : vector<1x207xf32>
    %log3A_1734 = math.log %add3A_1733 : vector<1x207xf32>
    %neg3A_1735 = arith.constant 0.000000e+00 : f32
    %neg3A_1736 = vector.broadcast %neg3A_1735 : f32 to vector<1x207xf32>
    %neg3A_1737 = arith.subf %neg3A_1736, %log3A_1734 : vector<1x207xf32>
    %add3A_1738 = arith.constant 9.99999968E-21 : f32
    %add3A_1739 = vector.broadcast %add3A_1738 : f32 to vector<1x207xf32>
    %add3A_1740 = arith.addf %get3A_1723, %add3A_1739 : vector<1x207xf32>
    %log3A_1741 = math.log %add3A_1740 : vector<1x207xf32>
    %neg3A_1742 = arith.constant 0.000000e+00 : f32
    %neg3A_1743 = vector.broadcast %neg3A_1742 : f32 to vector<1x207xf32>
    %neg3A_1744 = arith.subf %neg3A_1743, %log3A_1741 : vector<1x207xf32>
    %add3A_1745 = arith.constant 9.99999968E-21 : f32
    %add3A_1746 = vector.broadcast %add3A_1745 : f32 to vector<1x207xf32>
    %add3A_1747 = arith.addf %neg3A_1744, %add3A_1746 : vector<1x207xf32>
    %log3A_1748 = math.log %add3A_1747 : vector<1x207xf32>
    %neg3A_1749 = arith.constant 0.000000e+00 : f32
    %neg3A_1750 = vector.broadcast %neg3A_1749 : f32 to vector<1x207xf32>
    %neg3A_1751 = arith.subf %neg3A_1750, %log3A_1748 : vector<1x207xf32>
    %add3A_1752 = arith.addf %reshape3A_1566, %neg3A_1737 : vector<1x207xf32>
    %mul3A_1753 = arith.constant 2.000000e+00 : f32
    %mul3A_1754 = vector.broadcast %mul3A_1753 : f32 to vector<1x207xf32>
    %mul3A_1755 = arith.mulf %add3A_1752, %mul3A_1754 : vector<1x207xf32>
    %add3A_1756 = arith.addf %reshape3A_1569, %neg3A_1751 : vector<1x207xf32>
    %mul3A_1757 = arith.constant 2.000000e+00 : f32
    %mul3A_1758 = vector.broadcast %mul3A_1757 : f32 to vector<1x207xf32>
    %mul3A_1759 = arith.mulf %add3A_1756, %mul3A_1758 : vector<1x207xf32>
    %max3A_1760 = arith.maximumf %mul3A_1755, %mul3A_1759 : vector<1x207xf32>
    %sub3A_1761 = arith.subf %mul3A_1755, %max3A_1760 : vector<1x207xf32>
    %exp3A_1762 = math.exp %sub3A_1761 : vector<1x207xf32>
    %sub3A_1763 = arith.subf %mul3A_1759, %max3A_1760 : vector<1x207xf32>
    %exp3A_1764 = math.exp %sub3A_1763 : vector<1x207xf32>
    %add3A_1765 = arith.addf %exp3A_1762, %exp3A_1764 : vector<1x207xf32>
    %div3A_1766 = arith.divf %exp3A_1762, %add3A_1765 : vector<1x207xf32>
    %ge3A_1767 = arith.cmpf oge, %mul3A_1755, %mul3A_1759 : vector<1x207xf32>
    %convert_element_type3A_1768 = arith.extui %ge3A_1767 : vector<1x207xi1> to vector<1x207xi32>
    %convert_element_type3A_1769 = arith.sitofp %convert_element_type3A_1768 : vector<1x207xi32> to vector<1x207xf32>
    %sub3A_1770 = arith.subf %convert_element_type3A_1769, %div3A_1766 : vector<1x207xf32>
    %add3A_1771 = arith.addf %sub3A_1770, %div3A_1766 : vector<1x207xf32>
    %mul3A_1772 = arith.mulf %add3A_1771, %convert_element_type3A_1577 : vector<1x207xf32>
    %swap3A_1773 = arith.constant 2 : index
    %swap3A_1774 = arith.constant 5 : index
    %swap3A_1775 = arith.constant 0 : index
    %swap3A_1776 = vector.load %arg8[%swap3A_1773, %swap3A_1774, %swap3A_1775] : memref<4x8x207xf32, #tpu.memory_space<vmem>>, vector<1x1x207xf32>
    %swap3A_1777 = vector.shape_cast %swap3A_1776 : vector<1x1x207xf32> to vector<1x207xf32>
    %swap3A_1778 = vector.shape_cast %mul3A_1772 : vector<1x207xf32> to vector<1x1x207xf32>
    tpu.vector_store %arg8[%swap3A_1773, %swap3A_1774, %swap3A_1775], %swap3A_1778 {strides = array<i32>} : memref<4x8x207xf32, #tpu.memory_space<vmem>>, vector<1x1x207xf32>,
    %get3A_1779 = arith.constant 3 : index
    %get3A_1780 = arith.constant 5 : index
    %get3A_1781 = arith.constant 0 : index
    %get3A_1782 = arith.constant 0 : index
    %get3A_1783 = vector.load %arg6[%get3A_1779, %get3A_1780, %get3A_1781, %get3A_1782] : memref<4x8x207x2xf32, #tpu.memory_space<vmem>>, vector<1x1x207x1xf32>
    %get3A_1784 = vector.shape_cast %get3A_1783 : vector<1x1x207x1xf32> to vector<1x207xf32>
    %get3A_1785 = arith.constant 3 : index
    %get3A_1786 = arith.constant 5 : index
    %get3A_1787 = arith.constant 0 : index
    %get3A_1788 = arith.constant 1 : index
    %get3A_1789 = vector.load %arg6[%get3A_1785, %get3A_1786, %get3A_1787, %get3A_1788] : memref<4x8x207x2xf32, #tpu.memory_space<vmem>>, vector<1x1x207x1xf32>
    %get3A_1790 = vector.shape_cast %get3A_1789 : vector<1x1x207x1xf32> to vector<1x207xf32>
    %add3A_1791 = arith.constant 9.99999968E-21 : f32
    %add3A_1792 = vector.broadcast %add3A_1791 : f32 to vector<1x207xf32>
    %add3A_1793 = arith.addf %get3A_1784, %add3A_1792 : vector<1x207xf32>
    %log3A_1794 = math.log %add3A_1793 : vector<1x207xf32>
    %neg3A_1795 = arith.constant 0.000000e+00 : f32
    %neg3A_1796 = vector.broadcast %neg3A_1795 : f32 to vector<1x207xf32>
    %neg3A_1797 = arith.subf %neg3A_1796, %log3A_1794 : vector<1x207xf32>
    %add3A_1798 = arith.constant 9.99999968E-21 : f32
    %add3A_1799 = vector.broadcast %add3A_1798 : f32 to vector<1x207xf32>
    %add3A_1800 = arith.addf %neg3A_1797, %add3A_1799 : vector<1x207xf32>
    %log3A_1801 = math.log %add3A_1800 : vector<1x207xf32>
    %neg3A_1802 = arith.constant 0.000000e+00 : f32
    %neg3A_1803 = vector.broadcast %neg3A_1802 : f32 to vector<1x207xf32>
    %neg3A_1804 = arith.subf %neg3A_1803, %log3A_1801 : vector<1x207xf32>
    %add3A_1805 = arith.constant 9.99999968E-21 : f32
    %add3A_1806 = vector.broadcast %add3A_1805 : f32 to vector<1x207xf32>
    %add3A_1807 = arith.addf %get3A_1790, %add3A_1806 : vector<1x207xf32>
    %log3A_1808 = math.log %add3A_1807 : vector<1x207xf32>
    %neg3A_1809 = arith.constant 0.000000e+00 : f32
    %neg3A_1810 = vector.broadcast %neg3A_1809 : f32 to vector<1x207xf32>
    %neg3A_1811 = arith.subf %neg3A_1810, %log3A_1808 : vector<1x207xf32>
    %add3A_1812 = arith.constant 9.99999968E-21 : f32
    %add3A_1813 = vector.broadcast %add3A_1812 : f32 to vector<1x207xf32>
    %add3A_1814 = arith.addf %neg3A_1811, %add3A_1813 : vector<1x207xf32>
    %log3A_1815 = math.log %add3A_1814 : vector<1x207xf32>
    %neg3A_1816 = arith.constant 0.000000e+00 : f32
    %neg3A_1817 = vector.broadcast %neg3A_1816 : f32 to vector<1x207xf32>
    %neg3A_1818 = arith.subf %neg3A_1817, %log3A_1815 : vector<1x207xf32>
    %add3A_1819 = arith.addf %reshape3A_1566, %neg3A_1804 : vector<1x207xf32>
    %mul3A_1820 = arith.constant 2.000000e+00 : f32
    %mul3A_1821 = vector.broadcast %mul3A_1820 : f32 to vector<1x207xf32>
    %mul3A_1822 = arith.mulf %add3A_1819, %mul3A_1821 : vector<1x207xf32>
    %add3A_1823 = arith.addf %reshape3A_1569, %neg3A_1818 : vector<1x207xf32>
    %mul3A_1824 = arith.constant 2.000000e+00 : f32
    %mul3A_1825 = vector.broadcast %mul3A_1824 : f32 to vector<1x207xf32>
    %mul3A_1826 = arith.mulf %add3A_1823, %mul3A_1825 : vector<1x207xf32>
    %max3A_1827 = arith.maximumf %mul3A_1822, %mul3A_1826 : vector<1x207xf32>
    %sub3A_1828 = arith.subf %mul3A_1822, %max3A_1827 : vector<1x207xf32>
    %exp3A_1829 = math.exp %sub3A_1828 : vector<1x207xf32>
    %sub3A_1830 = arith.subf %mul3A_1826, %max3A_1827 : vector<1x207xf32>
    %exp3A_1831 = math.exp %sub3A_1830 : vector<1x207xf32>
    %add3A_1832 = arith.addf %exp3A_1829, %exp3A_1831 : vector<1x207xf32>
    %div3A_1833 = arith.divf %exp3A_1829, %add3A_1832 : vector<1x207xf32>
    %ge3A_1834 = arith.cmpf oge, %mul3A_1822, %mul3A_1826 : vector<1x207xf32>
    %convert_element_type3A_1835 = arith.extui %ge3A_1834 : vector<1x207xi1> to vector<1x207xi32>
    %convert_element_type3A_1836 = arith.sitofp %convert_element_type3A_1835 : vector<1x207xi32> to vector<1x207xf32>
    %sub3A_1837 = arith.subf %convert_element_type3A_1836, %div3A_1833 : vector<1x207xf32>
    %add3A_1838 = arith.addf %sub3A_1837, %div3A_1833 : vector<1x207xf32>
    %mul3A_1839 = arith.mulf %add3A_1838, %convert_element_type3A_1577 : vector<1x207xf32>
    %swap3A_1840 = arith.constant 3 : index
    %swap3A_1841 = arith.constant 5 : index
    %swap3A_1842 = arith.constant 0 : index
    %swap3A_1843 = vector.load %arg8[%swap3A_1840, %swap3A_1841, %swap3A_1842] : memref<4x8x207xf32, #tpu.memory_space<vmem>>, vector<1x1x207xf32>
    %swap3A_1844 = vector.shape_cast %swap3A_1843 : vector<1x1x207xf32> to vector<1x207xf32>
    %swap3A_1845 = vector.shape_cast %mul3A_1839 : vector<1x207xf32> to vector<1x1x207xf32>
    tpu.vector_store %arg8[%swap3A_1840, %swap3A_1841, %swap3A_1842], %swap3A_1845 {strides = array<i32>} : memref<4x8x207xf32, #tpu.memory_space<vmem>>, vector<1x1x207xf32>,
    %get3A_1846 = arith.constant 6 : index
    %get3A_1847 = arith.constant 0 : index
    %get3A_1848 = vector.load %arg2[%get3A_1846, %get3A_1847] : memref<8x100xf32, #tpu.memory_space<vmem>>, vector<1x100xf32>
    %add3A_1849 = vector.broadcast %get3A_1848 : vector<1x100xf32> to vector<207x100xf32>
    %add3A_1850 = arith.addf %get3A_1, %add3A_1849 : vector<207x100xf32>
    %get3A_1851 = arith.constant 0 : index
    %get3A_1852 = arith.constant 0 : index
    %get3A_1853 = vector.load %arg3[%get3A_1851, %get3A_1852] : memref<1x100xf32, #tpu.memory_space<vmem>>, vector<1x100xf32>
    %add3A_1854 = vector.broadcast %get3A_1853 : vector<1x100xf32> to vector<207x100xf32>
    %add3A_1855 = arith.addf %add3A_1850, %add3A_1854 : vector<207x100xf32>
    %max3A_1856 = arith.constant 0.000000e+00 : f32
    %max3A_1857 = vector.broadcast %max3A_1856 : f32 to vector<207x100xf32>
    %max3A_1858 = arith.maximumf %add3A_1855, %max3A_1857 : vector<207x100xf32>
    %get3A_1859 = arith.constant 0 : index
    %get3A_1860 = arith.constant 0 : index
    %get3A_1861 = vector.load %arg4[%get3A_1859, %get3A_1860] : memref<100x2xf32, #tpu.memory_space<vmem>>, vector<100x2xf32>
    %dot_general3A_1862 = arith.constant dense<0.000000e+00> : vector<207x2xf32>
    %dot_general3A_1863 = tpu.matmul %max3A_1858, %get3A_1861, %dot_general3A_1862 {dimension_numbers = #tpu.dot_dimension_numbers<[1], [0], [0], [1], [0, 0, 1, 1], [], []>, transpose_lhs_hint = false} : vector<207x100xf32>, vector<100x2xf32>, vector<207x2xf32> -> vector<207x2xf32>
    %get3A_1864 = arith.constant 0 : index
    %get3A_1865 = arith.constant 0 : index
    %get3A_1866 = vector.load %arg5[%get3A_1864, %get3A_1865] : memref<1x2xf32, #tpu.memory_space<vmem>>, vector<1x2xf32>
    %add3A_1867 = vector.broadcast %get3A_1866 : vector<1x2xf32> to vector<207x2xf32>
    %add3A_1868 = arith.addf %dot_general3A_1863, %add3A_1867 : vector<207x2xf32>
    %reshape3A_1869 = vector.shape_cast %add3A_1868 : vector<207x2xf32> to vector<1x207x2xf32>
    %swap3A_1870 = arith.constant 6 : index
    %swap3A_1871 = arith.constant 0 : index
    %swap3A_1872 = arith.constant 0 : index
    %swap3A_1873 = vector.load %arg7[%swap3A_1870, %swap3A_1871, %swap3A_1872] : memref<8x207x2xf32, #tpu.memory_space<vmem>>, vector<1x207x2xf32>
    tpu.vector_store %arg7[%swap3A_1870, %swap3A_1871, %swap3A_1872], %reshape3A_1869 {strides = array<i32>} : memref<8x207x2xf32, #tpu.memory_space<vmem>>, vector<1x207x2xf32>,
    %slice3A_1874 = vector.extract_strided_slice %add3A_1868 {offsets = [0, 0], sizes = [207, 1], strides = [1, 1]} : vector<207x2xf32> to vector<207x1xf32>
    %squeeze3A_1875 = vector.shape_cast %slice3A_1874 : vector<207x1xf32> to vector<207xf32>
    %reshape3A_1876 = vector.shape_cast %squeeze3A_1875 : vector<207xf32> to vector<1x207xf32>
    %slice3A_1877 = vector.extract_strided_slice %add3A_1868 {offsets = [0, 1], sizes = [207, 1], strides = [1, 1]} : vector<207x2xf32> to vector<207x1xf32>
    %squeeze3A_1878 = vector.shape_cast %slice3A_1877 : vector<207x1xf32> to vector<207xf32>
    %reshape3A_1879 = vector.shape_cast %squeeze3A_1878 : vector<207xf32> to vector<1x207xf32>
    %mul3A_1880 = arith.constant 8 : i32
    %mul3A_1881 = arith.muli %arg0, %mul3A_1880 : i32
    %add3A_1882 = arith.constant 6 : i32
    %add3A_1883 = arith.addi %mul3A_1881, %add3A_1882 : i32
    %ne3A_1884 = vector.broadcast %add3A_1883 : i32 to vector<1x207xi32>
    %ne3A_1885 = arith.cmpi ne, %iota3A, %ne3A_1884 : vector<1x207xi32>
    %convert_element_type3A_1886 = arith.extui %ne3A_1885 : vector<1x207xi1> to vector<1x207xi32>
    %convert_element_type3A_1887 = arith.sitofp %convert_element_type3A_1886 : vector<1x207xi32> to vector<1x207xf32>
    %get3A_1888 = arith.constant 0 : index
    %get3A_1889 = arith.constant 6 : index
    %get3A_1890 = arith.constant 0 : index
    %get3A_1891 = arith.constant 0 : index
    %get3A_1892 = vector.load %arg6[%get3A_1888, %get3A_1889, %get3A_1890, %get3A_1891] : memref<4x8x207x2xf32, #tpu.memory_space<vmem>>, vector<1x1x207x1xf32>
    %get3A_1893 = vector.shape_cast %get3A_1892 : vector<1x1x207x1xf32> to vector<1x207xf32>
    %get3A_1894 = arith.constant 0 : index
    %get3A_1895 = arith.constant 6 : index
    %get3A_1896 = arith.constant 0 : index
    %get3A_1897 = arith.constant 1 : index
    %get3A_1898 = vector.load %arg6[%get3A_1894, %get3A_1895, %get3A_1896, %get3A_1897] : memref<4x8x207x2xf32, #tpu.memory_space<vmem>>, vector<1x1x207x1xf32>
    %get3A_1899 = vector.shape_cast %get3A_1898 : vector<1x1x207x1xf32> to vector<1x207xf32>
    %add3A_1900 = arith.constant 9.99999968E-21 : f32
    %add3A_1901 = vector.broadcast %add3A_1900 : f32 to vector<1x207xf32>
    %add3A_1902 = arith.addf %get3A_1893, %add3A_1901 : vector<1x207xf32>
    %log3A_1903 = math.log %add3A_1902 : vector<1x207xf32>
    %neg3A_1904 = arith.constant 0.000000e+00 : f32
    %neg3A_1905 = vector.broadcast %neg3A_1904 : f32 to vector<1x207xf32>
    %neg3A_1906 = arith.subf %neg3A_1905, %log3A_1903 : vector<1x207xf32>
    %add3A_1907 = arith.constant 9.99999968E-21 : f32
    %add3A_1908 = vector.broadcast %add3A_1907 : f32 to vector<1x207xf32>
    %add3A_1909 = arith.addf %neg3A_1906, %add3A_1908 : vector<1x207xf32>
    %log3A_1910 = math.log %add3A_1909 : vector<1x207xf32>
    %neg3A_1911 = arith.constant 0.000000e+00 : f32
    %neg3A_1912 = vector.broadcast %neg3A_1911 : f32 to vector<1x207xf32>
    %neg3A_1913 = arith.subf %neg3A_1912, %log3A_1910 : vector<1x207xf32>
    %add3A_1914 = arith.constant 9.99999968E-21 : f32
    %add3A_1915 = vector.broadcast %add3A_1914 : f32 to vector<1x207xf32>
    %add3A_1916 = arith.addf %get3A_1899, %add3A_1915 : vector<1x207xf32>
    %log3A_1917 = math.log %add3A_1916 : vector<1x207xf32>
    %neg3A_1918 = arith.constant 0.000000e+00 : f32
    %neg3A_1919 = vector.broadcast %neg3A_1918 : f32 to vector<1x207xf32>
    %neg3A_1920 = arith.subf %neg3A_1919, %log3A_1917 : vector<1x207xf32>
    %add3A_1921 = arith.constant 9.99999968E-21 : f32
    %add3A_1922 = vector.broadcast %add3A_1921 : f32 to vector<1x207xf32>
    %add3A_1923 = arith.addf %neg3A_1920, %add3A_1922 : vector<1x207xf32>
    %log3A_1924 = math.log %add3A_1923 : vector<1x207xf32>
    %neg3A_1925 = arith.constant 0.000000e+00 : f32
    %neg3A_1926 = vector.broadcast %neg3A_1925 : f32 to vector<1x207xf32>
    %neg3A_1927 = arith.subf %neg3A_1926, %log3A_1924 : vector<1x207xf32>
    %add3A_1928 = arith.addf %reshape3A_1876, %neg3A_1913 : vector<1x207xf32>
    %mul3A_1929 = arith.constant 2.000000e+00 : f32
    %mul3A_1930 = vector.broadcast %mul3A_1929 : f32 to vector<1x207xf32>
    %mul3A_1931 = arith.mulf %add3A_1928, %mul3A_1930 : vector<1x207xf32>
    %add3A_1932 = arith.addf %reshape3A_1879, %neg3A_1927 : vector<1x207xf32>
    %mul3A_1933 = arith.constant 2.000000e+00 : f32
    %mul3A_1934 = vector.broadcast %mul3A_1933 : f32 to vector<1x207xf32>
    %mul3A_1935 = arith.mulf %add3A_1932, %mul3A_1934 : vector<1x207xf32>
    %max3A_1936 = arith.maximumf %mul3A_1931, %mul3A_1935 : vector<1x207xf32>
    %sub3A_1937 = arith.subf %mul3A_1931, %max3A_1936 : vector<1x207xf32>
    %exp3A_1938 = math.exp %sub3A_1937 : vector<1x207xf32>
    %sub3A_1939 = arith.subf %mul3A_1935, %max3A_1936 : vector<1x207xf32>
    %exp3A_1940 = math.exp %sub3A_1939 : vector<1x207xf32>
    %add3A_1941 = arith.addf %exp3A_1938, %exp3A_1940 : vector<1x207xf32>
    %div3A_1942 = arith.divf %exp3A_1938, %add3A_1941 : vector<1x207xf32>
    %ge3A_1943 = arith.cmpf oge, %mul3A_1931, %mul3A_1935 : vector<1x207xf32>
    %convert_element_type3A_1944 = arith.extui %ge3A_1943 : vector<1x207xi1> to vector<1x207xi32>
    %convert_element_type3A_1945 = arith.sitofp %convert_element_type3A_1944 : vector<1x207xi32> to vector<1x207xf32>
    %sub3A_1946 = arith.subf %convert_element_type3A_1945, %div3A_1942 : vector<1x207xf32>
    %add3A_1947 = arith.addf %sub3A_1946, %div3A_1942 : vector<1x207xf32>
    %mul3A_1948 = arith.mulf %add3A_1947, %convert_element_type3A_1887 : vector<1x207xf32>
    %swap3A_1949 = arith.constant 0 : index
    %swap3A_1950 = arith.constant 6 : index
    %swap3A_1951 = arith.constant 0 : index
    %swap3A_1952 = vector.load %arg8[%swap3A_1949, %swap3A_1950, %swap3A_1951] : memref<4x8x207xf32, #tpu.memory_space<vmem>>, vector<1x1x207xf32>
    %swap3A_1953 = vector.shape_cast %swap3A_1952 : vector<1x1x207xf32> to vector<1x207xf32>
    %swap3A_1954 = vector.shape_cast %mul3A_1948 : vector<1x207xf32> to vector<1x1x207xf32>
    tpu.vector_store %arg8[%swap3A_1949, %swap3A_1950, %swap3A_1951], %swap3A_1954 {strides = array<i32>} : memref<4x8x207xf32, #tpu.memory_space<vmem>>, vector<1x1x207xf32>,
    %get3A_1955 = arith.constant 1 : index
    %get3A_1956 = arith.constant 6 : index
    %get3A_1957 = arith.constant 0 : index
    %get3A_1958 = arith.constant 0 : index
    %get3A_1959 = vector.load %arg6[%get3A_1955, %get3A_1956, %get3A_1957, %get3A_1958] : memref<4x8x207x2xf32, #tpu.memory_space<vmem>>, vector<1x1x207x1xf32>
    %get3A_1960 = vector.shape_cast %get3A_1959 : vector<1x1x207x1xf32> to vector<1x207xf32>
    %get3A_1961 = arith.constant 1 : index
    %get3A_1962 = arith.constant 6 : index
    %get3A_1963 = arith.constant 0 : index
    %get3A_1964 = arith.constant 1 : index
    %get3A_1965 = vector.load %arg6[%get3A_1961, %get3A_1962, %get3A_1963, %get3A_1964] : memref<4x8x207x2xf32, #tpu.memory_space<vmem>>, vector<1x1x207x1xf32>
    %get3A_1966 = vector.shape_cast %get3A_1965 : vector<1x1x207x1xf32> to vector<1x207xf32>
    %add3A_1967 = arith.constant 9.99999968E-21 : f32
    %add3A_1968 = vector.broadcast %add3A_1967 : f32 to vector<1x207xf32>
    %add3A_1969 = arith.addf %get3A_1960, %add3A_1968 : vector<1x207xf32>
    %log3A_1970 = math.log %add3A_1969 : vector<1x207xf32>
    %neg3A_1971 = arith.constant 0.000000e+00 : f32
    %neg3A_1972 = vector.broadcast %neg3A_1971 : f32 to vector<1x207xf32>
    %neg3A_1973 = arith.subf %neg3A_1972, %log3A_1970 : vector<1x207xf32>
    %add3A_1974 = arith.constant 9.99999968E-21 : f32
    %add3A_1975 = vector.broadcast %add3A_1974 : f32 to vector<1x207xf32>
    %add3A_1976 = arith.addf %neg3A_1973, %add3A_1975 : vector<1x207xf32>
    %log3A_1977 = math.log %add3A_1976 : vector<1x207xf32>
    %neg3A_1978 = arith.constant 0.000000e+00 : f32
    %neg3A_1979 = vector.broadcast %neg3A_1978 : f32 to vector<1x207xf32>
    %neg3A_1980 = arith.subf %neg3A_1979, %log3A_1977 : vector<1x207xf32>
    %add3A_1981 = arith.constant 9.99999968E-21 : f32
    %add3A_1982 = vector.broadcast %add3A_1981 : f32 to vector<1x207xf32>
    %add3A_1983 = arith.addf %get3A_1966, %add3A_1982 : vector<1x207xf32>
    %log3A_1984 = math.log %add3A_1983 : vector<1x207xf32>
    %neg3A_1985 = arith.constant 0.000000e+00 : f32
    %neg3A_1986 = vector.broadcast %neg3A_1985 : f32 to vector<1x207xf32>
    %neg3A_1987 = arith.subf %neg3A_1986, %log3A_1984 : vector<1x207xf32>
    %add3A_1988 = arith.constant 9.99999968E-21 : f32
    %add3A_1989 = vector.broadcast %add3A_1988 : f32 to vector<1x207xf32>
    %add3A_1990 = arith.addf %neg3A_1987, %add3A_1989 : vector<1x207xf32>
    %log3A_1991 = math.log %add3A_1990 : vector<1x207xf32>
    %neg3A_1992 = arith.constant 0.000000e+00 : f32
    %neg3A_1993 = vector.broadcast %neg3A_1992 : f32 to vector<1x207xf32>
    %neg3A_1994 = arith.subf %neg3A_1993, %log3A_1991 : vector<1x207xf32>
    %add3A_1995 = arith.addf %reshape3A_1876, %neg3A_1980 : vector<1x207xf32>
    %mul3A_1996 = arith.constant 2.000000e+00 : f32
    %mul3A_1997 = vector.broadcast %mul3A_1996 : f32 to vector<1x207xf32>
    %mul3A_1998 = arith.mulf %add3A_1995, %mul3A_1997 : vector<1x207xf32>
    %add3A_1999 = arith.addf %reshape3A_1879, %neg3A_1994 : vector<1x207xf32>
    %mul3A_2000 = arith.constant 2.000000e+00 : f32
    %mul3A_2001 = vector.broadcast %mul3A_2000 : f32 to vector<1x207xf32>
    %mul3A_2002 = arith.mulf %add3A_1999, %mul3A_2001 : vector<1x207xf32>
    %max3A_2003 = arith.maximumf %mul3A_1998, %mul3A_2002 : vector<1x207xf32>
    %sub3A_2004 = arith.subf %mul3A_1998, %max3A_2003 : vector<1x207xf32>
    %exp3A_2005 = math.exp %sub3A_2004 : vector<1x207xf32>
    %sub3A_2006 = arith.subf %mul3A_2002, %max3A_2003 : vector<1x207xf32>
    %exp3A_2007 = math.exp %sub3A_2006 : vector<1x207xf32>
    %add3A_2008 = arith.addf %exp3A_2005, %exp3A_2007 : vector<1x207xf32>
    %div3A_2009 = arith.divf %exp3A_2005, %add3A_2008 : vector<1x207xf32>
    %ge3A_2010 = arith.cmpf oge, %mul3A_1998, %mul3A_2002 : vector<1x207xf32>
    %convert_element_type3A_2011 = arith.extui %ge3A_2010 : vector<1x207xi1> to vector<1x207xi32>
    %convert_element_type3A_2012 = arith.sitofp %convert_element_type3A_2011 : vector<1x207xi32> to vector<1x207xf32>
    %sub3A_2013 = arith.subf %convert_element_type3A_2012, %div3A_2009 : vector<1x207xf32>
    %add3A_2014 = arith.addf %sub3A_2013, %div3A_2009 : vector<1x207xf32>
    %mul3A_2015 = arith.mulf %add3A_2014, %convert_element_type3A_1887 : vector<1x207xf32>
    %swap3A_2016 = arith.constant 1 : index
    %swap3A_2017 = arith.constant 6 : index
    %swap3A_2018 = arith.constant 0 : index
    %swap3A_2019 = vector.load %arg8[%swap3A_2016, %swap3A_2017, %swap3A_2018] : memref<4x8x207xf32, #tpu.memory_space<vmem>>, vector<1x1x207xf32>
    %swap3A_2020 = vector.shape_cast %swap3A_2019 : vector<1x1x207xf32> to vector<1x207xf32>
    %swap3A_2021 = vector.shape_cast %mul3A_2015 : vector<1x207xf32> to vector<1x1x207xf32>
    tpu.vector_store %arg8[%swap3A_2016, %swap3A_2017, %swap3A_2018], %swap3A_2021 {strides = array<i32>} : memref<4x8x207xf32, #tpu.memory_space<vmem>>, vector<1x1x207xf32>,
    %get3A_2022 = arith.constant 2 : index
    %get3A_2023 = arith.constant 6 : index
    %get3A_2024 = arith.constant 0 : index
    %get3A_2025 = arith.constant 0 : index
    %get3A_2026 = vector.load %arg6[%get3A_2022, %get3A_2023, %get3A_2024, %get3A_2025] : memref<4x8x207x2xf32, #tpu.memory_space<vmem>>, vector<1x1x207x1xf32>
    %get3A_2027 = vector.shape_cast %get3A_2026 : vector<1x1x207x1xf32> to vector<1x207xf32>
    %get3A_2028 = arith.constant 2 : index
    %get3A_2029 = arith.constant 6 : index
    %get3A_2030 = arith.constant 0 : index
    %get3A_2031 = arith.constant 1 : index
    %get3A_2032 = vector.load %arg6[%get3A_2028, %get3A_2029, %get3A_2030, %get3A_2031] : memref<4x8x207x2xf32, #tpu.memory_space<vmem>>, vector<1x1x207x1xf32>
    %get3A_2033 = vector.shape_cast %get3A_2032 : vector<1x1x207x1xf32> to vector<1x207xf32>
    %add3A_2034 = arith.constant 9.99999968E-21 : f32
    %add3A_2035 = vector.broadcast %add3A_2034 : f32 to vector<1x207xf32>
    %add3A_2036 = arith.addf %get3A_2027, %add3A_2035 : vector<1x207xf32>
    %log3A_2037 = math.log %add3A_2036 : vector<1x207xf32>
    %neg3A_2038 = arith.constant 0.000000e+00 : f32
    %neg3A_2039 = vector.broadcast %neg3A_2038 : f32 to vector<1x207xf32>
    %neg3A_2040 = arith.subf %neg3A_2039, %log3A_2037 : vector<1x207xf32>
    %add3A_2041 = arith.constant 9.99999968E-21 : f32
    %add3A_2042 = vector.broadcast %add3A_2041 : f32 to vector<1x207xf32>
    %add3A_2043 = arith.addf %neg3A_2040, %add3A_2042 : vector<1x207xf32>
    %log3A_2044 = math.log %add3A_2043 : vector<1x207xf32>
    %neg3A_2045 = arith.constant 0.000000e+00 : f32
    %neg3A_2046 = vector.broadcast %neg3A_2045 : f32 to vector<1x207xf32>
    %neg3A_2047 = arith.subf %neg3A_2046, %log3A_2044 : vector<1x207xf32>
    %add3A_2048 = arith.constant 9.99999968E-21 : f32
    %add3A_2049 = vector.broadcast %add3A_2048 : f32 to vector<1x207xf32>
    %add3A_2050 = arith.addf %get3A_2033, %add3A_2049 : vector<1x207xf32>
    %log3A_2051 = math.log %add3A_2050 : vector<1x207xf32>
    %neg3A_2052 = arith.constant 0.000000e+00 : f32
    %neg3A_2053 = vector.broadcast %neg3A_2052 : f32 to vector<1x207xf32>
    %neg3A_2054 = arith.subf %neg3A_2053, %log3A_2051 : vector<1x207xf32>
    %add3A_2055 = arith.constant 9.99999968E-21 : f32
    %add3A_2056 = vector.broadcast %add3A_2055 : f32 to vector<1x207xf32>
    %add3A_2057 = arith.addf %neg3A_2054, %add3A_2056 : vector<1x207xf32>
    %log3A_2058 = math.log %add3A_2057 : vector<1x207xf32>
    %neg3A_2059 = arith.constant 0.000000e+00 : f32
    %neg3A_2060 = vector.broadcast %neg3A_2059 : f32 to vector<1x207xf32>
    %neg3A_2061 = arith.subf %neg3A_2060, %log3A_2058 : vector<1x207xf32>
    %add3A_2062 = arith.addf %reshape3A_1876, %neg3A_2047 : vector<1x207xf32>
    %mul3A_2063 = arith.constant 2.000000e+00 : f32
    %mul3A_2064 = vector.broadcast %mul3A_2063 : f32 to vector<1x207xf32>
    %mul3A_2065 = arith.mulf %add3A_2062, %mul3A_2064 : vector<1x207xf32>
    %add3A_2066 = arith.addf %reshape3A_1879, %neg3A_2061 : vector<1x207xf32>
    %mul3A_2067 = arith.constant 2.000000e+00 : f32
    %mul3A_2068 = vector.broadcast %mul3A_2067 : f32 to vector<1x207xf32>
    %mul3A_2069 = arith.mulf %add3A_2066, %mul3A_2068 : vector<1x207xf32>
    %max3A_2070 = arith.maximumf %mul3A_2065, %mul3A_2069 : vector<1x207xf32>
    %sub3A_2071 = arith.subf %mul3A_2065, %max3A_2070 : vector<1x207xf32>
    %exp3A_2072 = math.exp %sub3A_2071 : vector<1x207xf32>
    %sub3A_2073 = arith.subf %mul3A_2069, %max3A_2070 : vector<1x207xf32>
    %exp3A_2074 = math.exp %sub3A_2073 : vector<1x207xf32>
    %add3A_2075 = arith.addf %exp3A_2072, %exp3A_2074 : vector<1x207xf32>
    %div3A_2076 = arith.divf %exp3A_2072, %add3A_2075 : vector<1x207xf32>
    %ge3A_2077 = arith.cmpf oge, %mul3A_2065, %mul3A_2069 : vector<1x207xf32>
    %convert_element_type3A_2078 = arith.extui %ge3A_2077 : vector<1x207xi1> to vector<1x207xi32>
    %convert_element_type3A_2079 = arith.sitofp %convert_element_type3A_2078 : vector<1x207xi32> to vector<1x207xf32>
    %sub3A_2080 = arith.subf %convert_element_type3A_2079, %div3A_2076 : vector<1x207xf32>
    %add3A_2081 = arith.addf %sub3A_2080, %div3A_2076 : vector<1x207xf32>
    %mul3A_2082 = arith.mulf %add3A_2081, %convert_element_type3A_1887 : vector<1x207xf32>
    %swap3A_2083 = arith.constant 2 : index
    %swap3A_2084 = arith.constant 6 : index
    %swap3A_2085 = arith.constant 0 : index
    %swap3A_2086 = vector.load %arg8[%swap3A_2083, %swap3A_2084, %swap3A_2085] : memref<4x8x207xf32, #tpu.memory_space<vmem>>, vector<1x1x207xf32>
    %swap3A_2087 = vector.shape_cast %swap3A_2086 : vector<1x1x207xf32> to vector<1x207xf32>
    %swap3A_2088 = vector.shape_cast %mul3A_2082 : vector<1x207xf32> to vector<1x1x207xf32>
    tpu.vector_store %arg8[%swap3A_2083, %swap3A_2084, %swap3A_2085], %swap3A_2088 {strides = array<i32>} : memref<4x8x207xf32, #tpu.memory_space<vmem>>, vector<1x1x207xf32>,
    %get3A_2089 = arith.constant 3 : index
    %get3A_2090 = arith.constant 6 : index
    %get3A_2091 = arith.constant 0 : index
    %get3A_2092 = arith.constant 0 : index
    %get3A_2093 = vector.load %arg6[%get3A_2089, %get3A_2090, %get3A_2091, %get3A_2092] : memref<4x8x207x2xf32, #tpu.memory_space<vmem>>, vector<1x1x207x1xf32>
    %get3A_2094 = vector.shape_cast %get3A_2093 : vector<1x1x207x1xf32> to vector<1x207xf32>
    %get3A_2095 = arith.constant 3 : index
    %get3A_2096 = arith.constant 6 : index
    %get3A_2097 = arith.constant 0 : index
    %get3A_2098 = arith.constant 1 : index
    %get3A_2099 = vector.load %arg6[%get3A_2095, %get3A_2096, %get3A_2097, %get3A_2098] : memref<4x8x207x2xf32, #tpu.memory_space<vmem>>, vector<1x1x207x1xf32>
    %get3A_2100 = vector.shape_cast %get3A_2099 : vector<1x1x207x1xf32> to vector<1x207xf32>
    %add3A_2101 = arith.constant 9.99999968E-21 : f32
    %add3A_2102 = vector.broadcast %add3A_2101 : f32 to vector<1x207xf32>
    %add3A_2103 = arith.addf %get3A_2094, %add3A_2102 : vector<1x207xf32>
    %log3A_2104 = math.log %add3A_2103 : vector<1x207xf32>
    %neg3A_2105 = arith.constant 0.000000e+00 : f32
    %neg3A_2106 = vector.broadcast %neg3A_2105 : f32 to vector<1x207xf32>
    %neg3A_2107 = arith.subf %neg3A_2106, %log3A_2104 : vector<1x207xf32>
    %add3A_2108 = arith.constant 9.99999968E-21 : f32
    %add3A_2109 = vector.broadcast %add3A_2108 : f32 to vector<1x207xf32>
    %add3A_2110 = arith.addf %neg3A_2107, %add3A_2109 : vector<1x207xf32>
    %log3A_2111 = math.log %add3A_2110 : vector<1x207xf32>
    %neg3A_2112 = arith.constant 0.000000e+00 : f32
    %neg3A_2113 = vector.broadcast %neg3A_2112 : f32 to vector<1x207xf32>
    %neg3A_2114 = arith.subf %neg3A_2113, %log3A_2111 : vector<1x207xf32>
    %add3A_2115 = arith.constant 9.99999968E-21 : f32
    %add3A_2116 = vector.broadcast %add3A_2115 : f32 to vector<1x207xf32>
    %add3A_2117 = arith.addf %get3A_2100, %add3A_2116 : vector<1x207xf32>
    %log3A_2118 = math.log %add3A_2117 : vector<1x207xf32>
    %neg3A_2119 = arith.constant 0.000000e+00 : f32
    %neg3A_2120 = vector.broadcast %neg3A_2119 : f32 to vector<1x207xf32>
    %neg3A_2121 = arith.subf %neg3A_2120, %log3A_2118 : vector<1x207xf32>
    %add3A_2122 = arith.constant 9.99999968E-21 : f32
    %add3A_2123 = vector.broadcast %add3A_2122 : f32 to vector<1x207xf32>
    %add3A_2124 = arith.addf %neg3A_2121, %add3A_2123 : vector<1x207xf32>
    %log3A_2125 = math.log %add3A_2124 : vector<1x207xf32>
    %neg3A_2126 = arith.constant 0.000000e+00 : f32
    %neg3A_2127 = vector.broadcast %neg3A_2126 : f32 to vector<1x207xf32>
    %neg3A_2128 = arith.subf %neg3A_2127, %log3A_2125 : vector<1x207xf32>
    %add3A_2129 = arith.addf %reshape3A_1876, %neg3A_2114 : vector<1x207xf32>
    %mul3A_2130 = arith.constant 2.000000e+00 : f32
    %mul3A_2131 = vector.broadcast %mul3A_2130 : f32 to vector<1x207xf32>
    %mul3A_2132 = arith.mulf %add3A_2129, %mul3A_2131 : vector<1x207xf32>
    %add3A_2133 = arith.addf %reshape3A_1879, %neg3A_2128 : vector<1x207xf32>
    %mul3A_2134 = arith.constant 2.000000e+00 : f32
    %mul3A_2135 = vector.broadcast %mul3A_2134 : f32 to vector<1x207xf32>
    %mul3A_2136 = arith.mulf %add3A_2133, %mul3A_2135 : vector<1x207xf32>
    %max3A_2137 = arith.maximumf %mul3A_2132, %mul3A_2136 : vector<1x207xf32>
    %sub3A_2138 = arith.subf %mul3A_2132, %max3A_2137 : vector<1x207xf32>
    %exp3A_2139 = math.exp %sub3A_2138 : vector<1x207xf32>
    %sub3A_2140 = arith.subf %mul3A_2136, %max3A_2137 : vector<1x207xf32>
    %exp3A_2141 = math.exp %sub3A_2140 : vector<1x207xf32>
    %add3A_2142 = arith.addf %exp3A_2139, %exp3A_2141 : vector<1x207xf32>
    %div3A_2143 = arith.divf %exp3A_2139, %add3A_2142 : vector<1x207xf32>
    %ge3A_2144 = arith.cmpf oge, %mul3A_2132, %mul3A_2136 : vector<1x207xf32>
    %convert_element_type3A_2145 = arith.extui %ge3A_2144 : vector<1x207xi1> to vector<1x207xi32>
    %convert_element_type3A_2146 = arith.sitofp %convert_element_type3A_2145 : vector<1x207xi32> to vector<1x207xf32>
    %sub3A_2147 = arith.subf %convert_element_type3A_2146, %div3A_2143 : vector<1x207xf32>
    %add3A_2148 = arith.addf %sub3A_2147, %div3A_2143 : vector<1x207xf32>
    %mul3A_2149 = arith.mulf %add3A_2148, %convert_element_type3A_1887 : vector<1x207xf32>
    %swap3A_2150 = arith.constant 3 : index
    %swap3A_2151 = arith.constant 6 : index
    %swap3A_2152 = arith.constant 0 : index
    %swap3A_2153 = vector.load %arg8[%swap3A_2150, %swap3A_2151, %swap3A_2152] : memref<4x8x207xf32, #tpu.memory_space<vmem>>, vector<1x1x207xf32>
    %swap3A_2154 = vector.shape_cast %swap3A_2153 : vector<1x1x207xf32> to vector<1x207xf32>
    %swap3A_2155 = vector.shape_cast %mul3A_2149 : vector<1x207xf32> to vector<1x1x207xf32>
    tpu.vector_store %arg8[%swap3A_2150, %swap3A_2151, %swap3A_2152], %swap3A_2155 {strides = array<i32>} : memref<4x8x207xf32, #tpu.memory_space<vmem>>, vector<1x1x207xf32>,
    %get3A_2156 = arith.constant 7 : index
    %get3A_2157 = arith.constant 0 : index
    %get3A_2158 = vector.load %arg2[%get3A_2156, %get3A_2157] : memref<8x100xf32, #tpu.memory_space<vmem>>, vector<1x100xf32>
    %add3A_2159 = vector.broadcast %get3A_2158 : vector<1x100xf32> to vector<207x100xf32>
    %add3A_2160 = arith.addf %get3A_1, %add3A_2159 : vector<207x100xf32>
    %get3A_2161 = arith.constant 0 : index
    %get3A_2162 = arith.constant 0 : index
    %get3A_2163 = vector.load %arg3[%get3A_2161, %get3A_2162] : memref<1x100xf32, #tpu.memory_space<vmem>>, vector<1x100xf32>
    %add3A_2164 = vector.broadcast %get3A_2163 : vector<1x100xf32> to vector<207x100xf32>
    %add3A_2165 = arith.addf %add3A_2160, %add3A_2164 : vector<207x100xf32>
    %max3A_2166 = arith.constant 0.000000e+00 : f32
    %max3A_2167 = vector.broadcast %max3A_2166 : f32 to vector<207x100xf32>
    %max3A_2168 = arith.maximumf %add3A_2165, %max3A_2167 : vector<207x100xf32>
    %get3A_2169 = arith.constant 0 : index
    %get3A_2170 = arith.constant 0 : index
    %get3A_2171 = vector.load %arg4[%get3A_2169, %get3A_2170] : memref<100x2xf32, #tpu.memory_space<vmem>>, vector<100x2xf32>
    %dot_general3A_2172 = arith.constant dense<0.000000e+00> : vector<207x2xf32>
    %dot_general3A_2173 = tpu.matmul %max3A_2168, %get3A_2171, %dot_general3A_2172 {dimension_numbers = #tpu.dot_dimension_numbers<[1], [0], [0], [1], [0, 0, 1, 1], [], []>, transpose_lhs_hint = false} : vector<207x100xf32>, vector<100x2xf32>, vector<207x2xf32> -> vector<207x2xf32>
    %get3A_2174 = arith.constant 0 : index
    %get3A_2175 = arith.constant 0 : index
    %get3A_2176 = vector.load %arg5[%get3A_2174, %get3A_2175] : memref<1x2xf32, #tpu.memory_space<vmem>>, vector<1x2xf32>
    %add3A_2177 = vector.broadcast %get3A_2176 : vector<1x2xf32> to vector<207x2xf32>
    %add3A_2178 = arith.addf %dot_general3A_2173, %add3A_2177 : vector<207x2xf32>
    %reshape3A_2179 = vector.shape_cast %add3A_2178 : vector<207x2xf32> to vector<1x207x2xf32>
    %swap3A_2180 = arith.constant 7 : index
    %swap3A_2181 = arith.constant 0 : index
    %swap3A_2182 = arith.constant 0 : index
    %swap3A_2183 = vector.load %arg7[%swap3A_2180, %swap3A_2181, %swap3A_2182] : memref<8x207x2xf32, #tpu.memory_space<vmem>>, vector<1x207x2xf32>
    tpu.vector_store %arg7[%swap3A_2180, %swap3A_2181, %swap3A_2182], %reshape3A_2179 {strides = array<i32>} : memref<8x207x2xf32, #tpu.memory_space<vmem>>, vector<1x207x2xf32>,
    %slice3A_2184 = vector.extract_strided_slice %add3A_2178 {offsets = [0, 0], sizes = [207, 1], strides = [1, 1]} : vector<207x2xf32> to vector<207x1xf32>
    %squeeze3A_2185 = vector.shape_cast %slice3A_2184 : vector<207x1xf32> to vector<207xf32>
    %reshape3A_2186 = vector.shape_cast %squeeze3A_2185 : vector<207xf32> to vector<1x207xf32>
    %slice3A_2187 = vector.extract_strided_slice %add3A_2178 {offsets = [0, 1], sizes = [207, 1], strides = [1, 1]} : vector<207x2xf32> to vector<207x1xf32>
    %squeeze3A_2188 = vector.shape_cast %slice3A_2187 : vector<207x1xf32> to vector<207xf32>
    %reshape3A_2189 = vector.shape_cast %squeeze3A_2188 : vector<207xf32> to vector<1x207xf32>
    %mul3A_2190 = arith.constant 8 : i32
    %mul3A_2191 = arith.muli %arg0, %mul3A_2190 : i32
    %add3A_2192 = arith.constant 7 : i32
    %add3A_2193 = arith.addi %mul3A_2191, %add3A_2192 : i32
    %ne3A_2194 = vector.broadcast %add3A_2193 : i32 to vector<1x207xi32>
    %ne3A_2195 = arith.cmpi ne, %iota3A, %ne3A_2194 : vector<1x207xi32>
    %convert_element_type3A_2196 = arith.extui %ne3A_2195 : vector<1x207xi1> to vector<1x207xi32>
    %convert_element_type3A_2197 = arith.sitofp %convert_element_type3A_2196 : vector<1x207xi32> to vector<1x207xf32>
    %get3A_2198 = arith.constant 0 : index
    %get3A_2199 = arith.constant 7 : index
    %get3A_2200 = arith.constant 0 : index
    %get3A_2201 = arith.constant 0 : index
    %get3A_2202 = vector.load %arg6[%get3A_2198, %get3A_2199, %get3A_2200, %get3A_2201] : memref<4x8x207x2xf32, #tpu.memory_space<vmem>>, vector<1x1x207x1xf32>
    %get3A_2203 = vector.shape_cast %get3A_2202 : vector<1x1x207x1xf32> to vector<1x207xf32>
    %get3A_2204 = arith.constant 0 : index
    %get3A_2205 = arith.constant 7 : index
    %get3A_2206 = arith.constant 0 : index
    %get3A_2207 = arith.constant 1 : index
    %get3A_2208 = vector.load %arg6[%get3A_2204, %get3A_2205, %get3A_2206, %get3A_2207] : memref<4x8x207x2xf32, #tpu.memory_space<vmem>>, vector<1x1x207x1xf32>
    %get3A_2209 = vector.shape_cast %get3A_2208 : vector<1x1x207x1xf32> to vector<1x207xf32>
    %add3A_2210 = arith.constant 9.99999968E-21 : f32
    %add3A_2211 = vector.broadcast %add3A_2210 : f32 to vector<1x207xf32>
    %add3A_2212 = arith.addf %get3A_2203, %add3A_2211 : vector<1x207xf32>
    %log3A_2213 = math.log %add3A_2212 : vector<1x207xf32>
    %neg3A_2214 = arith.constant 0.000000e+00 : f32
    %neg3A_2215 = vector.broadcast %neg3A_2214 : f32 to vector<1x207xf32>
    %neg3A_2216 = arith.subf %neg3A_2215, %log3A_2213 : vector<1x207xf32>
    %add3A_2217 = arith.constant 9.99999968E-21 : f32
    %add3A_2218 = vector.broadcast %add3A_2217 : f32 to vector<1x207xf32>
    %add3A_2219 = arith.addf %neg3A_2216, %add3A_2218 : vector<1x207xf32>
    %log3A_2220 = math.log %add3A_2219 : vector<1x207xf32>
    %neg3A_2221 = arith.constant 0.000000e+00 : f32
    %neg3A_2222 = vector.broadcast %neg3A_2221 : f32 to vector<1x207xf32>
    %neg3A_2223 = arith.subf %neg3A_2222, %log3A_2220 : vector<1x207xf32>
    %add3A_2224 = arith.constant 9.99999968E-21 : f32
    %add3A_2225 = vector.broadcast %add3A_2224 : f32 to vector<1x207xf32>
    %add3A_2226 = arith.addf %get3A_2209, %add3A_2225 : vector<1x207xf32>
    %log3A_2227 = math.log %add3A_2226 : vector<1x207xf32>
    %neg3A_2228 = arith.constant 0.000000e+00 : f32
    %neg3A_2229 = vector.broadcast %neg3A_2228 : f32 to vector<1x207xf32>
    %neg3A_2230 = arith.subf %neg3A_2229, %log3A_2227 : vector<1x207xf32>
    %add3A_2231 = arith.constant 9.99999968E-21 : f32
    %add3A_2232 = vector.broadcast %add3A_2231 : f32 to vector<1x207xf32>
    %add3A_2233 = arith.addf %neg3A_2230, %add3A_2232 : vector<1x207xf32>
    %log3A_2234 = math.log %add3A_2233 : vector<1x207xf32>
    %neg3A_2235 = arith.constant 0.000000e+00 : f32
    %neg3A_2236 = vector.broadcast %neg3A_2235 : f32 to vector<1x207xf32>
    %neg3A_2237 = arith.subf %neg3A_2236, %log3A_2234 : vector<1x207xf32>
    %add3A_2238 = arith.addf %reshape3A_2186, %neg3A_2223 : vector<1x207xf32>
    %mul3A_2239 = arith.constant 2.000000e+00 : f32
    %mul3A_2240 = vector.broadcast %mul3A_2239 : f32 to vector<1x207xf32>
    %mul3A_2241 = arith.mulf %add3A_2238, %mul3A_2240 : vector<1x207xf32>
    %add3A_2242 = arith.addf %reshape3A_2189, %neg3A_2237 : vector<1x207xf32>
    %mul3A_2243 = arith.constant 2.000000e+00 : f32
    %mul3A_2244 = vector.broadcast %mul3A_2243 : f32 to vector<1x207xf32>
    %mul3A_2245 = arith.mulf %add3A_2242, %mul3A_2244 : vector<1x207xf32>
    %max3A_2246 = arith.maximumf %mul3A_2241, %mul3A_2245 : vector<1x207xf32>
    %sub3A_2247 = arith.subf %mul3A_2241, %max3A_2246 : vector<1x207xf32>
    %exp3A_2248 = math.exp %sub3A_2247 : vector<1x207xf32>
    %sub3A_2249 = arith.subf %mul3A_2245, %max3A_2246 : vector<1x207xf32>
    %exp3A_2250 = math.exp %sub3A_2249 : vector<1x207xf32>
    %add3A_2251 = arith.addf %exp3A_2248, %exp3A_2250 : vector<1x207xf32>
    %div3A_2252 = arith.divf %exp3A_2248, %add3A_2251 : vector<1x207xf32>
    %ge3A_2253 = arith.cmpf oge, %mul3A_2241, %mul3A_2245 : vector<1x207xf32>
    %convert_element_type3A_2254 = arith.extui %ge3A_2253 : vector<1x207xi1> to vector<1x207xi32>
    %convert_element_type3A_2255 = arith.sitofp %convert_element_type3A_2254 : vector<1x207xi32> to vector<1x207xf32>
    %sub3A_2256 = arith.subf %convert_element_type3A_2255, %div3A_2252 : vector<1x207xf32>
    %add3A_2257 = arith.addf %sub3A_2256, %div3A_2252 : vector<1x207xf32>
    %mul3A_2258 = arith.mulf %add3A_2257, %convert_element_type3A_2197 : vector<1x207xf32>
    %swap3A_2259 = arith.constant 0 : index
    %swap3A_2260 = arith.constant 7 : index
    %swap3A_2261 = arith.constant 0 : index
    %swap3A_2262 = vector.load %arg8[%swap3A_2259, %swap3A_2260, %swap3A_2261] : memref<4x8x207xf32, #tpu.memory_space<vmem>>, vector<1x1x207xf32>
    %swap3A_2263 = vector.shape_cast %swap3A_2262 : vector<1x1x207xf32> to vector<1x207xf32>
    %swap3A_2264 = vector.shape_cast %mul3A_2258 : vector<1x207xf32> to vector<1x1x207xf32>
    tpu.vector_store %arg8[%swap3A_2259, %swap3A_2260, %swap3A_2261], %swap3A_2264 {strides = array<i32>} : memref<4x8x207xf32, #tpu.memory_space<vmem>>, vector<1x1x207xf32>,
    %get3A_2265 = arith.constant 1 : index
    %get3A_2266 = arith.constant 7 : index
    %get3A_2267 = arith.constant 0 : index
    %get3A_2268 = arith.constant 0 : index
    %get3A_2269 = vector.load %arg6[%get3A_2265, %get3A_2266, %get3A_2267, %get3A_2268] : memref<4x8x207x2xf32, #tpu.memory_space<vmem>>, vector<1x1x207x1xf32>
    %get3A_2270 = vector.shape_cast %get3A_2269 : vector<1x1x207x1xf32> to vector<1x207xf32>
    %get3A_2271 = arith.constant 1 : index
    %get3A_2272 = arith.constant 7 : index
    %get3A_2273 = arith.constant 0 : index
    %get3A_2274 = arith.constant 1 : index
    %get3A_2275 = vector.load %arg6[%get3A_2271, %get3A_2272, %get3A_2273, %get3A_2274] : memref<4x8x207x2xf32, #tpu.memory_space<vmem>>, vector<1x1x207x1xf32>
    %get3A_2276 = vector.shape_cast %get3A_2275 : vector<1x1x207x1xf32> to vector<1x207xf32>
    %add3A_2277 = arith.constant 9.99999968E-21 : f32
    %add3A_2278 = vector.broadcast %add3A_2277 : f32 to vector<1x207xf32>
    %add3A_2279 = arith.addf %get3A_2270, %add3A_2278 : vector<1x207xf32>
    %log3A_2280 = math.log %add3A_2279 : vector<1x207xf32>
    %neg3A_2281 = arith.constant 0.000000e+00 : f32
    %neg3A_2282 = vector.broadcast %neg3A_2281 : f32 to vector<1x207xf32>
    %neg3A_2283 = arith.subf %neg3A_2282, %log3A_2280 : vector<1x207xf32>
    %add3A_2284 = arith.constant 9.99999968E-21 : f32
    %add3A_2285 = vector.broadcast %add3A_2284 : f32 to vector<1x207xf32>
    %add3A_2286 = arith.addf %neg3A_2283, %add3A_2285 : vector<1x207xf32>
    %log3A_2287 = math.log %add3A_2286 : vector<1x207xf32>
    %neg3A_2288 = arith.constant 0.000000e+00 : f32
    %neg3A_2289 = vector.broadcast %neg3A_2288 : f32 to vector<1x207xf32>
    %neg3A_2290 = arith.subf %neg3A_2289, %log3A_2287 : vector<1x207xf32>
    %add3A_2291 = arith.constant 9.99999968E-21 : f32
    %add3A_2292 = vector.broadcast %add3A_2291 : f32 to vector<1x207xf32>
    %add3A_2293 = arith.addf %get3A_2276, %add3A_2292 : vector<1x207xf32>
    %log3A_2294 = math.log %add3A_2293 : vector<1x207xf32>
    %neg3A_2295 = arith.constant 0.000000e+00 : f32
    %neg3A_2296 = vector.broadcast %neg3A_2295 : f32 to vector<1x207xf32>
    %neg3A_2297 = arith.subf %neg3A_2296, %log3A_2294 : vector<1x207xf32>
    %add3A_2298 = arith.constant 9.99999968E-21 : f32
    %add3A_2299 = vector.broadcast %add3A_2298 : f32 to vector<1x207xf32>
    %add3A_2300 = arith.addf %neg3A_2297, %add3A_2299 : vector<1x207xf32>
    %log3A_2301 = math.log %add3A_2300 : vector<1x207xf32>
    %neg3A_2302 = arith.constant 0.000000e+00 : f32
    %neg3A_2303 = vector.broadcast %neg3A_2302 : f32 to vector<1x207xf32>
    %neg3A_2304 = arith.subf %neg3A_2303, %log3A_2301 : vector<1x207xf32>
    %add3A_2305 = arith.addf %reshape3A_2186, %neg3A_2290 : vector<1x207xf32>
    %mul3A_2306 = arith.constant 2.000000e+00 : f32
    %mul3A_2307 = vector.broadcast %mul3A_2306 : f32 to vector<1x207xf32>
    %mul3A_2308 = arith.mulf %add3A_2305, %mul3A_2307 : vector<1x207xf32>
    %add3A_2309 = arith.addf %reshape3A_2189, %neg3A_2304 : vector<1x207xf32>
    %mul3A_2310 = arith.constant 2.000000e+00 : f32
    %mul3A_2311 = vector.broadcast %mul3A_2310 : f32 to vector<1x207xf32>
    %mul3A_2312 = arith.mulf %add3A_2309, %mul3A_2311 : vector<1x207xf32>
    %max3A_2313 = arith.maximumf %mul3A_2308, %mul3A_2312 : vector<1x207xf32>
    %sub3A_2314 = arith.subf %mul3A_2308, %max3A_2313 : vector<1x207xf32>
    %exp3A_2315 = math.exp %sub3A_2314 : vector<1x207xf32>
    %sub3A_2316 = arith.subf %mul3A_2312, %max3A_2313 : vector<1x207xf32>
    %exp3A_2317 = math.exp %sub3A_2316 : vector<1x207xf32>
    %add3A_2318 = arith.addf %exp3A_2315, %exp3A_2317 : vector<1x207xf32>
    %div3A_2319 = arith.divf %exp3A_2315, %add3A_2318 : vector<1x207xf32>
    %ge3A_2320 = arith.cmpf oge, %mul3A_2308, %mul3A_2312 : vector<1x207xf32>
    %convert_element_type3A_2321 = arith.extui %ge3A_2320 : vector<1x207xi1> to vector<1x207xi32>
    %convert_element_type3A_2322 = arith.sitofp %convert_element_type3A_2321 : vector<1x207xi32> to vector<1x207xf32>
    %sub3A_2323 = arith.subf %convert_element_type3A_2322, %div3A_2319 : vector<1x207xf32>
    %add3A_2324 = arith.addf %sub3A_2323, %div3A_2319 : vector<1x207xf32>
    %mul3A_2325 = arith.mulf %add3A_2324, %convert_element_type3A_2197 : vector<1x207xf32>
    %swap3A_2326 = arith.constant 1 : index
    %swap3A_2327 = arith.constant 7 : index
    %swap3A_2328 = arith.constant 0 : index
    %swap3A_2329 = vector.load %arg8[%swap3A_2326, %swap3A_2327, %swap3A_2328] : memref<4x8x207xf32, #tpu.memory_space<vmem>>, vector<1x1x207xf32>
    %swap3A_2330 = vector.shape_cast %swap3A_2329 : vector<1x1x207xf32> to vector<1x207xf32>
    %swap3A_2331 = vector.shape_cast %mul3A_2325 : vector<1x207xf32> to vector<1x1x207xf32>
    tpu.vector_store %arg8[%swap3A_2326, %swap3A_2327, %swap3A_2328], %swap3A_2331 {strides = array<i32>} : memref<4x8x207xf32, #tpu.memory_space<vmem>>, vector<1x1x207xf32>,
    %get3A_2332 = arith.constant 2 : index
    %get3A_2333 = arith.constant 7 : index
    %get3A_2334 = arith.constant 0 : index
    %get3A_2335 = arith.constant 0 : index
    %get3A_2336 = vector.load %arg6[%get3A_2332, %get3A_2333, %get3A_2334, %get3A_2335] : memref<4x8x207x2xf32, #tpu.memory_space<vmem>>, vector<1x1x207x1xf32>
    %get3A_2337 = vector.shape_cast %get3A_2336 : vector<1x1x207x1xf32> to vector<1x207xf32>
    %get3A_2338 = arith.constant 2 : index
    %get3A_2339 = arith.constant 7 : index
    %get3A_2340 = arith.constant 0 : index
    %get3A_2341 = arith.constant 1 : index
    %get3A_2342 = vector.load %arg6[%get3A_2338, %get3A_2339, %get3A_2340, %get3A_2341] : memref<4x8x207x2xf32, #tpu.memory_space<vmem>>, vector<1x1x207x1xf32>
    %get3A_2343 = vector.shape_cast %get3A_2342 : vector<1x1x207x1xf32> to vector<1x207xf32>
    %add3A_2344 = arith.constant 9.99999968E-21 : f32
    %add3A_2345 = vector.broadcast %add3A_2344 : f32 to vector<1x207xf32>
    %add3A_2346 = arith.addf %get3A_2337, %add3A_2345 : vector<1x207xf32>
    %log3A_2347 = math.log %add3A_2346 : vector<1x207xf32>
    %neg3A_2348 = arith.constant 0.000000e+00 : f32
    %neg3A_2349 = vector.broadcast %neg3A_2348 : f32 to vector<1x207xf32>
    %neg3A_2350 = arith.subf %neg3A_2349, %log3A_2347 : vector<1x207xf32>
    %add3A_2351 = arith.constant 9.99999968E-21 : f32
    %add3A_2352 = vector.broadcast %add3A_2351 : f32 to vector<1x207xf32>
    %add3A_2353 = arith.addf %neg3A_2350, %add3A_2352 : vector<1x207xf32>
    %log3A_2354 = math.log %add3A_2353 : vector<1x207xf32>
    %neg3A_2355 = arith.constant 0.000000e+00 : f32
    %neg3A_2356 = vector.broadcast %neg3A_2355 : f32 to vector<1x207xf32>
    %neg3A_2357 = arith.subf %neg3A_2356, %log3A_2354 : vector<1x207xf32>
    %add3A_2358 = arith.constant 9.99999968E-21 : f32
    %add3A_2359 = vector.broadcast %add3A_2358 : f32 to vector<1x207xf32>
    %add3A_2360 = arith.addf %get3A_2343, %add3A_2359 : vector<1x207xf32>
    %log3A_2361 = math.log %add3A_2360 : vector<1x207xf32>
    %neg3A_2362 = arith.constant 0.000000e+00 : f32
    %neg3A_2363 = vector.broadcast %neg3A_2362 : f32 to vector<1x207xf32>
    %neg3A_2364 = arith.subf %neg3A_2363, %log3A_2361 : vector<1x207xf32>
    %add3A_2365 = arith.constant 9.99999968E-21 : f32
    %add3A_2366 = vector.broadcast %add3A_2365 : f32 to vector<1x207xf32>
    %add3A_2367 = arith.addf %neg3A_2364, %add3A_2366 : vector<1x207xf32>
    %log3A_2368 = math.log %add3A_2367 : vector<1x207xf32>
    %neg3A_2369 = arith.constant 0.000000e+00 : f32
    %neg3A_2370 = vector.broadcast %neg3A_2369 : f32 to vector<1x207xf32>
    %neg3A_2371 = arith.subf %neg3A_2370, %log3A_2368 : vector<1x207xf32>
    %add3A_2372 = arith.addf %reshape3A_2186, %neg3A_2357 : vector<1x207xf32>
    %mul3A_2373 = arith.constant 2.000000e+00 : f32
    %mul3A_2374 = vector.broadcast %mul3A_2373 : f32 to vector<1x207xf32>
    %mul3A_2375 = arith.mulf %add3A_2372, %mul3A_2374 : vector<1x207xf32>
    %add3A_2376 = arith.addf %reshape3A_2189, %neg3A_2371 : vector<1x207xf32>
    %mul3A_2377 = arith.constant 2.000000e+00 : f32
    %mul3A_2378 = vector.broadcast %mul3A_2377 : f32 to vector<1x207xf32>
    %mul3A_2379 = arith.mulf %add3A_2376, %mul3A_2378 : vector<1x207xf32>
    %max3A_2380 = arith.maximumf %mul3A_2375, %mul3A_2379 : vector<1x207xf32>
    %sub3A_2381 = arith.subf %mul3A_2375, %max3A_2380 : vector<1x207xf32>
    %exp3A_2382 = math.exp %sub3A_2381 : vector<1x207xf32>
    %sub3A_2383 = arith.subf %mul3A_2379, %max3A_2380 : vector<1x207xf32>
    %exp3A_2384 = math.exp %sub3A_2383 : vector<1x207xf32>
    %add3A_2385 = arith.addf %exp3A_2382, %exp3A_2384 : vector<1x207xf32>
    %div3A_2386 = arith.divf %exp3A_2382, %add3A_2385 : vector<1x207xf32>
    %ge3A_2387 = arith.cmpf oge, %mul3A_2375, %mul3A_2379 : vector<1x207xf32>
    %convert_element_type3A_2388 = arith.extui %ge3A_2387 : vector<1x207xi1> to vector<1x207xi32>
    %convert_element_type3A_2389 = arith.sitofp %convert_element_type3A_2388 : vector<1x207xi32> to vector<1x207xf32>
    %sub3A_2390 = arith.subf %convert_element_type3A_2389, %div3A_2386 : vector<1x207xf32>
    %add3A_2391 = arith.addf %sub3A_2390, %div3A_2386 : vector<1x207xf32>
    %mul3A_2392 = arith.mulf %add3A_2391, %convert_element_type3A_2197 : vector<1x207xf32>
    %swap3A_2393 = arith.constant 2 : index
    %swap3A_2394 = arith.constant 7 : index
    %swap3A_2395 = arith.constant 0 : index
    %swap3A_2396 = vector.load %arg8[%swap3A_2393, %swap3A_2394, %swap3A_2395] : memref<4x8x207xf32, #tpu.memory_space<vmem>>, vector<1x1x207xf32>
    %swap3A_2397 = vector.shape_cast %swap3A_2396 : vector<1x1x207xf32> to vector<1x207xf32>
    %swap3A_2398 = vector.shape_cast %mul3A_2392 : vector<1x207xf32> to vector<1x1x207xf32>
    tpu.vector_store %arg8[%swap3A_2393, %swap3A_2394, %swap3A_2395], %swap3A_2398 {strides = array<i32>} : memref<4x8x207xf32, #tpu.memory_space<vmem>>, vector<1x1x207xf32>,
    %get3A_2399 = arith.constant 3 : index
    %get3A_2400 = arith.constant 7 : index
    %get3A_2401 = arith.constant 0 : index
    %get3A_2402 = arith.constant 0 : index
    %get3A_2403 = vector.load %arg6[%get3A_2399, %get3A_2400, %get3A_2401, %get3A_2402] : memref<4x8x207x2xf32, #tpu.memory_space<vmem>>, vector<1x1x207x1xf32>
    %get3A_2404 = vector.shape_cast %get3A_2403 : vector<1x1x207x1xf32> to vector<1x207xf32>
    %get3A_2405 = arith.constant 3 : index
    %get3A_2406 = arith.constant 7 : index
    %get3A_2407 = arith.constant 0 : index
    %get3A_2408 = arith.constant 1 : index
    %get3A_2409 = vector.load %arg6[%get3A_2405, %get3A_2406, %get3A_2407, %get3A_2408] : memref<4x8x207x2xf32, #tpu.memory_space<vmem>>, vector<1x1x207x1xf32>
    %get3A_2410 = vector.shape_cast %get3A_2409 : vector<1x1x207x1xf32> to vector<1x207xf32>
    %add3A_2411 = arith.constant 9.99999968E-21 : f32
    %add3A_2412 = vector.broadcast %add3A_2411 : f32 to vector<1x207xf32>
    %add3A_2413 = arith.addf %get3A_2404, %add3A_2412 : vector<1x207xf32>
    %log3A_2414 = math.log %add3A_2413 : vector<1x207xf32>
    %neg3A_2415 = arith.constant 0.000000e+00 : f32
    %neg3A_2416 = vector.broadcast %neg3A_2415 : f32 to vector<1x207xf32>
    %neg3A_2417 = arith.subf %neg3A_2416, %log3A_2414 : vector<1x207xf32>
    %add3A_2418 = arith.constant 9.99999968E-21 : f32
    %add3A_2419 = vector.broadcast %add3A_2418 : f32 to vector<1x207xf32>
    %add3A_2420 = arith.addf %neg3A_2417, %add3A_2419 : vector<1x207xf32>
    %log3A_2421 = math.log %add3A_2420 : vector<1x207xf32>
    %neg3A_2422 = arith.constant 0.000000e+00 : f32
    %neg3A_2423 = vector.broadcast %neg3A_2422 : f32 to vector<1x207xf32>
    %neg3A_2424 = arith.subf %neg3A_2423, %log3A_2421 : vector<1x207xf32>
    %add3A_2425 = arith.constant 9.99999968E-21 : f32
    %add3A_2426 = vector.broadcast %add3A_2425 : f32 to vector<1x207xf32>
    %add3A_2427 = arith.addf %get3A_2410, %add3A_2426 : vector<1x207xf32>
    %log3A_2428 = math.log %add3A_2427 : vector<1x207xf32>
    %neg3A_2429 = arith.constant 0.000000e+00 : f32
    %neg3A_2430 = vector.broadcast %neg3A_2429 : f32 to vector<1x207xf32>
    %neg3A_2431 = arith.subf %neg3A_2430, %log3A_2428 : vector<1x207xf32>
    %add3A_2432 = arith.constant 9.99999968E-21 : f32
    %add3A_2433 = vector.broadcast %add3A_2432 : f32 to vector<1x207xf32>
    %add3A_2434 = arith.addf %neg3A_2431, %add3A_2433 : vector<1x207xf32>
    %log3A_2435 = math.log %add3A_2434 : vector<1x207xf32>
    %neg3A_2436 = arith.constant 0.000000e+00 : f32
    %neg3A_2437 = vector.broadcast %neg3A_2436 : f32 to vector<1x207xf32>
    %neg3A_2438 = arith.subf %neg3A_2437, %log3A_2435 : vector<1x207xf32>
    %add3A_2439 = arith.addf %reshape3A_2186, %neg3A_2424 : vector<1x207xf32>
    %mul3A_2440 = arith.constant 2.000000e+00 : f32
    %mul3A_2441 = vector.broadcast %mul3A_2440 : f32 to vector<1x207xf32>
    %mul3A_2442 = arith.mulf %add3A_2439, %mul3A_2441 : vector<1x207xf32>
    %add3A_2443 = arith.addf %reshape3A_2189, %neg3A_2438 : vector<1x207xf32>
    %mul3A_2444 = arith.constant 2.000000e+00 : f32
    %mul3A_2445 = vector.broadcast %mul3A_2444 : f32 to vector<1x207xf32>
    %mul3A_2446 = arith.mulf %add3A_2443, %mul3A_2445 : vector<1x207xf32>
    %max3A_2447 = arith.maximumf %mul3A_2442, %mul3A_2446 : vector<1x207xf32>
    %sub3A_2448 = arith.subf %mul3A_2442, %max3A_2447 : vector<1x207xf32>
    %exp3A_2449 = math.exp %sub3A_2448 : vector<1x207xf32>
    %sub3A_2450 = arith.subf %mul3A_2446, %max3A_2447 : vector<1x207xf32>
    %exp3A_2451 = math.exp %sub3A_2450 : vector<1x207xf32>
    %add3A_2452 = arith.addf %exp3A_2449, %exp3A_2451 : vector<1x207xf32>
    %div3A_2453 = arith.divf %exp3A_2449, %add3A_2452 : vector<1x207xf32>
    %ge3A_2454 = arith.cmpf oge, %mul3A_2442, %mul3A_2446 : vector<1x207xf32>
    %convert_element_type3A_2455 = arith.extui %ge3A_2454 : vector<1x207xi1> to vector<1x207xi32>
    %convert_element_type3A_2456 = arith.sitofp %convert_element_type3A_2455 : vector<1x207xi32> to vector<1x207xf32>
    %sub3A_2457 = arith.subf %convert_element_type3A_2456, %div3A_2453 : vector<1x207xf32>
    %add3A_2458 = arith.addf %sub3A_2457, %div3A_2453 : vector<1x207xf32>
    %mul3A_2459 = arith.mulf %add3A_2458, %convert_element_type3A_2197 : vector<1x207xf32>
    %swap3A_2460 = arith.constant 3 : index
    %swap3A_2461 = arith.constant 7 : index
    %swap3A_2462 = arith.constant 0 : index
    %swap3A_2463 = vector.load %arg8[%swap3A_2460, %swap3A_2461, %swap3A_2462] : memref<4x8x207xf32, #tpu.memory_space<vmem>>, vector<1x1x207xf32>
    %swap3A_2464 = vector.shape_cast %swap3A_2463 : vector<1x1x207xf32> to vector<1x207xf32>
    %swap3A_2465 = vector.shape_cast %mul3A_2459 : vector<1x207xf32> to vector<1x1x207xf32>
    tpu.vector_store %arg8[%swap3A_2460, %swap3A_2461, %swap3A_2462], %swap3A_2465 {strides = array<i32>} : memref<4x8x207xf32, #tpu.memory_space<vmem>>, vector<1x1x207xf32>,
    return
  }
  func.func @transform_0(%arg0: i32) -> (i32, i32) {
    %c0_i32 = arith.constant 0 : i32
    %c0_i32_0 = arith.constant 0 : i32
    %c0_i32_1 = arith.constant 0 : i32
    return %c0_i32, %c0_i32_0 : i32, i32
  }
  func.func @transform_1(%arg0: i32) -> (i32, i32) {
    %c0_i32 = arith.constant 0 : i32
    %c0_i32_0 = arith.constant 0 : i32
    return %arg0, %c0_i32 : i32, i32
  }
  func.func @transform_2(%arg0: i32) -> (i32, i32) {
    %c0_i32 = arith.constant 0 : i32
    %c0_i32_0 = arith.constant 0 : i32
    %c0_i32_1 = arith.constant 0 : i32
    return %c0_i32, %c0_i32_0 : i32, i32
  }
  func.func @transform_3(%arg0: i32) -> (i32, i32) {
    %c0_i32 = arith.constant 0 : i32
    %c0_i32_0 = arith.constant 0 : i32
    %c0_i32_1 = arith.constant 0 : i32
    return %c0_i32, %c0_i32_0 : i32, i32
  }
  func.func @transform_4(%arg0: i32) -> (i32, i32) {
    %c0_i32 = arith.constant 0 : i32
    %c0_i32_0 = arith.constant 0 : i32
    %c0_i32_1 = arith.constant 0 : i32
    return %c0_i32, %c0_i32_0 : i32, i32
  }
  func.func @transform_5(%arg0: i32) -> (i32, i32, i32, i32) {
    %c0_i32 = arith.constant 0 : i32
    %c0_i32_0 = arith.constant 0 : i32
    %c0_i32_1 = arith.constant 0 : i32
    %c0_i32_2 = arith.constant 0 : i32
    return %c0_i32, %arg0, %c0_i32_0, %c0_i32_1 : i32, i32, i32, i32
  }
  func.func @transform_6(%arg0: i32) -> (i32, i32, i32) {
    %c0_i32 = arith.constant 0 : i32
    %c0_i32_0 = arith.constant 0 : i32
    %c0_i32_1 = arith.constant 0 : i32
    return %arg0, %c0_i32, %c0_i32_0 : i32, i32, i32
  }
  func.func @transform_7(%arg0: i32) -> (i32, i32, i32) {
    %c0_i32 = arith.constant 0 : i32
    %c0_i32_0 = arith.constant 0 : i32
    %c0_i32_1 = arith.constant 0 : i32
    return %c0_i32, %arg0, %c0_i32_0 : i32, i32, i32
  }
}

</mosaic_0001>

<sc_bundles>
// kernel: sparse-core-data-format-call.1.cloned.1.call-start
scs
called_computation.1_lowered:
.L_overlay_start_0:
0x0: {  	s2 =	sld [smem:$0x3FD9]  }
0x1: {  	s3 =	sld [smem:$0x3FFE];
	_ =	sdelay $0x1  }
0x2: {  	s1 =	srdreg.scid  }
0x3: {  	s0 =	sand.u32 $0x1, s1  }
0x4: {  	s18 =	sshll.u32 s0, $0xA;
	s2 =	sadd.s32 s3, s2  }
0x5: {  	s2 =	sadd.s32 s2, s18  }
0x6: {  	[smem:$0x3FB4] =	sst s2  }
0x7: {  	_ = 	snop  }
0x8: {  	(tm) =	ssettm $0x1  }
0x9: {  	s19 =	sld [smem:$0x3FFB];
	_ =	sdelay $0x3  }
0xa: {  	_ =	strace s19  }
0xb: {  	s2 =	sld [smem:$0x3FFC];
	_ =	sdelay $0x3  }
0xc: {  	_ =	strace s2  }
0xd: {  	s2 =	sld [smem:$0x3FFD];
	_ =	sdelay $0x3  }
0xe: {  	_ =	strace s2  }
0xf: {  	_ =	strace $0x8FFFFFFF  }
0x10: {  	s20 =	sld [smem:$0x3FDB];
	_ =	sdelay $0x1  }
0x11: {  	s21 =	simm.s32 $_scs_section_size  }
0x12: {  	s4 =	simm.s32 $_size__tile_overlayer_lowered;
	s5 =	simm.s32 $_tile_overlayer_lowered  }
0x13: {  	s6 =	simm.s32 $0x1BFF;
	s22 =	sshll.u32 s5, $0x1;
	s3 =	sadd.s32 s21, s20  }
0x14: {  	s23 =	simm.s32 $0x0;
	s4 =	sshll.u32 s4, $0x1;
	s5 =	sadd.s32 s22, s3  }
0x15: {  	[timem:s23], [sflag:s6] =	dma.local [hbm:s5], s4  }
0x16: {  	_ =	swait.ge [sflag:s6], s4  }
0x17: {  	s4 =	ssub.s32 $0x0, s4;
	[sflag:s6] =	ssyncset.done $0x0  }
0x18: {  	[sflag:s6] =	ssyncadd.s32 s4;
	_ =	sdelay $0x1  }
0x19: {  	s24 =	simm.s32 $0x1B8B  }
0x1a: {  	_ =	swait.ge [sflag:s24], $0x1  }
0x1b: {  	[sflag:s24] =	ssyncset.done $0x0  }
0x1c: {  	[sflag:s24] =	ssyncadd.s32 $0xFFFFFFFF  }
0x1d: {  	s4 =	sld [smem:$0x0]  }
0x1e: {  	s5 =	sand.u32 $0xFFFFFFFE, s1  }
0x1f: {  	p0 =	sne.s32 s1, s5  }
0x20: {  	s5 =	sshll.u32 @p0 s5, $0xE  }
0x21: {  	s5 =	sadd.s32 @p0 $0x11B8D, s5;
	s6 =	sshll.u32 @p0 s4, $0x11  }
0x22: {  	s5 =	sor.u32 @p0 s6, s5  }
0x23: {  	[sflag:s5] =	ssyncadd.remote.s32 @p0 $0x1;
	_ =	sdelay $0x1  }
0x24: {  	s5 =	simm.s32 @p0 $0x1B8D  }
0x25: {  	_ =	swait.eq @p0 [sflag:s5], $0x1  }
0x26: {  	[sflag:s5] =	ssyncadd.s32 @p0 $0xFFFFFFFF  }
0x27: {  	s6 =	sshll.u32 @!p0 s1, $0xE  }
0x28: {  	s6 =	sor.u32 @!p0 $0x4000, s6;
	s5 =	simm.s32 @!p0 $0x1B8D  }
0x29: {  	s4 =	sshll.u32 @!p0 s4, $0x11;
	s6 =	sadd.s32 @!p0 $0x11B8D, s6;
	_ =	swait.eq @!p0 [sflag:s5], $0x1  }
0x2a: {  	s4 =	sor.u32 @!p0 s4, s6;
	[sflag:s5] =	ssyncadd.s32 @!p0 $0xFFFFFFFF  }
0x2b: {  	s26 =	simm.s32 $0x1B8E;
	s25 =	sld [smem:$0x3FFE];
	[sflag:s4] =	ssyncadd.remote.s32 @!p0 $0x1  }
0x2c: {  	s27 =	simm.s32 $execute0_lowered;
	[smem:$0x3FD2] =	sst s26  }
0x2d: {  	s5 =	sshll.u32 s27, $0x1;
	_ =	strace $0x80000049;
	[dreg:$0x1] =	wrdreg $0xFFFFFFFF  }
0x2e: {  	s28 =	simm.s32 $_size_execute0_lowered;
	s3 =	sadd.s32 s3, s5;
	[dreg:$0x0] =	wrdreg $0x0  }
0x2f: {  	s5 =	sshll.u32 s28, $0x1;
	[dreg:$0x2] =	wrdreg s3  }
0x30: {  	[dreg:$0x3] =	wrdreg s5  }
0x31: {  	[dreg:$0x4] =	wrdreg $0xC0  }
0x32: {  	_ =	task [dreg:s23], $0x5FFFF  }
0x33: {  	[dreg:$0x1] =	wrdreg $0xFFFFFFFF  }
0x34: {  	[dreg:$0x0] =	wrdreg $0x60  }
0x35: {  	[dreg:$0x2] =	wrdreg s25  }
0x36: {  	[dreg:$0x3] =	wrdreg $0xA  }
0x37: {  	_ =	task.clear_ibuf [dreg:s23], $0x4FFFF;
	_ =	strace $0x90000049  }
0x38: {  	s29 =	simm.s32 $0xA;
	_ =	strace $0x8000004B  }
0x39: {  	_ =	swait.ge [sflag:s29], $0x1  }
0x3a: {  	[sflag:s29] =	ssyncadd.s32 $0xFFFFFFFF  }
0x3b: {  	_ =	strace $0x9000004B  }
0x3c: {  	_ =	sfence  }
0x3d: {  	s30 =	sld [smem:$0x0];
	_ =	sdelay $0x2  }
0x3e: {  	s31 =	sshll.u32 s1, $0xD;
	s1 =	sshrl.u32 s1, $0x2  }
0x3f: {  	s4 =	sand.u32 $0x4000, s31;
	s1 =	sadd.s32 s1, s30  }
0x40: {  	s0 =	sor.u32 s4, s0;
	s1 =	sshll.u32 s1, $0x11  }
0x41: {  	s0 =	sor.u32 s1, s0  }
0x42: {  	s0 =	sadd.s32 $0x8F2B, s0  }
0x43: {  	[sflag:s0] =	ssyncadd.remote.s32 $0x1  }
0x44: {  	_ =	sfence.sel $0xFFFF  }
0x45: {  	[dreg:$0x0] =	wrdreg $0xFFFFFFFF;
	(pc) =	sbr.abs _section_cstart, $3  }
0x46: {  	[dreg:$0x1] =	wrdreg $0xFFFFFFFF  }
0x47: {  	_ =	task.clear_ibuf [dreg:s23], $0x2FFFF;
	_ =	strace $0x9FFFFFFF  }
0x48: {  	(tm) =	ssettm $0x7FFFFFFF  }
0x49: {  	_ =	shalt  }
tec
execute0_lowered:
.L_overlay_start_1:
0x0: {  	(tag) =	ssettag $0x1  }
0x1: {  	s4 =	rddreg [dreg:$0x0];
	s2 =	srdreg.scid  }
0x2: {  	s0 =	rddreg [dreg:$0x1];
	s1 =	stileid.u32  }
0x3: {  	_ =	strace $0x8000004A;
	s31 =	simm.s32 $0x2;
	s15 =	simm.s32 $0x0  }
0x4: {  	s10 =	simm.s32 $0x2F000;
	s16 =	simm.s32 $0x0;
	s11 =	simm.s32 $0x0  }
0x5: {  	s17 =	simm.s32 $0x0;
	s12 =	simm.s32 $0x0;
	s14 =	simm.s32 $0x0  }
0x6: {  	s2 =	sshll.u32 s2, $0x7;
	s7 =	sshll.u32 s1, $0x7;
	s3 =	sshll.u32 s1, $0x8  }
0x7: {  	s2 =	sand.u32 $0x80, s2;
	s5 =	sand.u32 $0x800, s3;
	s3 =	sand.u32 $0xE, s1  }
0x8: {  	s29 =	sand.u32 $0x300, s7;
	s6 =	sshll.u32 s2, $0x3;
	s8 =	ssub.s32 $0x10, s3  }
0x9: {  	s7 =	sand.u32 $0x80, s7;
	s5 =	sor.u32 s5, s6;
	s30 =	sand.u32 $0xE, s8  }
0xa: {  	s6 =	simm.s32 $0x1;
	s8 =	sshrl.u32 s8, $0x4;
	p0 =	sne.s32 s30, $0x0  }
.Ltmp0:
0xb: {  	s5 =	sor.u32 s29, s5;
	s6 =	simm.s32 @!p0 $0x0;
	(pc) =	sbr.rel .LBB1_1-.Ltmp0, $4  }
0xc: {  	s13 =	smov.u32 s7;
	s5 =	sshrl.u32 s5, $0x4;
	s6 =	sadd.s32 s6, s8  }
0xd: {  	s9 =	sadd.s32 s5, s4;
	s5 =	simm.s32 $0x1;
	s6 =	smul.u32 $0x5E, s6  }
0xe: {  	p0 =	por $0x0, $0x0;
	s4 =	sadd.s32 $0x775800, s4;
	[sflag:s5] =	ssyncpa.u1 $0x0  }
0xf: {  	s8 =	sadd.s32 $0x19B400, s9;
	[sflag:s31] =	ssyncpa.u1 $0x0;
	s9 =	sor.u32 $0x1, s6  }
.LBB1_7:
0x10: {  	s19 =	smul.u32 $0x8100, s21  }
0x11: {  	s20 =	sshrl.u32 s17, $0x3;
	s22 =	sshll.u32 s12, $0x3;
	s23 =	sshll.u32 s17, $0x7  }
0x12: {  	p1 =	sgt.s32 s12, $0x5D80;
	s24 =	sshll.u32 s12, $0x1;
	s20 =	smul.u32 $0x2F000, s20  }
0x13: {  	s27 =	smul.u32 $0x5E00, s11;
	s21 =	sand.u32 $0xFFFFFC00, s22;
	s22 =	smov.u32 s12  }
0x14: {  	s17 =	sand.u32 $0x300, s23;
	s22 =	simm.s32 @!p1 $0x5D80;
	s20 =	sadd.s32 s21, s20  }
0x15: {  	p1 =	sgt.s32 s11, $0x4F;
	s17 =	sor.u32 s17, s20;
	s20 =	sand.u32 $0xFE, s24  }
0x16: {  	s18 =	sadd.s32 s18, s22;
	s21 =	smov.u32 s11;
	s20 =	sor.u32 s20, s17  }
0x17: {  	s22 =	sadd.s32 $0xFFFFA280, s18;
	s21 =	simm.s32 @!p1 $0x4F;
	s25 =	smulhi.u32 $0xAE4C415D, s20  }
0x18: {  	s18 =	ssub.s32 $0x5E00, s18;
	s21 =	sshll.u32 s21, $0x1;
	s17 =	smulhi.u32 $0xAE4C415D, s17  }
0x19: {  	p1 =	sgt.s32 s22, $0x7F;
	s21 =	ssub.s32 $0x19E, s21;
	s22 =	sshrl.u32 s25, $0xE  }
0x1a: {  	s18 =	simm.s32 @p1 $0x0;
	s17 =	sshrl.u32 s17, $0xE;
	s26 =	smul.u32 $0x5E00, s22  }
0x1b: {  	s19 =	sshrl.u32 s19, $0x1;
	s18 =	smul.u32 s18, s21;
	s17 =	sand.u32 $0xF, s17  }
0x1c: {  	s28 =	sadd.s32 s4, s27;
	s17 =	smul.u32 $0x5E0, s17;
	s20 =	ssub.s32 s20, s26  }
0x1d: {  	s19 =	sor.u32 $0x8000, s19;
	s18 =	sshrl.u32 s18, $0x1;
	s29 =	sshll.u32 s20, $0x11  }
0x1e: {  	s17 =	sadd.s32 s17, s28;
	s20 =	sshrl.u32 s20, $0x4;
	s30 =	sand.u32 $0x1C0000, s29  }
0x1f: {  	s18 =	sand.u32 $0x3FFFFFFF, s18;
	s17 =	sadd.s32 s20, s17;
	s31 =	sor.u32 $0x80, s30  }
0x20: {  	[hbm4b:s17+s31] =	stream.strided.scatter [tilespmem:s19], [sflag:$0x2], s18, s10, s31, $0x20;
	[tilespmem:$0x10100] =	vst v63  }
.LBB1_8:
0x21: {  	p1 =	slt.u32 s14, $0x2  }
0x22: {  	p2 =	sgt.s32 @!p1 s16, $0x5D80  }
0x23: {  	s17 =	smov.u32 s16;
	s18 =	sshra.s32 @!p1 s16, $0x1F;
	p2 =	por !p2, p1  }
0x24: {  	s16 =	sand.u32 @!p1 s18, s16;
	s17 =	simm.s32 @p2 $0x5D80  }
0x25: {  	p2 =	sgt.s32 @!p1 s15, $0x4F;
	s16 =	ssub.s32 @!p1 s17, s16  }
0x26: {  	p2 =	por !p2, p1;
	s17 =	sadd.s32 @!p1 $0xFFFFA280, s16  }
0x27: {  	s15 =	simm.s32 @p2 $0x4F;
	p2 =	sgt.s32 @!p1 s17, $0x7F  }
0x28: {  	s16 =	ssub.s32 @!p1 $0x5E00, s16;
	s15 =	sshll.u32 @!p1 s15, $0x1;
	p2 =	por !p2, p1  }
0x29: {  	s18 =	sadd.s32 $0x100, s13;
	s15 =	ssub.s32 @!p1 $0x19E, s15;
	s16 =	simm.s32 @!p2 $0x0  }
0x2a: {  	s20 =	sadd.s32 $0x1, s14;
	p2 =	sgt.s32 s18, $0x5DA3;
	s15 =	smul.u32 @!p1 s15, s16  }
0x2b: {  	p0 =	por !p0, !p0;
	s18 =	smov.u32 @p2 s7;
	p2 =	sne.s32 s14, s9  }
.Ltmp1:
0x2c: {  	s17 =	simm.s32 @!p1 $0x2;
	s15 =	sshrl.u32 @!p1 s15, $0x1;
	(pc) =	sbr.rel @!p2 .LBB1_9-.Ltmp1, $4  }
0x2d: {  	s16 =	smov.u32 s12;
	s12 =	smov.u32 s13;
	s15 =	sand.u32 @!p1 $0x3FFFFFFF, s15  }
0x2e: {  	s14 =	smov.u32 s20;
	s13 =	smov.u32 s18;
	_ =	swait.ge @!p1 [sflag:s17], s15  }
0x2f: {  	s19 =	ssub.s32 @!p1 $0x0, s15;
	s15 =	smov.u32 s11;
	[sflag:s17] =	ssyncset.done @!p1 $0x0  }
0x30: {  	s11 =	smov.u32 s2;
	[sflag:s17] =	ssyncadd.s32 @!p1 s19;
	s17 =	smov.u32 s3  }
.LBB1_1:
0x31: {  	p1 =	sge.u32 s14, s6  }
0x32: {  	p2 =	sgt.s32 @!p1 s13, $0x5D24  }
0x33: {  	s18 =	smov.u32 s13;
	s19 =	sshra.s32 @!p1 s13, $0x1F;
	p2 =	por !p2, p1  }
0x34: {  	s19 =	sand.u32 @!p1 s19, s13;
	s18 =	simm.s32 @p2 $0x5D24  }
0x35: {  	s18 =	ssub.s32 @!p1 s18, s19  }
0x36: {  	s18 =	sadd.s32 @!p1 $0xFFFFA2DC, s18  }
0x37: {  	s31 =	sadd.s32 $0xFFFFFFFF, s14;
	s20 =	sxor.u32 @!p1 $0xFFFFFFFF, s14;
	s19 =	sshll.u32 @!p1 s18, $0x8  }
0x38: {  	s21 =	simm.s32 @!p1 $0x80;
	s22 =	simm.s32 @!p1 $0x800;
	s19 =	ssub.s32 @!p1 $0x8000, s19  }
0x39: {  	s20 =	sshll.u32 @!p1 s20, $0xE;
	p2 =	sgt.s32 @!p1 s18, $0x7F;
	s18 =	sshrl.u32 @!p1 s19, $0x1  }
0x3a: {  	p2 =	por !p2, p1;
	s19 =	sshll.u32 @!p1 s13, $0x8;
	s18 =	sand.u32 @!p1 $0x3FFFFF80, s18  }
0x3b: {  	s20 =	sand.u32 @!p1 $0x4000, s20;
	s19 =	sadd.s32 @!p1 s19, s8;
	s18 =	simm.s32 @!p2 $0x0  }
0x3c: {  	[tilespmem:s20], [sflag:$0x1] =	stream.strided.gather @!p1 [hbm4b:s19+s21], s18, s22, s21, $0x38;
	[tilespmem:$0x10100] =	vst v63  }
0x3d: {  	p1 =	sge.u32 s31, s6  }
.Ltmp2:
0x3e: {  	_ = 	snop;
	(pc) =	sbr.rel @p1 .LBB1_8-.Ltmp2, $1  }
0x3f: {  	_ =	sdelay $0x3  }
0x40: {  	s18 =	ssub.s32 $0x0, s12  }
0x41: {  	s19 =	sshra.s32 s12, $0x1F;
	p1 =	sgt.s32 s12, $0x5D24;
	s20 =	smov.u32 s12  }
0x42: {  	s18 =	sand.u32 s18, s19;
	s20 =	simm.s32 @!p1 $0x5D24  }
0x43: {  	s19 =	sadd.s32 s18, s20  }
0x44: {  	p2 =	slt.s32 s11, $0x4F;
	s21 =	smov.u32 s11;
	s19 =	sadd.s32 $0xFFFFA2DC, s19  }
0x45: {  	s20 =	sadd.s32 $0x80, s12;
	p1 =	sgt.s32 s19, $0x7F;
	s19 =	sshll.u32 s19, $0x8  }
0x46: {  	s21 =	simm.s32 @!p2 $0x4F;
	p2 =	slt.s32 s20, $0x5DA4;
	s19 =	ssub.s32 $0x8000, s19  }
0x47: {  	s21 =	ssub.s32 s21, s11;
	s20 =	simm.s32 @!p2 $0x5DA4;
	s19 =	sshrl.u32 s19, $0x1  }
0x48: {  	s30 =	sadd.s32 $0x8F, s21;
	s22 =	sand.u32 $0x3FFFFF80, s19;
	s19 =	ssub.s32 s20, s12  }
0x49: {  	s20 =	sand.u32 $0xFFFFFFD0, s30;
	s22 =	simm.s32 @p1 $0x0;
	p1 =	slt.s32 s19, $0x1  }
0x4a: {  	p2 =	slt.s32 @!p1 s20, $0x1  }
0x4b: {  	p2 =	por p1, p2  }
.Ltmp3:
0x4c: {  	_ = 	snop;
	(pc) =	sbr.rel @p2 .LBB1_7-.Ltmp3, $4  }
0x4d: {  	_ = 	snop  }
0x4e: {  	_ =	swait.ge [sflag:s5], s22  }
0x4f: {  	s31 =	ssub.s32 $0x0, s22;
	[sflag:s5] =	ssyncset.done $0x0  }
0x50: {  	s21 =	sand.u32 $0x1, s14;
	[sflag:s5] =	ssyncadd.s32 s31  }
0x51: {  	s22 =	simm.s32 $0x1  }
0x52: {  	s22 =	simm.s32 @!p0 $0x0  }
0x53: {  	s23 =	smul.u32 $0x10200, s22;
	_ =	sdelay $0x1  }
0x54: {  	s24 =	simm.s32 $0x0;
	s23 =	sshrl.u32 s23, $0x2  }
0x55: {  	s25 =	simm.s32 $0x0;
	s22 =	sshll.u32 @!p1 s21, $0xE;
	s23 =	sor.u32 $0x8000, s23  }
.LBB1_4:
0x56: {  	s26 =	sshll.u32 s25, $0x9  }
0x57: {  	s26 =	sshra.s32 s26, $0x2  }
0x58: {  	s28 =	sadd.s32 s26, s22  }
0x59: {  	v0 =	vmov s28;
	_ =	sdelay $0x1  }
0x5a: {  	s27 =	sand.u32 $0x7F, s24  }
0x5b: {  	s26 =	sadd.s32 s27, s23;
	s27 =	simm.s32 $0x0  }
.LBB1_5:
0x5c: {  	s28 =	sand.u32 $0x70, s27;
	s27 =	sadd.s32 $0x10, s27  }
0x5d: {  	v1 =	vld.idx.msk [tilespmem:v0+s28+$0x0 ss:$0x1], $0xffff;
	p1 =	slt.u32 s27, s20  }
.Ltmp4:
0x5e: {  	_ = 	snop;
	(pc) =	sbr.rel @p1 .LBB1_5-.Ltmp4, $2  }
0x5f: {  	_ =	sdelay $0x2  }
0x60: {  	[tilespmem:s26+$0x0 ss:$0x81] =	vst.msk $0xffff, v1;
	s26 =	sadd.s32 $0x810, s26  }
0x61: {  	s25 =	sadd.s32 $0x1, s25  }
0x62: {  	p1 =	sne.s32 s25, s19  }
.Ltmp5:
0x63: {  	_ = 	snop;
	(pc) =	sbr.rel @p1 .LBB1_4-.Ltmp5, $4  }
.Ltmp6:
0x64: {  	_ = 	snop;
	(pc) =	sbr.rel @!p1 .LBB1_7-.Ltmp6, $4  }
0x65: {  	_ = 	snop  }
0x66: {  	_ = 	snop  }
0x67: {  	s24 =	sadd.s32 $0x1, s24  }
0x68: {  	_ = 	snop  }
.LBB1_9:
0x69: {  	_ =	sfence.sel $0x180000  }
0x6a: {  	s2 =	simm.s32 $0x1;
	[bflag:$0x0] =	sbarrier.arrive $0xFFFF  }
0x6b: {  	s31 =	simm.s32 $0x2;
	[sflag:s2] =	ssyncpa.u1 $0x1  }
0x6c: {  	[sflag:s31] =	ssyncpa.u1 $0x1  }
0x6d: {  	p0 =	sne.s32 s1, $0x0;
	_ =	strace $0x9000004A  }
0x6e: {  	s0 =	sadd.s32 @!p0 $0x100000, s0;
	[bflag:$0x2] =	sbarrier.arrive $0xFFFF  }
0x6f: {  	[sflag:s0] =	ssyncadd.tile.s32 @!p0 $0x1;
	_ =	shalt  }
.Lfunc_end1:
_tile_overlayer_lowered:
.L_overlay_start_2:
0x70: {  	(tag) =	ssettag $0x2  }
0x71: {  	s0 =	rddreg [dreg:$0x0];
	s2 =	stileid.u32  }
0x72: {  	s1 =	rddreg [dreg:$0x1];
	p0 =	sne.s32 s2, $0x0  }
0x73: {  	s3 =	rddreg [dreg:$0x2];
	[bflag:$0x3] =	sbarrier.arrive $0xFFFF;
	s2 =	simm.s32 @!p0 $0x1C01  }
0x74: {  	[timem:s3], [sflag:s2] =	dma.local @!p0 [hbm:s0], s1  }
0x75: {  	s0 =	simm.s32 @!p0 $0x1  }
0x76: {  	_ =	swait.ge @!p0 [sflag:s0], s1  }
0x77: {  	s1 =	ssub.s32 @!p0 $0x0, s1;
	[sflag:s0] =	ssyncset.done @!p0 $0x0  }
0x78: {  	[sflag:s0] =	ssyncadd.s32 @!p0 s1  }
0x79: {  	[bflag:$0x3] =	sbarrier.arrive $0xFFFF  }
0x7a: {  	_ =	shalt  }

// kernel: sparse-core-data-format-call.cloned.1.call-start
scs
called_computation_lowered:
.L_overlay_start_0:
0x0: {  	s2 =	sld [smem:$0x3FD9]  }
0x1: {  	s3 =	sld [smem:$0x3FFE];
	_ =	sdelay $0x1  }
0x2: {  	s1 =	srdreg.scid  }
0x3: {  	s0 =	sand.u32 $0x1, s1  }
0x4: {  	s15 =	sshll.u32 s0, $0xA;
	s2 =	sadd.s32 s3, s2  }
0x5: {  	s2 =	sadd.s32 s2, s15  }
0x6: {  	[smem:$0x3FB4] =	sst s2  }
0x7: {  	_ = 	snop  }
0x8: {  	s2 =	sld [smem:$0x3FD0];
	_ =	sdelay $0x2  }
0x9: {  	s16 =	simm.s32 $0xB;
	s4 =	simm.s32 $0x10  }
0xa: {  	[smem:s4], [sflag:s16] =	dma.local [hbm:s2], $0x1  }
0xb: {  	_ =	swait.eq [sflag:s16], $0x1  }
0xc: {  	[sflag:s16] =	ssyncset.done $0x0  }
0xd: {  	[sflag:s16] =	ssyncadd.s32 $0xFFFFFFFF  }
0xe: {  	s17 =	sld [smem:$0x11];
	(tm) =	ssettm $0x1  }
0xf: {  	s18 =	sld [smem:$0x3FFB];
	_ =	sdelay $0x3  }
0x10: {  	_ =	strace s18  }
0x11: {  	s3 =	sld [smem:$0x3FFC];
	_ =	sdelay $0x3  }
0x12: {  	_ =	strace s3  }
0x13: {  	s3 =	sld [smem:$0x3FFD];
	_ =	sdelay $0x3  }
0x14: {  	_ =	strace s3  }
0x15: {  	_ =	strace $0x8FFFFFFF  }
0x16: {  	s19 =	sld [smem:$0x3FDB];
	_ =	sdelay $0x1  }
0x17: {  	s20 =	simm.s32 $_scs_section_size  }
0x18: {  	s5 =	simm.s32 $_size__tile_overlayer_lowered;
	s6 =	simm.s32 $_tile_overlayer_lowered  }
0x19: {  	s23 =	simm.s32 $0x1BFF;
	s22 =	sshll.u32 s6, $0x1;
	s3 =	sadd.s32 s20, s19  }
0x1a: {  	s7 =	simm.s32 $0x0;
	s21 =	sshll.u32 s5, $0x1;
	s5 =	sadd.s32 s22, s3  }
0x1b: {  	[timem:s7], [sflag:s23] =	dma.local [hbm:s5], s21  }
0x1c: {  	_ =	swait.ge [sflag:s23], s21  }
0x1d: {  	s4 =	ssub.s32 $0x0, s21;
	[sflag:s23] =	ssyncset.done $0x0  }
0x1e: {  	[sflag:s23] =	ssyncadd.s32 s4;
	_ =	sdelay $0x1  }
0x1f: {  	s24 =	simm.s32 $0x1B8B  }
0x20: {  	_ =	swait.ge [sflag:s24], $0x1  }
0x21: {  	[sflag:s24] =	ssyncset.done $0x0  }
0x22: {  	s26 =	simm.s32 $0x1B8E;
	s25 =	sld [smem:$0x3FFE];
	[sflag:s24] =	ssyncadd.s32 $0xFFFFFFFF  }
0x23: {  	s27 =	simm.s32 $execute0_lowered;
	[smem:$0x3FD2] =	sst s26  }
0x24: {  	s5 =	sshll.u32 s27, $0x1;
	_ =	strace $0x80000046;
	[dreg:$0x1] =	wrdreg $0xFFFFFFFF  }
0x25: {  	s28 =	simm.s32 $_size_execute0_lowered;
	s3 =	sadd.s32 s3, s5;
	[dreg:$0x0] =	wrdreg $0x0  }
0x26: {  	s5 =	sshll.u32 s28, $0x1;
	[dreg:$0x2] =	wrdreg s3  }
0x27: {  	[dreg:$0x3] =	wrdreg s5  }
0x28: {  	[dreg:$0x4] =	wrdreg $0xC0  }
0x29: {  	_ =	task [dreg:s7], $0x5FFFF  }
0x2a: {  	[dreg:$0x1] =	wrdreg $0xFFFFFFFF  }
0x2b: {  	[dreg:$0x0] =	wrdreg $0x60  }
0x2c: {  	[dreg:$0x2] =	wrdreg s17  }
0x2d: {  	[dreg:$0x3] =	wrdreg s25  }
0x2e: {  	[dreg:$0x4] =	wrdreg $0x9  }
0x2f: {  	_ =	task.clear_ibuf [dreg:s7], $0x5FFFF;
	_ =	strace $0x90000046  }
0x30: {  	s29 =	simm.s32 $0x9;
	_ =	strace $0x80000048  }
0x31: {  	_ =	swait.ge [sflag:s29], $0x1  }
0x32: {  	[sflag:s29] =	ssyncadd.s32 $0xFFFFFFFF  }
0x33: {  	_ =	strace $0x90000048  }
0x34: {  	_ =	sfence  }
0x35: {  	s30 =	sld [smem:$0x0];
	_ =	sdelay $0x2  }
0x36: {  	s31 =	sshll.u32 s1, $0xD;
	s1 =	sshrl.u32 s1, $0x2  }
0x37: {  	s3 =	sand.u32 $0x4000, s31;
	s1 =	sadd.s32 s1, s30  }
0x38: {  	s0 =	sor.u32 s3, s0;
	s1 =	sshll.u32 s1, $0x11  }
0x39: {  	s0 =	sor.u32 s1, s0  }
0x3a: {  	s0 =	sadd.s32 $0x8F2B, s0  }
0x3b: {  	[sflag:s0] =	ssyncadd.remote.s32 $0x1  }
0x3c: {  	_ =	sfence.sel $0xFFFF  }
0x3d: {  	[dreg:$0x0] =	wrdreg $0xFFFFFFFF;
	(pc) =	sbr.abs _section_cstart, $3  }
0x3e: {  	[dreg:$0x1] =	wrdreg $0xFFFFFFFF  }
0x3f: {  	_ =	task.clear_ibuf [dreg:s7], $0x2FFFF;
	_ =	strace $0x9FFFFFFF  }
0x40: {  	(tm) =	ssettm $0x7FFFFFFF  }
0x41: {  	_ =	shalt  }
tec
execute0_lowered:
.L_overlay_start_1:
0x0: {  	(tag) =	ssettag $0x1  }
0x1: {  	s2 =	rddreg [dreg:$0x0]  }
0x2: {  	s4 =	rddreg [dreg:$0x1]  }
0x3: {  	s1 =	stileid.u32;
	s0 =	rddreg [dreg:$0x2]  }
0x4: {  	_ =	strace $0x80000047;
	s6 =	srdreg.scid;
	s9 =	simm.s32 $0x1  }
0x5: {  	s10 =	simm.s32 $0x2;
	s18 =	simm.s32 $0x0;
	s11 =	simm.s32 $0x1F800  }
0x6: {  	s19 =	simm.s32 $0x0;
	s20 =	simm.s32 $0x0;
	s12 =	simm.s32 $0x0  }
0x7: {  	s13 =	simm.s32 $0x0;
	s14 =	simm.s32 $0x0;
	s3 =	sshll.u32 s1, $0x5  }
0x8: {  	s17 =	simm.s32 $0x0;
	s4 =	sadd.s32 $0x1C00, s4;
	s3 =	sand.u32 $0x180, s3  }
0x9: {  	s5 =	sand.u32 $0x3, s1;
	s6 =	sshll.u32 s6, $0x7;
	s8 =	ssub.s32 $0x3F00, s3  }
.Ltmp0:
0xa: {  	s6 =	sand.u32 $0x80, s6;
	s7 =	sand.u32 $0x180, s8;
	(pc) =	sbr.rel .LBB1_1-.Ltmp0, $4  }
0xb: {  	s16 =	smov.u32 s5;
	s15 =	smov.u32 s3;
	p0 =	sne.s32 s7, $0x0  }
0xc: {  	s8 =	sshrl.u32 s8, $0x9;
	s7 =	simm.s32 $0x1;
	s9 =	simm.s32 @!p0 $0x0  }
0xd: {  	[sflag:s7] =	ssyncpa.u1 $0x0;
	p0 =	por $0x0, $0x0;
	s8 =	sadd.s32 s9, s8  }
0xe: {  	[sflag:s10] =	ssyncpa.u1 $0x0;
	s9 =	sshll.u32 s6, $0x3;
	s10 =	sadd.s32 $0x1, s8  }
.LBB1_4:
0xf: {  	s26 =	sshrl.u32 s12, $0x3  }
0x10: {  	s27 =	sshll.u32 s13, $0x3;
	p1 =	sgt.s32 s14, $0x3;
	s28 =	sshra.s32 s14, $0x1F  }
0x11: {  	s25 =	sshra.s32 s25, $0x2;
	s30 =	sand.u32 $0x7F, s13;
	s26 =	smul.u32 $0x1F800, s26  }
0x12: {  	p2 =	sgt.s32 s12, $0x50;
	p3 =	sgt.s32 s13, $0x3E80;
	s27 =	sand.u32 $0xFFFFFC00, s27  }
0x13: {  	s31 =	sshra.s32 s13, $0x1F;
	s28 =	sand.u32 s28, s14;
	s26 =	sadd.s32 s27, s26  }
0x14: {  	v5 =	vld [tilespmem:s22+$0xFFFFFFD0];
	s24 =	sadd.s32 s25, s24;
	s27 =	smov.u32 s14;
	s29 =	sshrl.u32 s26, $0x8  }
0x15: {  	[tilespmem:s23+$0x2040 ss:$0x81] =	vst.msk $0xffff, v4;
	v58 =	vld [tilespmem:s22+$0xFFFFFFE0];
	s31 =	sand.u32 s31, s13;
	s27 =	simm.s32 @!p1 $0x3;
	s29 =	smulhi.u32 $0x4104105, s29  }
0x16: {  	[tilespmem:s23+$0x2850 ss:$0x81] =	vst.msk $0xffff, v3;
	v59 =	vld [tilespmem:s22+$0xFFFFFFF0];
	s25 =	sor.u32 s30, s26;
	s30 =	smov.u32 s13;
	s27 =	ssub.s32 s27, s28  }
0x17: {  	[tilespmem:s23+$0x3060 ss:$0x81] =	vst.msk $0xffff, v2;
	s30 =	simm.s32 @!p3 $0x3E80;
	s28 =	sadd.s32 $0xFFFFFFFD, s27;
	s26 =	smulhi.u32 $0x13B13B2, s29  }
0x18: {  	[tilespmem:s23+$0x0 ss:$0x81] =	vst.msk $0xffff, v1;
	v60 =	vld [tilespmem:s22+$0x0];
	s27 =	ssub.s32 $0x4, s27;
	s23 =	ssub.s32 s30, s31;
	s31 =	smul.u32 $0x66600, s14  }
0x19: {  	v61 =	vld [tilespmem:s22+$0x10];
	[tilespmem:s24+$0x3870 ss:$0x81] =	vst.msk $0xffff, v0;
	p1 =	sgt.s32 s28, $0x0;
	s28 =	smov.u32 s12;
	s26 =	smul.u32 $0xD0, s26  }
0x1a: {  	v62 =	vld [tilespmem:s22+$0x20];
	[tilespmem:s24+$0x810 ss:$0x81] =	vst.msk $0xffff, v5;
	s30 =	smul.u32 $0x3F00, s29;
	s28 =	simm.s32 @!p2 $0x50;
	s27 =	simm.s32 @p1 $0x0  }
0x1b: {  	v63 =	vld [tilespmem:s22+$0xFFFFFFC0];
	[tilespmem:s24+$0x1020 ss:$0x81] =	vst.msk $0xffff, v58;
	s28 =	ssub.s32 $0xD0, s28;
	s26 =	ssub.s32 s29, s26;
	s29 =	sadd.s32 $0xFFFFC180, s23  }
0x1c: {  	[tilespmem:s24+$0x1830 ss:$0x81] =	vst.msk $0xffff, v59;
	s28 =	smul.u32 s28, s27;
	s23 =	ssub.s32 $0x3F00, s23;
	p1 =	sgt.s32 s29, $0x7F  }
0x1d: {  	[tilespmem:s24+$0x2040 ss:$0x81] =	vst.msk $0xffff, v60;
	s25 =	ssub.s32 s25, s30;
	s22 =	smul.u32 $0x7E0, s26;
	s23 =	simm.s32 @p1 $0x0  }
0x1e: {  	[tilespmem:s24+$0x2850 ss:$0x81] =	vst.msk $0xffff, v61;
	s29 =	sand.u32 $0x7, s25;
	s23 =	smul.u32 s23, s28;
	s28 =	sadd.s32 s4, s31  }
0x1f: {  	[tilespmem:s24+$0x3060 ss:$0x81] =	vst.msk $0xffff, v62;
	s25 =	sshrl.u32 s25, $0x3;
	s30 =	sshll.u32 s29, $0x12;
	s22 =	sadd.s32 s22, s28  }
0x20: {  	[tilespmem:s24+$0x0 ss:$0x81] =	vst.msk $0xffff, v63;
	s31 =	sor.u32 $0x400, s30;
	s23 =	sand.u32 $0x3FFFFFFF, s23;
	s22 =	sadd.s32 s25, s22  }
0x21: {  	[hbm4b:s22+s31] =	stream.strided.scatter [tilespmem:s21], [sflag:$0x2], s23, s11, s31, $0x20;
	[tilespmem:$0x10100] =	vst v63  }
.LBB1_5:
0x22: {  	p1 =	slt.u32 s17, $0x2  }
0x23: {  	p2 =	sgt.s32 @!p1 s20, $0x3  }
0x24: {  	s21 =	smov.u32 s20;
	s22 =	sshra.s32 @!p1 s20, $0x1F;
	p2 =	por !p2, p1  }
0x25: {  	s20 =	sand.u32 @!p1 s22, s20;
	s21 =	simm.s32 @p2 $0x3;
	p2 =	sgt.s32 @!p1 s19, $0x3E80  }
0x26: {  	s20 =	ssub.s32 @!p1 s21, s20;
	p2 =	por !p2, p1;
	s21 =	smov.u32 s19  }
0x27: {  	s22 =	sshra.s32 @!p1 s19, $0x1F;
	s21 =	simm.s32 @p2 $0x3E80;
	p2 =	sgt.s32 @!p1 s18, $0x50  }
0x28: {  	s19 =	sand.u32 @!p1 s22, s19;
	s22 =	sadd.s32 @!p1 $0xFFFFFFFD, s20;
	p2 =	por !p2, p1  }
0x29: {  	s19 =	ssub.s32 @!p1 s21, s19;
	s18 =	simm.s32 @p2 $0x50;
	p2 =	sgt.s32 @!p1 s22, $0x0  }
0x2a: {  	s20 =	ssub.s32 @!p1 $0x4, s20;
	s21 =	sadd.s32 @!p1 $0xFFFFC180, s19;
	p2 =	por !p2, p1  }
0x2b: {  	s18 =	ssub.s32 @!p1 $0xD0, s18;
	s20 =	simm.s32 @!p2 $0x0;
	p2 =	sgt.s32 @!p1 s21, $0x7F  }
0x2c: {  	s19 =	ssub.s32 @!p1 $0x3F00, s19;
	s18 =	smul.u32 @!p1 s18, s20;
	p2 =	por !p2, p1  }
0x2d: {  	s23 =	smov.u32 s16;
	s21 =	sadd.s32 $0x200, s15;
	s19 =	simm.s32 @!p2 $0x0  }
0x2e: {  	p2 =	sgt.s32 s21, $0x3EFF;
	s18 =	smul.u32 @!p1 s19, s18;
	s19 =	sadd.s32 $0x4, s16  }
0x2f: {  	s25 =	sadd.s32 $0x1, s17;
	s23 =	smov.u32 @p2 s19  }
0x30: {  	p0 =	por !p0, !p0;
	s21 =	smov.u32 @p2 s3;
	p2 =	sgt.s32 s23, $0x3  }
0x31: {  	s22 =	simm.s32 @!p1 $0x2;
	s23 =	smov.u32 @p2 s5;
	p2 =	sne.s32 s17, s10  }
.Ltmp1:
0x32: {  	s20 =	smov.u32 s14;
	s14 =	smov.u32 s16;
	(pc) =	sbr.rel @!p2 .LBB1_6-.Ltmp1, $4  }
0x33: {  	s19 =	smov.u32 s13;
	s13 =	smov.u32 s15;
	s18 =	sand.u32 @!p1 $0x3FFFFFFF, s18  }
0x34: {  	s15 =	smov.u32 s21;
	_ =	swait.ge @!p1 [sflag:s22], s18;
	s24 =	ssub.s32 @!p1 $0x0, s18  }
0x35: {  	s18 =	smov.u32 s12;
	s12 =	smov.u32 s6;
	[sflag:s22] =	ssyncset.done @!p1 $0x0  }
0x36: {  	s17 =	smov.u32 s25;
	s16 =	smov.u32 s23;
	[sflag:s22] =	ssyncadd.s32 @!p1 s24  }
.LBB1_1:
0x37: {  	p1 =	sge.u32 s17, s8  }
0x38: {  	s21 =	sshll.u32 @!p1 s15, $0x8  }
0x39: {  	s22 =	sshll.u32 @!p1 s15, $0x7;
	s21 =	sand.u32 @!p1 $0xFFFFF800, s21  }
0x3a: {  	s22 =	sand.u32 @!p1 $0x300, s22;
	s21 =	sor.u32 @!p1 s9, s21  }
0x3b: {  	s21 =	sor.u32 @!p1 s22, s21  }
0x3c: {  	s21 =	sshrl.u32 @!p1 s21, $0x8  }
0x3d: {  	s22 =	smulhi.u32 @!p1 $0x820821, s21;
	_ =	sdelay $0x1  }
0x3e: {  	s22 =	sshrl.u32 @!p1 s22, $0x5  }
0x3f: {  	s22 =	smul.u32 @!p1 $0x3F00, s22  }
0x40: {  	s31 =	sadd.s32 $0xFFFFFFFF, s17;
	s23 =	smul.u32 @!p1 $0x7E000, s16  }
0x41: {  	s24 =	sxor.u32 @!p1 $0xFFFFFFFF, s17;
	s21 =	ssub.s32 @!p1 s21, s22;
	s22 =	sshll.u32 @!p1 s15, $0x4  }
0x42: {  	s24 =	sshll.u32 @!p1 s24, $0xE;
	s23 =	sadd.s32 @!p1 s2, s23;
	s22 =	sand.u32 @!p1 $0x10, s22  }
0x43: {  	s24 =	sand.u32 @!p1 $0x4000, s24;
	s21 =	sshll.u32 @!p1 s21, $0x5;
	s22 =	sadd.s32 @!p1 s22, s23  }
0x44: {  	s23 =	simm.s32 @!p1 $0x800;
	s21 =	sadd.s32 @!p1 s21, s22;
	s22 =	simm.s32 @!p1 $0x400  }
0x45: {  	[tilespmem:s24], [sflag:$0x1] =	stream.strided.gather @!p1 [hbm4b:s21+s22], $0x4000, s23, s22, $0x38;
	[tilespmem:$0x10100] =	vst v63  }
0x46: {  	p1 =	sge.u32 s31, s8  }
.Ltmp2:
0x47: {  	_ = 	snop;
	(pc) =	sbr.rel @p1 .LBB1_5-.Ltmp2, $1  }
0x48: {  	_ =	sdelay $0x3  }
0x49: {  	s21 =	simm.s32 $0x1  }
0x4a: {  	_ =	swait.ge [sflag:s7], $0x4000;
	s21 =	simm.s32 @!p0 $0x0  }
0x4b: {  	[sflag:s7] =	ssyncset.done $0x0;
	s22 =	sshll.u32 s21, $0xE  }
0x4c: {  	[sflag:s7] =	ssyncadd.s32 $0xFFFFC000;
	s22 =	sor.u32 $0x40, s22  }
0x4d: {  	s21 =	smul.u32 $0x10200, s21;
	v0 =	vld [tilespmem:s22+$0x30]  }
0x4e: {  	v1 =	vld [tilespmem:s22+$0xFFFFFFD0]  }
0x4f: {  	s21 =	sshrl.u32 s21, $0x2;
	v5 =	vld [tilespmem:s22+$0xFFFFFFE0]  }
0x50: {  	v6 =	vld [tilespmem:s22+$0xFFFFFFF0];
	s24 =	sor.u32 $0x8000, s21  }
0x51: {  	s31 =	sand.u32 $0x1, s17;
	v4 =	vld [tilespmem:s22+$0x0];
	s23 =	sadd.s32 $0x0, s24  }
0x52: {  	v3 =	vld [tilespmem:s22+$0x10];
	s21 =	smul.u32 $0x10200, s31;
	[tilespmem:s23+$0x3870 ss:$0x81] =	vst.msk $0xffff, v0  }
0x53: {  	v2 =	vld [tilespmem:s22+$0x20];
	[tilespmem:s23+$0x810 ss:$0x81] =	vst.msk $0xffff, v1  }
0x54: {  	s21 =	sshrl.u32 s21, $0x2;
	v1 =	vld [tilespmem:s22+$0xFFFFFFC0];
	[tilespmem:s23+$0x1020 ss:$0x81] =	vst.msk $0xffff, v5;
	s22 =	sadd.s32 $0x80, s22  }
0x55: {  	s25 =	simm.s32 $0x4;
	s26 =	simm.s32 $0x8;
	s21 =	sor.u32 $0x8000, s21;
	[tilespmem:s23+$0x1830 ss:$0x81] =	vst.msk $0xffff, v6;
	v0 =	vld [tilespmem:s22+$0x30]  }
.LBB1_3:
0x56: {  	p1 =	sne.s32 s26, $0x1FC;
	v5 =	vld [tilespmem:s22+$0xFFFFFFD0];
	[tilespmem:s23+$0x2040 ss:$0x81] =	vst.msk $0xffff, v4  }
0x57: {  	v6 =	vld [tilespmem:s22+$0xFFFFFFE0];
	[tilespmem:s23+$0x2850 ss:$0x81] =	vst.msk $0xffff, v3  }
0x58: {  	s27 =	sshra.s32 s25, $0x2;
	s25 =	smov.u32 s26;
	v7 =	vld [tilespmem:s22+$0xFFFFFFF0];
	[tilespmem:s23+$0x3060 ss:$0x81] =	vst.msk $0xffff, v2  }
.Ltmp3:
0x59: {  	v4 =	vld [tilespmem:s22+$0x0];
	[tilespmem:s23+$0x0 ss:$0x81] =	vst.msk $0xffff, v1;
	s23 =	sadd.s32 s27, s24;
	(pc) =	sbr.rel @p1 .LBB1_3-.Ltmp3, $4  }
0x5a: {  	v3 =	vld [tilespmem:s22+$0x10];
	[tilespmem:s23+$0x3870 ss:$0x81] =	vst.msk $0xffff, v0  }
0x5b: {  	[tilespmem:s23+$0x810 ss:$0x81] =	vst.msk $0xffff, v5;
	v2 =	vld [tilespmem:s22+$0x20]  }
0x5c: {  	v1 =	vld [tilespmem:s22+$0xFFFFFFC0];
	[tilespmem:s23+$0x1020 ss:$0x81] =	vst.msk $0xffff, v6;
	s22 =	sadd.s32 $0x80, s22  }
0x5d: {  	s26 =	sadd.s32 $0x4, s26;
	v0 =	vld [tilespmem:s22+$0x30];
	[tilespmem:s23+$0x1830 ss:$0x81] =	vst.msk $0xffff, v7  }
.Ltmp4:
0x5e: {  	_ = 	snop;
	(pc) =	sbr.rel .LBB1_4-.Ltmp4, $1  }
0x5f: {  	_ =	sdelay $0x3  }
.LBB1_6:
0x60: {  	_ =	sfence.sel $0x180000  }
0x61: {  	s2 =	simm.s32 $0x1;
	[bflag:$0x0] =	sbarrier.arrive $0xFFFF  }
0x62: {  	s31 =	simm.s32 $0x2;
	[sflag:s2] =	ssyncpa.u1 $0x1  }
0x63: {  	[sflag:s31] =	ssyncpa.u1 $0x1  }
0x64: {  	p0 =	sne.s32 s1, $0x0;
	_ =	strace $0x90000047  }
0x65: {  	s0 =	sadd.s32 @!p0 $0x100000, s0;
	[bflag:$0x2] =	sbarrier.arrive $0xFFFF  }
0x66: {  	[sflag:s0] =	ssyncadd.tile.s32 @!p0 $0x1;
	_ =	shalt  }
.Lfunc_end1:
_tile_overlayer_lowered:
.L_overlay_start_2:
0x67: {  	(tag) =	ssettag $0x2  }
0x68: {  	s0 =	rddreg [dreg:$0x0];
	s2 =	stileid.u32  }
0x69: {  	s1 =	rddreg [dreg:$0x1];
	p0 =	sne.s32 s2, $0x0  }
0x6a: {  	s3 =	rddreg [dreg:$0x2];
	[bflag:$0x3] =	sbarrier.arrive $0xFFFF;
	s2 =	simm.s32 @!p0 $0x1C01  }
0x6b: {  	[timem:s3], [sflag:s2] =	dma.local @!p0 [hbm:s0], s1  }
0x6c: {  	s0 =	simm.s32 @!p0 $0x1  }
0x6d: {  	_ =	swait.ge @!p0 [sflag:s0], s1  }
0x6e: {  	s1 =	ssub.s32 @!p0 $0x0, s1;
	[sflag:s0] =	ssyncset.done @!p0 $0x0  }
0x6f: {  	[sflag:s0] =	ssyncadd.s32 @!p0 s1  }
0x70: {  	[bflag:$0x3] =	sbarrier.arrive $0xFFFF  }
0x71: {  	_ =	shalt  }

</sc_bundles>
